<compile_context>
chip_gen: v7x
topology: tpu7x:2x2x1
jax: 0.10.2.dev20260603
libtpu: 0.0.44.dev20260713+nightly
codegen_flags: <defaults>
</compile_context>

<pallas_src>
import jax
import jax.numpy as jnp
from jax import lax
from jax.experimental import pallas as pl
from jax.experimental.pallas import tpu as pltpu
from jax.experimental.pallas import tpu_sc as plsc

B, H, W, K, C = 2, 512, 512, 8, 5
NROW = B * H
NW = 32
RPW = NROW // NW
_NC = 2

TEXR = C * K * W
ZR = K * W
IMGR = 4 * W
HUMR = K * 4 * W

HUMR = K * 4 * 4 * 128
SLAB = 4 * 8 * 128


def _body(tex_hbm, zb_hbm, img_hbm, dep_hbm, lab_hbm, hum_hbm,
          tex_v, zb_v, img_v, hum_v, dep_v, lab_v, wspm,
          s_tex0, s_tex1, s_zb0, s_zb1, s_img0, s_img1,
          s_hum0, s_hum1, s_hum2, s_dep0, s_dep1, s_lab0, s_lab1,
          s_fil0, s_fil1, s_fil2):
    sid = lax.axis_index("s")
    wid = sid * _NC + lax.axis_index("c")
    row0 = wid * RPW
    lanes = lax.iota(jnp.int32, 16)
    one = jnp.ones((16,), jnp.float32)
    zero = jnp.zeros((16,), jnp.float32)
    s_tex = (s_tex0, s_tex1)
    s_zb = (s_zb0, s_zb1)
    s_img = (s_img0, s_img1)
    s_hum = (s_hum0, s_hum1, s_hum2)
    s_dep = (s_dep0, s_dep1)
    s_lab = (s_lab0, s_lab1)
    s_fil = (s_fil0, s_fil1, s_fil2)
    hum_vg = hum_v.at[pl.ds(128, 3 * HUMR - 128)]
    hum_vb = hum_v.at[pl.ds(256, 3 * HUMR - 256)]
    hum_va = hum_v.at[pl.ds(384, 3 * HUMR - 384)]

    def winit(q, _):
        o = q * 512
        for c in range(3):
            for i in range(8):
                hum_v[pl.ds(o + c * 128 + i * 16, 16)] = one
        for i in range(8):
            hum_v[pl.ds(o + 384 + i * 16, 16)] = zero
        return 0
    lax.fori_loop(0, K * 4, winit, 0)

    @pl.when(sid == 0)
    def _():
        pltpu.sync_copy(hum_v.at[pl.ds(0, HUMR)], wspm)
    plsc.subcore_barrier()

    def fill_copies(bv):
        return [pltpu.make_async_copy(
            wspm, hum_v.at[pl.ds(bv * HUMR, HUMR)], s_fil[bv])]

    def in_copies(i, pb):
        r = row0 + i
        t = pltpu.make_async_copy(
            tex_hbm.at[pl.ds(r * TEXR, TEXR)],
            tex_v.at[pl.ds(pb * TEXR, TEXR)], s_tex[pb])
        z = pltpu.make_async_copy(
            zb_hbm.at[pl.ds(r * ZR, ZR)],
            zb_v.at[pl.ds(pb * ZR, ZR)], s_zb[pb])
        return t, z

    for pb in (0, 1):
        t, z = in_copies(pb, pb)
        t.start()
        z.start()
    for co in fill_copies(0):
        co.start()

    def row_body(i, pb):
        sb = (i >> 3) & 1
        tco, zco = in_copies(i, pb)
        tco.wait()
        zco.wait()

        @pl.when(i >= 2)
        def _():
            pltpu.make_async_copy(
                img_v.at[pl.ds(pb * IMGR, IMGR)],
                img_hbm.at[pl.ds((row0 + i - 2) * IMGR, IMGR)],
                s_img[pb]).wait()

        b_next = (i + 1) % 3
        for bv in range(3):
            @pl.when((b_next == bv) & (i >= 2))
            def _(bv=bv):
                pltpu.make_async_copy(
                    hum_v.at[pl.ds(bv * HUMR, HUMR)],
                    hum_hbm.at[pl.ds((row0 + i - 2) * HUMR, HUMR)],
                    s_hum[bv]).wait()

            @pl.when((b_next == bv) & (i + 1 < RPW))
            def _(bv=bv):
                for co in fill_copies(bv):
                    co.start()

        bm = i % 3
        for bv in range(3):
            @pl.when(bm == bv)
            def _(bv=bv):
                for co in fill_copies(bv):
                    co.wait()

        for sbv in (0, 1):
            @pl.when(((i & 7) == 0) & (i >= 16) & (sb == sbv))
            def _(sbv=sbv):
                so = (row0 + i - 16) >> 3
                pltpu.make_async_copy(
                    dep_v.at[pl.ds(sbv * SLAB, SLAB)],
                    dep_hbm.at[pl.ds(so * SLAB, SLAB)], s_dep[sbv]).wait()
                pltpu.make_async_copy(
                    lab_v.at[pl.ds(sbv * SLAB, SLAB)],
                    lab_hbm.at[pl.ds(so * SLAB, SLAB)], s_lab[sbv]).wait()

        tb = pb * TEXR
        zb = pb * ZR
        ib = pb * IMGR
        hb = bm * HUMR
        db = sb * SLAB + (i & 7) * 128

        def pair_body(p, _):
            g = p * 2
            j = g >> 3
            t = g & 7
            go = j * 1024 + t * 16
            igo = ib + j * 512 + t * 16
            hgo = hb + j * 512 + t * 16
            vhum0 = jnp.full((16,), hgo, jnp.int32) + lanes
            vhum1 = vhum0 + 16
            d_i = jnp.full((16,), 100.0, jnp.float32)
            l_i = jnp.full((16,), float(K), jnp.float32)

            def k_body(kk, st):
                (r0, g0, b0, a0, d0, l0, r1, g1, b1, a1, d1, l1) = st
                o = tb + go + (7 - kk) * 128
                zo = zb + go + (7 - kk) * 128
                out = []
                for (off, vhum, r_c, g_c, b_c, a_c, d_c, l_c) in (
                        (0, vhum0, r0, g0, b0, a0, d0, l0),
                        (16, vhum1, r1, g1, b1, a1, d1, l1)):
                    rr = tex_v[pl.ds(o + off, 16)]
                    gg = tex_v[pl.ds(o + off + 4096, 16)]
                    bb = tex_v[pl.ds(o + off + 8192, 16)]
                    a = tex_v[pl.ds(o + off + 12288, 16)]
                    lab = tex_v[pl.ds(o + off + 16384, 16)]
                    z = zb_v[pl.ds(zo + off, 16)]
                    om = one - a
                    r_c = rr * a + r_c * om
                    g_c = gg * a + g_c * om
                    b_c = bb * a + b_c * om
                    a_c = jnp.maximum(a, a_c)
                    d_c = jnp.where(z > 0.0, z * a + d_c * om, d_c)
                    lvalid = z >= 0.0
                    l_c = jnp.where(lvalid & (a > 0.5), lab, l_c)
                    n = lab.astype(jnp.int32)
                    hidx = (n << 11) + vhum
                    plsc.store_scatter(hum_v, [hidx], rr * a + om, mask=lvalid)
                    plsc.store_scatter(hum_vg, [hidx], gg * a + om, mask=lvalid)
                    plsc.store_scatter(hum_vb, [hidx], bb * a + om, mask=lvalid)
                    plsc.store_scatter(hum_va, [hidx], a, mask=lvalid)
                    out.extend([r_c, g_c, b_c, a_c, d_c, l_c])
                return tuple(out)

            st = lax.fori_loop(
                0, K, k_body,
                (one, one, one, zero, d_i, l_i, one, one, one, zero, d_i, l_i))
            (r0, g0, b0, a0, d0, l0, r1, g1, b1, a1, d1, l1) = st
            neg1 = jnp.full((16,), -1.0, jnp.float32)
            l0 = jnp.where(l0 > (K - 0.5), neg1, l0)
            l1 = jnp.where(l1 > (K - 0.5), neg1, l1)
            img_v[pl.ds(igo, 16)] = r0
            img_v[pl.ds(igo + 16, 16)] = r1
            img_v[pl.ds(igo + 128, 16)] = g0
            img_v[pl.ds(igo + 144, 16)] = g1
            img_v[pl.ds(igo + 256, 16)] = b0
            img_v[pl.ds(igo + 272, 16)] = b1
            img_v[pl.ds(igo + 384, 16)] = a0
            img_v[pl.ds(igo + 400, 16)] = a1
            dgo = db + j * 1024 + t * 16
            dep_v[pl.ds(dgo, 16)] = d0
            dep_v[pl.ds(dgo + 16, 16)] = d1
            lab_v[pl.ds(dgo, 16)] = l0.astype(jnp.int32)
            lab_v[pl.ds(dgo + 16, 16)] = l1.astype(jnp.int32)
            return 0
        lax.fori_loop(0, 16, pair_body, 0)

        r = row0 + i
        pltpu.make_async_copy(
            img_v.at[pl.ds(ib, IMGR)],
            img_hbm.at[pl.ds(r * IMGR, IMGR)], s_img[pb]).start()
        for bv in range(3):
            @pl.when(bm == bv)
            def _(bv=bv):
                pltpu.make_async_copy(
                    hum_v.at[pl.ds(bv * HUMR, HUMR)],
                    hum_hbm.at[pl.ds(r * HUMR, HUMR)], s_hum[bv]).start()

        for sbv in (0, 1):
            @pl.when(((i & 7) == 7) & (sb == sbv))
            def _(sbv=sbv):
                so = r >> 3
                pltpu.make_async_copy(
                    dep_v.at[pl.ds(sbv * SLAB, SLAB)],
                    dep_hbm.at[pl.ds(so * SLAB, SLAB)], s_dep[sbv]).start()
                pltpu.make_async_copy(
                    lab_v.at[pl.ds(sbv * SLAB, SLAB)],
                    lab_hbm.at[pl.ds(so * SLAB, SLAB)], s_lab[sbv]).start()

        @pl.when(i + 2 < RPW)
        def _():
            tn, zn = in_copies(i + 2, pb)
            tn.start()
            zn.start()

    @pl.loop(0, RPW, step=2)
    def _(i):
        for pb in range(2):
            row_body(i + pb, pb)

    for i in (RPW - 2, RPW - 1):
        pb = i & 1
        bv = i % 3
        pltpu.make_async_copy(
            img_v.at[pl.ds(pb * IMGR, IMGR)],
            img_hbm.at[pl.ds((row0 + i) * IMGR, IMGR)], s_img[pb]).wait()
        pltpu.make_async_copy(
            hum_v.at[pl.ds(bv * HUMR, HUMR)],
            hum_hbm.at[pl.ds((row0 + i) * HUMR, HUMR)], s_hum[bv]).wait()
    for sb, i in ((0, RPW - 16), (1, RPW - 8)):
        so = (row0 + i) >> 3
        pltpu.make_async_copy(
            dep_v.at[pl.ds(sb * SLAB, SLAB)],
            dep_hbm.at[pl.ds(so * SLAB, SLAB)], s_dep[sb]).wait()
        pltpu.make_async_copy(
            lab_v.at[pl.ds(sb * SLAB, SLAB)],
            lab_hbm.at[pl.ds(so * SLAB, SLAB)], s_lab[sb]).wait()


@jax.jit
def _run(tex, zb):
    mesh = plsc.VectorSubcoreMesh(core_axis_name="c", subcore_axis_name="s")
    f = pl.kernel(
        _body,
        out_type=[
            jax.ShapeDtypeStruct((NROW * IMGR,), jnp.float32),
            jax.ShapeDtypeStruct((NROW * W,), jnp.float32),
            jax.ShapeDtypeStruct((NROW * W,), jnp.int32),
            jax.ShapeDtypeStruct((NROW * HUMR,), jnp.float32),
        ],
        mesh=mesh,
        compiler_params=pltpu.CompilerParams(needs_layout_passes=False),
        scratch_types=[
            pltpu.VMEM((2 * TEXR,), jnp.float32),
            pltpu.VMEM((2 * ZR,), jnp.float32),
            pltpu.VMEM((2 * IMGR,), jnp.float32),
            pltpu.VMEM((3 * HUMR,), jnp.float32),
            pltpu.VMEM((2 * SLAB,), jnp.float32),
            pltpu.VMEM((2 * SLAB,), jnp.int32),
            pltpu.VMEM_SHARED((HUMR,), jnp.float32),
        ] + [pltpu.SemaphoreType.DMA] * 16,
    )
    return f(tex, zb)


def kernel(texels, zbuf):
    tex = (texels.reshape(B, H, 4, 128, K, C)
           .transpose(0, 1, 5, 2, 4, 3)
           .reshape(NROW * TEXR))
    zb = (zbuf.reshape(B, H, 4, 128, K)
          .transpose(0, 1, 2, 4, 3)
          .reshape(NROW * ZR))
    img, dep, lab, hum = _run(tex, zb)
    img = (img.reshape(B, H, 4, 4, 128)
           .transpose(0, 1, 2, 4, 3)
           .reshape(B, H, W, 4))
    dep = (dep.reshape(B, H // 8, 4, 8, 128)
           .transpose(0, 1, 3, 2, 4)
           .reshape(B, H, W))
    lab = (lab.reshape(B, H // 8, 4, 8, 128)
           .transpose(0, 1, 3, 2, 4)
           .reshape(B, H, W))
    hum = (hum.reshape(B, H, K, 4, 4, 128)
           .transpose(0, 1, 3, 5, 2, 4)
           .reshape(B, H, W, K, 4))
    return (img, dep, lab.astype(jnp.int64), hum)

# --- scband reference (transcript-rebuilt; emitter-appended) ---
"""Pipeline reference for scband-human-composer3-d-86500641341770 (READ-ONLY COPY).

The authoritative reference and input builder live on the scoring server;
editing this copy changes nothing except your own understanding.
"""

import jax, jax.numpy as jnp
import numpy as np

B, H, W, K = 2, 512, 512, 8
BKG = (1.0, 1.0, 1.0)


def setup_inputs(seed: int = 0) -> dict:
    key = jax.random.key(seed)
    k1, k2, k3 = jax.random.split(key, 3)
    colors = jax.random.uniform(k1, (B, H, W, K, 4), dtype=jnp.float32)
    labels = jax.random.randint(k2, (B, H, W, K), 0, K).astype(jnp.float32)
    texels = jnp.concatenate([colors, labels[..., None]], axis=-1)
    zbuf = jax.random.normal(k3, (B, H, W, K), dtype=jnp.float32)
    return {"texels": texels, "zbuf": zbuf}


def _raster_each_labeled_human(texels, zbuf):
    pixel_colors = texels[..., :4]
    pixel_labels = jnp.round(texels[..., 4]).astype(jnp.int32)
    pixel_labels = jnp.where(zbuf < 0, -1, pixel_labels)
    Bs, Hs, Ws, Ks, C = pixel_colors.shape
    N = Ks
    label_range = jnp.arange(N)
    # label_hit: [B,H,W,K+1,N]; sentinel row K is all-True (maps to void color)
    hit = pixel_labels[..., None] == label_range.reshape(1, 1, 1, 1, N)
    label_hit = jnp.concatenate(
        [hit, jnp.ones((Bs, Hs, Ws, 1, N), dtype=bool)], axis=3)
    first_indices = jnp.argmax(label_hit.astype(jnp.int32), axis=3)  # [B,H,W,N]
    pixel_colors_with_void = jnp.concatenate(
        [pixel_colors, jnp.zeros((Bs, Hs, Ws, 1, C), dtype=pixel_colors.dtype)], axis=3)
    gathered = jnp.take_along_axis(
        pixel_colors_with_void, first_indices[..., None], axis=3)  # [B,H,W,N,C]
    # scatter-overwrite into per-label image stack
    human_images = jnp.zeros((Bs, Hs, Ws, N, C), dtype=pixel_colors.dtype)
    human_images = human_images.at[:, :, :, label_range, :].set(gathered)
    human_color = human_images[..., :3]
    human_alpha = human_images[..., 3:4]
    bkg = jnp.array(BKG, dtype=human_color.dtype)
    rgb = human_color * human_alpha + bkg * (1.0 - human_alpha)
    return jnp.concatenate([rgb, human_alpha], axis=-1)


def reference(texels, zbuf):
    pixel_colors = texels[..., :4]
    pixel_labels = texels[..., 4]
    pixel_labels = jnp.where(zbuf < 0, jnp.nan, pixel_labels)
    Bs, Hs, Ws, Ks, _ = pixel_colors.shape
    composite_image = jnp.concatenate([
        jnp.full((Bs, Hs, Ws, 1), BKG[0], dtype=pixel_colors.dtype),
        jnp.full((Bs, Hs, Ws, 1), BKG[1], dtype=pixel_colors.dtype),
        jnp.full((Bs, Hs, Ws, 1), BKG[2], dtype=pixel_colors.dtype),
        jnp.zeros((Bs, Hs, Ws, 1), dtype=pixel_colors.dtype)], axis=-1)
    composite_depth = jnp.full((Bs, Hs, Ws), 100.0, dtype=zbuf.dtype)
    composite_label = jnp.full((Bs, Hs, Ws), float(Ks), dtype=pixel_labels.dtype)
    for k in range(Ks - 1, -1, -1):
        layer_color = pixel_colors[..., k, :3]
        layer_alpha = pixel_colors[..., k, 3]
        layer_depth = zbuf[..., k]
        layer_label = pixel_labels[..., k]
        depth_valid = layer_depth > 0
        label_valid = jnp.isfinite(layer_label)
        new_rgb = layer_color * layer_alpha[..., None] + composite_image[..., :3] * (1.0 - layer_alpha[..., None])
        new_a = jnp.maximum(layer_alpha, composite_image[..., 3])
        composite_image = jnp.concatenate([new_rgb, new_a[..., None]], axis=-1)
        composite_depth = jnp.where(
            depth_valid,
            layer_depth * layer_alpha + composite_depth * (1.0 - layer_alpha),
            composite_depth)
        composite_label = jnp.where(
            label_valid,
            jnp.where(layer_alpha > 0.5, layer_label, composite_label),
            composite_label)
    human_images = _raster_each_labeled_human(texels, zbuf)
    composite_label = jnp.where(composite_label > Ks - 0.5, -1.0, composite_label)
    return (composite_image, composite_depth,
            jnp.round(composite_label).astype(jnp.int64), human_images)

if __name__ == "__main__":
    import jax
    _d = setup_inputs()
    print(jax.jit(kernel)(*tuple(_d.values())))

</pallas_src>

<mosaic_0001>
#map = affine_map<(d0, d1) -> (0)>
module attributes {stable_mosaic.version = 14 : i64} {
  func.func @_body(%arg0: i32, %arg1: i32, %arg2: memref<20971520xf32, #tpu.memory_space<hbm>>, %arg3: memref<4194304xf32, #tpu.memory_space<hbm>>, %arg4: memref<2097152xf32, #tpu.memory_space<hbm>>, %arg5: memref<524288xf32, #tpu.memory_space<hbm>>, %arg6: memref<524288xi32, #tpu.memory_space<hbm>>, %arg7: memref<16777216xf32, #tpu.memory_space<hbm>>, %arg8: memref<40960xf32, #tpu.memory_space<vmem>>, %arg9: memref<8192xf32, #tpu.memory_space<vmem>>, %arg10: memref<4096xf32, #tpu.memory_space<vmem>>, %arg11: memref<49152xf32, #tpu.memory_space<vmem>>, %arg12: memref<8192xf32, #tpu.memory_space<vmem>>, %arg13: memref<8192xi32, #tpu.memory_space<vmem>>, %arg14: memref<16384xf32, #tpu.memory_space<vmem_shared>>, %arg15: memref<!tpu.dma_semaphore, #tpu.memory_space<semaphore_mem>>, %arg16: memref<!tpu.dma_semaphore, #tpu.memory_space<semaphore_mem>>, %arg17: memref<!tpu.dma_semaphore, #tpu.memory_space<semaphore_mem>>, %arg18: memref<!tpu.dma_semaphore, #tpu.memory_space<semaphore_mem>>, %arg19: memref<!tpu.dma_semaphore, #tpu.memory_space<semaphore_mem>>, %arg20: memref<!tpu.dma_semaphore, #tpu.memory_space<semaphore_mem>>, %arg21: memref<!tpu.dma_semaphore, #tpu.memory_space<semaphore_mem>>, %arg22: memref<!tpu.dma_semaphore, #tpu.memory_space<semaphore_mem>>, %arg23: memref<!tpu.dma_semaphore, #tpu.memory_space<semaphore_mem>>, %arg24: memref<!tpu.dma_semaphore, #tpu.memory_space<semaphore_mem>>, %arg25: memref<!tpu.dma_semaphore, #tpu.memory_space<semaphore_mem>>, %arg26: memref<!tpu.dma_semaphore, #tpu.memory_space<semaphore_mem>>, %arg27: memref<!tpu.dma_semaphore, #tpu.memory_space<semaphore_mem>>, %arg28: memref<!tpu.dma_semaphore, #tpu.memory_space<semaphore_mem>>, %arg29: memref<!tpu.dma_semaphore, #tpu.memory_space<semaphore_mem>>, %arg30: memref<!tpu.dma_semaphore, #tpu.memory_space<semaphore_mem>>) attributes {dimension_semantics = [#tpu.dimension_semantics<core_parallel>, #tpu.dimension_semantics<subcore_parallel>], iteration_bounds = array<i64: 2, 16>, scalar_prefetch = 0 : i64, scratch_operands = 23 : i64, tpu.core_type = #tpu.core_type<sc_vector_subcore>, window_params = [{transform_indices = #map}, {transform_indices = #map}, {transform_indices = #map}, {transform_indices = #map}, {transform_indices = #map}, {transform_indices = #map}]} {
    %mul3A = arith.constant 2 : i32
    %mul3A_0 = arith.muli %arg1, %mul3A : i32
    %add3A = arith.addi %mul3A_0, %arg0 : i32
    %mul3A_1 = arith.constant 32 : i32
    %mul3A_2 = arith.muli %add3A, %mul3A_1 : i32
    %iota3A = tpu.iota {dimensions = array<i32: 0>} : vector<16xi32>
    %broadcast_in_dim3A = arith.constant 1.000000e+00 : f32
    %broadcast_in_dim3A_3 = vector.broadcast %broadcast_in_dim3A : f32 to vector<16xf32>
    %broadcast_in_dim3A_4 = arith.constant 0.000000e+00 : f32
    %broadcast_in_dim3A_5 = vector.broadcast %broadcast_in_dim3A_4 : f32 to vector<16xf32>
    %scan3A = arith.constant 0 : i32
    %scan3A_6 = arith.constant 0 : i32
    %scan3A_7 = arith.constant 32 : i32
    %scan3A_8 = arith.addi %scan3A_6, %scan3A_7 : i32
    %scan3A_9 = arith.constant 1 : i32
    %scan3A_10 = scf.for %scan3A_136 = %scan3A_6 to %scan3A_8 step %scan3A_9 iter_args(%scan3A_137 = %scan3A) -> (i32)  : i32 {
      %mul3A_138 = arith.constant 512 : i32
      %mul3A_139 = arith.muli %scan3A_136, %mul3A_138 : i32
      %add3A_140 = arith.constant 0 : i32
      %add3A_141 = arith.addi %mul3A_139, %add3A_140 : i32
      %add3A_142 = arith.constant 0 : i32
      %add3A_143 = arith.addi %add3A_141, %add3A_142 : i32
      %swap3A = arith.index_cast %add3A_143 : i32 to index
      %swap3A_144 = tpu.vector_load %arg11[%swap3A] {strides = array<i32>} : memref<49152xf32, #tpu.memory_space<vmem>>, vector<16xf32>,
      tpu.vector_store %arg11[%swap3A], %broadcast_in_dim3A_3 {strides = array<i32>} : memref<49152xf32, #tpu.memory_space<vmem>>, vector<16xf32>,
      %add3A_145 = arith.constant 0 : i32
      %add3A_146 = arith.addi %mul3A_139, %add3A_145 : i32
      %add3A_147 = arith.constant 16 : i32
      %add3A_148 = arith.addi %add3A_146, %add3A_147 : i32
      %swap3A_149 = arith.index_cast %add3A_148 : i32 to index
      %swap3A_150 = tpu.vector_load %arg11[%swap3A_149] {strides = array<i32>} : memref<49152xf32, #tpu.memory_space<vmem>>, vector<16xf32>,
      tpu.vector_store %arg11[%swap3A_149], %broadcast_in_dim3A_3 {strides = array<i32>} : memref<49152xf32, #tpu.memory_space<vmem>>, vector<16xf32>,
      %add3A_151 = arith.constant 0 : i32
      %add3A_152 = arith.addi %mul3A_139, %add3A_151 : i32
      %add3A_153 = arith.constant 32 : i32
      %add3A_154 = arith.addi %add3A_152, %add3A_153 : i32
      %swap3A_155 = arith.index_cast %add3A_154 : i32 to index
      %swap3A_156 = tpu.vector_load %arg11[%swap3A_155] {strides = array<i32>} : memref<49152xf32, #tpu.memory_space<vmem>>, vector<16xf32>,
      tpu.vector_store %arg11[%swap3A_155], %broadcast_in_dim3A_3 {strides = array<i32>} : memref<49152xf32, #tpu.memory_space<vmem>>, vector<16xf32>,
      %add3A_157 = arith.constant 0 : i32
      %add3A_158 = arith.addi %mul3A_139, %add3A_157 : i32
      %add3A_159 = arith.constant 48 : i32
      %add3A_160 = arith.addi %add3A_158, %add3A_159 : i32
      %swap3A_161 = arith.index_cast %add3A_160 : i32 to index
      %swap3A_162 = tpu.vector_load %arg11[%swap3A_161] {strides = array<i32>} : memref<49152xf32, #tpu.memory_space<vmem>>, vector<16xf32>,
      tpu.vector_store %arg11[%swap3A_161], %broadcast_in_dim3A_3 {strides = array<i32>} : memref<49152xf32, #tpu.memory_space<vmem>>, vector<16xf32>,
      %add3A_163 = arith.constant 0 : i32
      %add3A_164 = arith.addi %mul3A_139, %add3A_163 : i32
      %add3A_165 = arith.constant 64 : i32
      %add3A_166 = arith.addi %add3A_164, %add3A_165 : i32
      %swap3A_167 = arith.index_cast %add3A_166 : i32 to index
      %swap3A_168 = tpu.vector_load %arg11[%swap3A_167] {strides = array<i32>} : memref<49152xf32, #tpu.memory_space<vmem>>, vector<16xf32>,
      tpu.vector_store %arg11[%swap3A_167], %broadcast_in_dim3A_3 {strides = array<i32>} : memref<49152xf32, #tpu.memory_space<vmem>>, vector<16xf32>,
      %add3A_169 = arith.constant 0 : i32
      %add3A_170 = arith.addi %mul3A_139, %add3A_169 : i32
      %add3A_171 = arith.constant 80 : i32
      %add3A_172 = arith.addi %add3A_170, %add3A_171 : i32
      %swap3A_173 = arith.index_cast %add3A_172 : i32 to index
      %swap3A_174 = tpu.vector_load %arg11[%swap3A_173] {strides = array<i32>} : memref<49152xf32, #tpu.memory_space<vmem>>, vector<16xf32>,
      tpu.vector_store %arg11[%swap3A_173], %broadcast_in_dim3A_3 {strides = array<i32>} : memref<49152xf32, #tpu.memory_space<vmem>>, vector<16xf32>,
      %add3A_175 = arith.constant 0 : i32
      %add3A_176 = arith.addi %mul3A_139, %add3A_175 : i32
      %add3A_177 = arith.constant 96 : i32
      %add3A_178 = arith.addi %add3A_176, %add3A_177 : i32
      %swap3A_179 = arith.index_cast %add3A_178 : i32 to index
      %swap3A_180 = tpu.vector_load %arg11[%swap3A_179] {strides = array<i32>} : memref<49152xf32, #tpu.memory_space<vmem>>, vector<16xf32>,
      tpu.vector_store %arg11[%swap3A_179], %broadcast_in_dim3A_3 {strides = array<i32>} : memref<49152xf32, #tpu.memory_space<vmem>>, vector<16xf32>,
      %add3A_181 = arith.constant 0 : i32
      %add3A_182 = arith.addi %mul3A_139, %add3A_181 : i32
      %add3A_183 = arith.constant 112 : i32
      %add3A_184 = arith.addi %add3A_182, %add3A_183 : i32
      %swap3A_185 = arith.index_cast %add3A_184 : i32 to index
      %swap3A_186 = tpu.vector_load %arg11[%swap3A_185] {strides = array<i32>} : memref<49152xf32, #tpu.memory_space<vmem>>, vector<16xf32>,
      tpu.vector_store %arg11[%swap3A_185], %broadcast_in_dim3A_3 {strides = array<i32>} : memref<49152xf32, #tpu.memory_space<vmem>>, vector<16xf32>,
      %add3A_187 = arith.constant 128 : i32
      %add3A_188 = arith.addi %mul3A_139, %add3A_187 : i32
      %add3A_189 = arith.constant 0 : i32
      %add3A_190 = arith.addi %add3A_188, %add3A_189 : i32
      %swap3A_191 = arith.index_cast %add3A_190 : i32 to index
      %swap3A_192 = tpu.vector_load %arg11[%swap3A_191] {strides = array<i32>} : memref<49152xf32, #tpu.memory_space<vmem>>, vector<16xf32>,
      tpu.vector_store %arg11[%swap3A_191], %broadcast_in_dim3A_3 {strides = array<i32>} : memref<49152xf32, #tpu.memory_space<vmem>>, vector<16xf32>,
      %add3A_193 = arith.constant 128 : i32
      %add3A_194 = arith.addi %mul3A_139, %add3A_193 : i32
      %add3A_195 = arith.constant 16 : i32
      %add3A_196 = arith.addi %add3A_194, %add3A_195 : i32
      %swap3A_197 = arith.index_cast %add3A_196 : i32 to index
      %swap3A_198 = tpu.vector_load %arg11[%swap3A_197] {strides = array<i32>} : memref<49152xf32, #tpu.memory_space<vmem>>, vector<16xf32>,
      tpu.vector_store %arg11[%swap3A_197], %broadcast_in_dim3A_3 {strides = array<i32>} : memref<49152xf32, #tpu.memory_space<vmem>>, vector<16xf32>,
      %add3A_199 = arith.constant 128 : i32
      %add3A_200 = arith.addi %mul3A_139, %add3A_199 : i32
      %add3A_201 = arith.constant 32 : i32
      %add3A_202 = arith.addi %add3A_200, %add3A_201 : i32
      %swap3A_203 = arith.index_cast %add3A_202 : i32 to index
      %swap3A_204 = tpu.vector_load %arg11[%swap3A_203] {strides = array<i32>} : memref<49152xf32, #tpu.memory_space<vmem>>, vector<16xf32>,
      tpu.vector_store %arg11[%swap3A_203], %broadcast_in_dim3A_3 {strides = array<i32>} : memref<49152xf32, #tpu.memory_space<vmem>>, vector<16xf32>,
      %add3A_205 = arith.constant 128 : i32
      %add3A_206 = arith.addi %mul3A_139, %add3A_205 : i32
      %add3A_207 = arith.constant 48 : i32
      %add3A_208 = arith.addi %add3A_206, %add3A_207 : i32
      %swap3A_209 = arith.index_cast %add3A_208 : i32 to index
      %swap3A_210 = tpu.vector_load %arg11[%swap3A_209] {strides = array<i32>} : memref<49152xf32, #tpu.memory_space<vmem>>, vector<16xf32>,
      tpu.vector_store %arg11[%swap3A_209], %broadcast_in_dim3A_3 {strides = array<i32>} : memref<49152xf32, #tpu.memory_space<vmem>>, vector<16xf32>,
      %add3A_211 = arith.constant 128 : i32
      %add3A_212 = arith.addi %mul3A_139, %add3A_211 : i32
      %add3A_213 = arith.constant 64 : i32
      %add3A_214 = arith.addi %add3A_212, %add3A_213 : i32
      %swap3A_215 = arith.index_cast %add3A_214 : i32 to index
      %swap3A_216 = tpu.vector_load %arg11[%swap3A_215] {strides = array<i32>} : memref<49152xf32, #tpu.memory_space<vmem>>, vector<16xf32>,
      tpu.vector_store %arg11[%swap3A_215], %broadcast_in_dim3A_3 {strides = array<i32>} : memref<49152xf32, #tpu.memory_space<vmem>>, vector<16xf32>,
      %add3A_217 = arith.constant 128 : i32
      %add3A_218 = arith.addi %mul3A_139, %add3A_217 : i32
      %add3A_219 = arith.constant 80 : i32
      %add3A_220 = arith.addi %add3A_218, %add3A_219 : i32
      %swap3A_221 = arith.index_cast %add3A_220 : i32 to index
      %swap3A_222 = tpu.vector_load %arg11[%swap3A_221] {strides = array<i32>} : memref<49152xf32, #tpu.memory_space<vmem>>, vector<16xf32>,
      tpu.vector_store %arg11[%swap3A_221], %broadcast_in_dim3A_3 {strides = array<i32>} : memref<49152xf32, #tpu.memory_space<vmem>>, vector<16xf32>,
      %add3A_223 = arith.constant 128 : i32
      %add3A_224 = arith.addi %mul3A_139, %add3A_223 : i32
      %add3A_225 = arith.constant 96 : i32
      %add3A_226 = arith.addi %add3A_224, %add3A_225 : i32
      %swap3A_227 = arith.index_cast %add3A_226 : i32 to index
      %swap3A_228 = tpu.vector_load %arg11[%swap3A_227] {strides = array<i32>} : memref<49152xf32, #tpu.memory_space<vmem>>, vector<16xf32>,
      tpu.vector_store %arg11[%swap3A_227], %broadcast_in_dim3A_3 {strides = array<i32>} : memref<49152xf32, #tpu.memory_space<vmem>>, vector<16xf32>,
      %add3A_229 = arith.constant 128 : i32
      %add3A_230 = arith.addi %mul3A_139, %add3A_229 : i32
      %add3A_231 = arith.constant 112 : i32
      %add3A_232 = arith.addi %add3A_230, %add3A_231 : i32
      %swap3A_233 = arith.index_cast %add3A_232 : i32 to index
      %swap3A_234 = tpu.vector_load %arg11[%swap3A_233] {strides = array<i32>} : memref<49152xf32, #tpu.memory_space<vmem>>, vector<16xf32>,
      tpu.vector_store %arg11[%swap3A_233], %broadcast_in_dim3A_3 {strides = array<i32>} : memref<49152xf32, #tpu.memory_space<vmem>>, vector<16xf32>,
      %add3A_235 = arith.constant 256 : i32
      %add3A_236 = arith.addi %mul3A_139, %add3A_235 : i32
      %add3A_237 = arith.constant 0 : i32
      %add3A_238 = arith.addi %add3A_236, %add3A_237 : i32
      %swap3A_239 = arith.index_cast %add3A_238 : i32 to index
      %swap3A_240 = tpu.vector_load %arg11[%swap3A_239] {strides = array<i32>} : memref<49152xf32, #tpu.memory_space<vmem>>, vector<16xf32>,
      tpu.vector_store %arg11[%swap3A_239], %broadcast_in_dim3A_3 {strides = array<i32>} : memref<49152xf32, #tpu.memory_space<vmem>>, vector<16xf32>,
      %add3A_241 = arith.constant 256 : i32
      %add3A_242 = arith.addi %mul3A_139, %add3A_241 : i32
      %add3A_243 = arith.constant 16 : i32
      %add3A_244 = arith.addi %add3A_242, %add3A_243 : i32
      %swap3A_245 = arith.index_cast %add3A_244 : i32 to index
      %swap3A_246 = tpu.vector_load %arg11[%swap3A_245] {strides = array<i32>} : memref<49152xf32, #tpu.memory_space<vmem>>, vector<16xf32>,
      tpu.vector_store %arg11[%swap3A_245], %broadcast_in_dim3A_3 {strides = array<i32>} : memref<49152xf32, #tpu.memory_space<vmem>>, vector<16xf32>,
      %add3A_247 = arith.constant 256 : i32
      %add3A_248 = arith.addi %mul3A_139, %add3A_247 : i32
      %add3A_249 = arith.constant 32 : i32
      %add3A_250 = arith.addi %add3A_248, %add3A_249 : i32
      %swap3A_251 = arith.index_cast %add3A_250 : i32 to index
      %swap3A_252 = tpu.vector_load %arg11[%swap3A_251] {strides = array<i32>} : memref<49152xf32, #tpu.memory_space<vmem>>, vector<16xf32>,
      tpu.vector_store %arg11[%swap3A_251], %broadcast_in_dim3A_3 {strides = array<i32>} : memref<49152xf32, #tpu.memory_space<vmem>>, vector<16xf32>,
      %add3A_253 = arith.constant 256 : i32
      %add3A_254 = arith.addi %mul3A_139, %add3A_253 : i32
      %add3A_255 = arith.constant 48 : i32
      %add3A_256 = arith.addi %add3A_254, %add3A_255 : i32
      %swap3A_257 = arith.index_cast %add3A_256 : i32 to index
      %swap3A_258 = tpu.vector_load %arg11[%swap3A_257] {strides = array<i32>} : memref<49152xf32, #tpu.memory_space<vmem>>, vector<16xf32>,
      tpu.vector_store %arg11[%swap3A_257], %broadcast_in_dim3A_3 {strides = array<i32>} : memref<49152xf32, #tpu.memory_space<vmem>>, vector<16xf32>,
      %add3A_259 = arith.constant 256 : i32
      %add3A_260 = arith.addi %mul3A_139, %add3A_259 : i32
      %add3A_261 = arith.constant 64 : i32
      %add3A_262 = arith.addi %add3A_260, %add3A_261 : i32
      %swap3A_263 = arith.index_cast %add3A_262 : i32 to index
      %swap3A_264 = tpu.vector_load %arg11[%swap3A_263] {strides = array<i32>} : memref<49152xf32, #tpu.memory_space<vmem>>, vector<16xf32>,
      tpu.vector_store %arg11[%swap3A_263], %broadcast_in_dim3A_3 {strides = array<i32>} : memref<49152xf32, #tpu.memory_space<vmem>>, vector<16xf32>,
      %add3A_265 = arith.constant 256 : i32
      %add3A_266 = arith.addi %mul3A_139, %add3A_265 : i32
      %add3A_267 = arith.constant 80 : i32
      %add3A_268 = arith.addi %add3A_266, %add3A_267 : i32
      %swap3A_269 = arith.index_cast %add3A_268 : i32 to index
      %swap3A_270 = tpu.vector_load %arg11[%swap3A_269] {strides = array<i32>} : memref<49152xf32, #tpu.memory_space<vmem>>, vector<16xf32>,
      tpu.vector_store %arg11[%swap3A_269], %broadcast_in_dim3A_3 {strides = array<i32>} : memref<49152xf32, #tpu.memory_space<vmem>>, vector<16xf32>,
      %add3A_271 = arith.constant 256 : i32
      %add3A_272 = arith.addi %mul3A_139, %add3A_271 : i32
      %add3A_273 = arith.constant 96 : i32
      %add3A_274 = arith.addi %add3A_272, %add3A_273 : i32
      %swap3A_275 = arith.index_cast %add3A_274 : i32 to index
      %swap3A_276 = tpu.vector_load %arg11[%swap3A_275] {strides = array<i32>} : memref<49152xf32, #tpu.memory_space<vmem>>, vector<16xf32>,
      tpu.vector_store %arg11[%swap3A_275], %broadcast_in_dim3A_3 {strides = array<i32>} : memref<49152xf32, #tpu.memory_space<vmem>>, vector<16xf32>,
      %add3A_277 = arith.constant 256 : i32
      %add3A_278 = arith.addi %mul3A_139, %add3A_277 : i32
      %add3A_279 = arith.constant 112 : i32
      %add3A_280 = arith.addi %add3A_278, %add3A_279 : i32
      %swap3A_281 = arith.index_cast %add3A_280 : i32 to index
      %swap3A_282 = tpu.vector_load %arg11[%swap3A_281] {strides = array<i32>} : memref<49152xf32, #tpu.memory_space<vmem>>, vector<16xf32>,
      tpu.vector_store %arg11[%swap3A_281], %broadcast_in_dim3A_3 {strides = array<i32>} : memref<49152xf32, #tpu.memory_space<vmem>>, vector<16xf32>,
      %add3A_283 = arith.constant 384 : i32
      %add3A_284 = arith.addi %mul3A_139, %add3A_283 : i32
      %add3A_285 = arith.constant 0 : i32
      %add3A_286 = arith.addi %add3A_284, %add3A_285 : i32
      %swap3A_287 = arith.index_cast %add3A_286 : i32 to index
      %swap3A_288 = tpu.vector_load %arg11[%swap3A_287] {strides = array<i32>} : memref<49152xf32, #tpu.memory_space<vmem>>, vector<16xf32>,
      tpu.vector_store %arg11[%swap3A_287], %broadcast_in_dim3A_5 {strides = array<i32>} : memref<49152xf32, #tpu.memory_space<vmem>>, vector<16xf32>,
      %add3A_289 = arith.constant 384 : i32
      %add3A_290 = arith.addi %mul3A_139, %add3A_289 : i32
      %add3A_291 = arith.constant 16 : i32
      %add3A_292 = arith.addi %add3A_290, %add3A_291 : i32
      %swap3A_293 = arith.index_cast %add3A_292 : i32 to index
      %swap3A_294 = tpu.vector_load %arg11[%swap3A_293] {strides = array<i32>} : memref<49152xf32, #tpu.memory_space<vmem>>, vector<16xf32>,
      tpu.vector_store %arg11[%swap3A_293], %broadcast_in_dim3A_5 {strides = array<i32>} : memref<49152xf32, #tpu.memory_space<vmem>>, vector<16xf32>,
      %add3A_295 = arith.constant 384 : i32
      %add3A_296 = arith.addi %mul3A_139, %add3A_295 : i32
      %add3A_297 = arith.constant 32 : i32
      %add3A_298 = arith.addi %add3A_296, %add3A_297 : i32
      %swap3A_299 = arith.index_cast %add3A_298 : i32 to index
      %swap3A_300 = tpu.vector_load %arg11[%swap3A_299] {strides = array<i32>} : memref<49152xf32, #tpu.memory_space<vmem>>, vector<16xf32>,
      tpu.vector_store %arg11[%swap3A_299], %broadcast_in_dim3A_5 {strides = array<i32>} : memref<49152xf32, #tpu.memory_space<vmem>>, vector<16xf32>,
      %add3A_301 = arith.constant 384 : i32
      %add3A_302 = arith.addi %mul3A_139, %add3A_301 : i32
      %add3A_303 = arith.constant 48 : i32
      %add3A_304 = arith.addi %add3A_302, %add3A_303 : i32
      %swap3A_305 = arith.index_cast %add3A_304 : i32 to index
      %swap3A_306 = tpu.vector_load %arg11[%swap3A_305] {strides = array<i32>} : memref<49152xf32, #tpu.memory_space<vmem>>, vector<16xf32>,
      tpu.vector_store %arg11[%swap3A_305], %broadcast_in_dim3A_5 {strides = array<i32>} : memref<49152xf32, #tpu.memory_space<vmem>>, vector<16xf32>,
      %add3A_307 = arith.constant 384 : i32
      %add3A_308 = arith.addi %mul3A_139, %add3A_307 : i32
      %add3A_309 = arith.constant 64 : i32
      %add3A_310 = arith.addi %add3A_308, %add3A_309 : i32
      %swap3A_311 = arith.index_cast %add3A_310 : i32 to index
      %swap3A_312 = tpu.vector_load %arg11[%swap3A_311] {strides = array<i32>} : memref<49152xf32, #tpu.memory_space<vmem>>, vector<16xf32>,
      tpu.vector_store %arg11[%swap3A_311], %broadcast_in_dim3A_5 {strides = array<i32>} : memref<49152xf32, #tpu.memory_space<vmem>>, vector<16xf32>,
      %add3A_313 = arith.constant 384 : i32
      %add3A_314 = arith.addi %mul3A_139, %add3A_313 : i32
      %add3A_315 = arith.constant 80 : i32
      %add3A_316 = arith.addi %add3A_314, %add3A_315 : i32
      %swap3A_317 = arith.index_cast %add3A_316 : i32 to index
      %swap3A_318 = tpu.vector_load %arg11[%swap3A_317] {strides = array<i32>} : memref<49152xf32, #tpu.memory_space<vmem>>, vector<16xf32>,
      tpu.vector_store %arg11[%swap3A_317], %broadcast_in_dim3A_5 {strides = array<i32>} : memref<49152xf32, #tpu.memory_space<vmem>>, vector<16xf32>,
      %add3A_319 = arith.constant 384 : i32
      %add3A_320 = arith.addi %mul3A_139, %add3A_319 : i32
      %add3A_321 = arith.constant 96 : i32
      %add3A_322 = arith.addi %add3A_320, %add3A_321 : i32
      %swap3A_323 = arith.index_cast %add3A_322 : i32 to index
      %swap3A_324 = tpu.vector_load %arg11[%swap3A_323] {strides = array<i32>} : memref<49152xf32, #tpu.memory_space<vmem>>, vector<16xf32>,
      tpu.vector_store %arg11[%swap3A_323], %broadcast_in_dim3A_5 {strides = array<i32>} : memref<49152xf32, #tpu.memory_space<vmem>>, vector<16xf32>,
      %add3A_325 = arith.constant 384 : i32
      %add3A_326 = arith.addi %mul3A_139, %add3A_325 : i32
      %add3A_327 = arith.constant 112 : i32
      %add3A_328 = arith.addi %add3A_326, %add3A_327 : i32
      %swap3A_329 = arith.index_cast %add3A_328 : i32 to index
      %swap3A_330 = tpu.vector_load %arg11[%swap3A_329] {strides = array<i32>} : memref<49152xf32, #tpu.memory_space<vmem>>, vector<16xf32>,
      tpu.vector_store %arg11[%swap3A_329], %broadcast_in_dim3A_5 {strides = array<i32>} : memref<49152xf32, #tpu.memory_space<vmem>>, vector<16xf32>,
      %scan3A_331 = arith.constant 0 : i32
      scf.yield %scan3A_331 : i32
    }
    %scan3A_11 = arith.constant 32 : i32
    %eq3A = arith.constant 0 : i32
    %eq3A_12 = arith.cmpi eq, %arg1, %eq3A : i32
    %convert_element_type3A = arith.extui %eq3A_12 : i1 to i32
    %cond3A = arith.constant 0 : i32
    %cond3A_13 = arith.cmpi ne, %convert_element_type3A, %cond3A : i32
    scf.if %cond3A_13 {
      "tpu.region"() ({
        %run_scoped3A = tpu.sem_alloc : memref<!tpu.dma_semaphore, #tpu.memory_space<semaphore_mem>>
        %dma_start3A_136 = arith.constant 0 : i32
        %dma_start3A_137 = tpu.memref_slice %arg11[%dma_start3A_136] : memref<49152xf32, #tpu.memory_space<vmem>> -> memref<16384xf32, #tpu.memory_space<vmem>>
        %dma_start3A_138 = arith.constant 0 : i32
        %dma_start3A_139 = tpu.memref_slice %arg11[%dma_start3A_138] : memref<49152xf32, #tpu.memory_space<vmem>> -> memref<16384xf32, #tpu.memory_space<vmem>>
        tpu.enqueue_dma source(%dma_start3A_139 : memref<16384xf32, #tpu.memory_space<vmem>>) target(%arg14 : memref<16384xf32, #tpu.memory_space<vmem_shared>>) target_semaphore(%run_scoped3A : memref<!tpu.dma_semaphore, #tpu.memory_space<semaphore_mem>>)
        %dma_wait3A_140 = arith.constant 0 : i32
        %dma_wait3A_141 = tpu.memref_slice %arg11[%dma_wait3A_140] : memref<49152xf32, #tpu.memory_space<vmem>> -> memref<16384xf32, #tpu.memory_space<vmem>>
        %dma_wait3A_142 = arith.constant 0 : i32
        %dma_wait3A_143 = tpu.memref_slice %arg11[%dma_wait3A_142] : memref<49152xf32, #tpu.memory_space<vmem>> -> memref<16384xf32, #tpu.memory_space<vmem>>
        tpu.wait_dma2 semaphore(%run_scoped3A : memref<!tpu.dma_semaphore, #tpu.memory_space<semaphore_mem>>) src(%dma_wait3A_143 : memref<16384xf32, #tpu.memory_space<vmem>>) dst(%arg14 : memref<16384xf32, #tpu.memory_space<vmem_shared>>)
        tpu.yield
      }) : () -> ()
    } else {
    }
    %barrier3A = arith.constant 0 : index
    tpu.barrier barrier_id(%barrier3A)
    %add3A_14 = arith.constant 0 : i32
    %add3A_15 = arith.addi %mul3A_2, %add3A_14 : i32
    %mul3A_16 = arith.constant 20480 : i32
    %mul3A_17 = arith.muli %add3A_15, %mul3A_16 : i32
    %mul3A_18 = arith.constant 4096 : i32
    %mul3A_19 = arith.muli %add3A_15, %mul3A_18 : i32
    %dma_start3A = arith.constant 0 : i32
    %dma_start3A_20 = tpu.memref_slice %arg8[%dma_start3A] : memref<40960xf32, #tpu.memory_space<vmem>> -> memref<20480xf32, #tpu.memory_space<vmem>>
    %dma_start3A_21 = tpu.memref_slice %arg2[%mul3A_17] : memref<20971520xf32, #tpu.memory_space<hbm>> -> memref<20480xf32, #tpu.memory_space<hbm>>
    %dma_start3A_22 = arith.constant 0 : i32
    %dma_start3A_23 = tpu.memref_slice %arg8[%dma_start3A_22] : memref<40960xf32, #tpu.memory_space<vmem>> -> memref<20480xf32, #tpu.memory_space<vmem>>
    %dma_start3A_24 = tpu.memref_slice %arg2[%mul3A_17] : memref<20971520xf32, #tpu.memory_space<hbm>> -> memref<20480xf32, #tpu.memory_space<hbm>>
    tpu.enqueue_dma source(%dma_start3A_24 : memref<20480xf32, #tpu.memory_space<hbm>>) target(%dma_start3A_23 : memref<20480xf32, #tpu.memory_space<vmem>>) target_semaphore(%arg15 : memref<!tpu.dma_semaphore, #tpu.memory_space<semaphore_mem>>)
    %dma_start3A_25 = arith.constant 0 : i32
    %dma_start3A_26 = tpu.memref_slice %arg9[%dma_start3A_25] : memref<8192xf32, #tpu.memory_space<vmem>> -> memref<4096xf32, #tpu.memory_space<vmem>>
    %dma_start3A_27 = tpu.memref_slice %arg3[%mul3A_19] : memref<4194304xf32, #tpu.memory_space<hbm>> -> memref<4096xf32, #tpu.memory_space<hbm>>
    %dma_start3A_28 = arith.constant 0 : i32
    %dma_start3A_29 = tpu.memref_slice %arg9[%dma_start3A_28] : memref<8192xf32, #tpu.memory_space<vmem>> -> memref<4096xf32, #tpu.memory_space<vmem>>
    %dma_start3A_30 = tpu.memref_slice %arg3[%mul3A_19] : memref<4194304xf32, #tpu.memory_space<hbm>> -> memref<4096xf32, #tpu.memory_space<hbm>>
    tpu.enqueue_dma source(%dma_start3A_30 : memref<4096xf32, #tpu.memory_space<hbm>>) target(%dma_start3A_29 : memref<4096xf32, #tpu.memory_space<vmem>>) target_semaphore(%arg17 : memref<!tpu.dma_semaphore, #tpu.memory_space<semaphore_mem>>)
    %add3A_31 = arith.constant 1 : i32
    %add3A_32 = arith.addi %mul3A_2, %add3A_31 : i32
    %mul3A_33 = arith.constant 20480 : i32
    %mul3A_34 = arith.muli %add3A_32, %mul3A_33 : i32
    %mul3A_35 = arith.constant 4096 : i32
    %mul3A_36 = arith.muli %add3A_32, %mul3A_35 : i32
    %dma_start3A_37 = arith.constant 20480 : i32
    %dma_start3A_38 = tpu.memref_slice %arg8[%dma_start3A_37] : memref<40960xf32, #tpu.memory_space<vmem>> -> memref<20480xf32, #tpu.memory_space<vmem>>
    %dma_start3A_39 = tpu.memref_slice %arg2[%mul3A_34] : memref<20971520xf32, #tpu.memory_space<hbm>> -> memref<20480xf32, #tpu.memory_space<hbm>>
    %dma_start3A_40 = arith.constant 20480 : i32
    %dma_start3A_41 = tpu.memref_slice %arg8[%dma_start3A_40] : memref<40960xf32, #tpu.memory_space<vmem>> -> memref<20480xf32, #tpu.memory_space<vmem>>
    %dma_start3A_42 = tpu.memref_slice %arg2[%mul3A_34] : memref<20971520xf32, #tpu.memory_space<hbm>> -> memref<20480xf32, #tpu.memory_space<hbm>>
    tpu.enqueue_dma source(%dma_start3A_42 : memref<20480xf32, #tpu.memory_space<hbm>>) target(%dma_start3A_41 : memref<20480xf32, #tpu.memory_space<vmem>>) target_semaphore(%arg16 : memref<!tpu.dma_semaphore, #tpu.memory_space<semaphore_mem>>)
    %dma_start3A_43 = arith.constant 4096 : i32
    %dma_start3A_44 = tpu.memref_slice %arg9[%dma_start3A_43] : memref<8192xf32, #tpu.memory_space<vmem>> -> memref<4096xf32, #tpu.memory_space<vmem>>
    %dma_start3A_45 = tpu.memref_slice %arg3[%mul3A_36] : memref<4194304xf32, #tpu.memory_space<hbm>> -> memref<4096xf32, #tpu.memory_space<hbm>>
    %dma_start3A_46 = arith.constant 4096 : i32
    %dma_start3A_47 = tpu.memref_slice %arg9[%dma_start3A_46] : memref<8192xf32, #tpu.memory_space<vmem>> -> memref<4096xf32, #tpu.memory_space<vmem>>
    %dma_start3A_48 = tpu.memref_slice %arg3[%mul3A_36] : memref<4194304xf32, #tpu.memory_space<hbm>> -> memref<4096xf32, #tpu.memory_space<hbm>>
    tpu.enqueue_dma source(%dma_start3A_48 : memref<4096xf32, #tpu.memory_space<hbm>>) target(%dma_start3A_47 : memref<4096xf32, #tpu.memory_space<vmem>>) target_semaphore(%arg18 : memref<!tpu.dma_semaphore, #tpu.memory_space<semaphore_mem>>)
    %dma_start3A_49 = arith.constant 0 : i32
    %dma_start3A_50 = tpu.memref_slice %arg11[%dma_start3A_49] : memref<49152xf32, #tpu.memory_space<vmem>> -> memref<16384xf32, #tpu.memory_space<vmem>>
    %dma_start3A_51 = arith.constant 0 : i32
    %dma_start3A_52 = tpu.memref_slice %arg11[%dma_start3A_51] : memref<49152xf32, #tpu.memory_space<vmem>> -> memref<16384xf32, #tpu.memory_space<vmem>>
    tpu.enqueue_dma source(%arg14 : memref<16384xf32, #tpu.memory_space<vmem_shared>>) target(%dma_start3A_52 : memref<16384xf32, #tpu.memory_space<vmem>>) target_semaphore(%arg28 : memref<!tpu.dma_semaphore, #tpu.memory_space<semaphore_mem>>)
    %scan3A_53 = arith.constant 0 : i32
    %scan3A_54 = arith.constant 16 : i32
    %scan3A_55 = arith.addi %scan3A_53, %scan3A_54 : i32
    %scan3A_56 = arith.constant 1 : i32
    scf.for %scan3A_136 = %scan3A_53 to %scan3A_55 step %scan3A_56  : i32 {
      %mul3A_137 = arith.constant 2 : i32
      %mul3A_138 = arith.muli %scan3A_136, %mul3A_137 : i32
      %add3A_139 = arith.constant 0 : i32
      %add3A_140 = arith.addi %add3A_139, %mul3A_138 : i32
      %add3A_141 = arith.constant 0 : i32
      %add3A_142 = arith.addi %add3A_140, %add3A_141 : i32
      %shift_right_arithmetic3A_143 = arith.constant 3 : i32
      %shift_right_arithmetic3A_144 = arith.shrsi %add3A_142, %shift_right_arithmetic3A_143 : i32
      %and3A = arith.constant 1 : i32
      %and3A_145 = arith.andi %shift_right_arithmetic3A_144, %and3A : i32
      %add3A_146 = arith.addi %mul3A_2, %add3A_142 : i32
      %mul3A_147 = arith.constant 20480 : i32
      %mul3A_148 = arith.muli %add3A_146, %mul3A_147 : i32
      %mul3A_149 = arith.constant 4096 : i32
      %mul3A_150 = arith.muli %add3A_146, %mul3A_149 : i32
      %dma_wait3A_151 = arith.constant 0 : i32
      %dma_wait3A_152 = tpu.memref_slice %arg8[%dma_wait3A_151] : memref<40960xf32, #tpu.memory_space<vmem>> -> memref<20480xf32, #tpu.memory_space<vmem>>
      %dma_wait3A_153 = tpu.memref_slice %arg2[%mul3A_148] : memref<20971520xf32, #tpu.memory_space<hbm>> -> memref<20480xf32, #tpu.memory_space<hbm>>
      %dma_wait3A_154 = arith.constant 0 : i32
      %dma_wait3A_155 = tpu.memref_slice %arg8[%dma_wait3A_154] : memref<40960xf32, #tpu.memory_space<vmem>> -> memref<20480xf32, #tpu.memory_space<vmem>>
      %dma_wait3A_156 = tpu.memref_slice %arg2[%mul3A_148] : memref<20971520xf32, #tpu.memory_space<hbm>> -> memref<20480xf32, #tpu.memory_space<hbm>>
      tpu.wait_dma2 semaphore(%arg15 : memref<!tpu.dma_semaphore, #tpu.memory_space<semaphore_mem>>) src(%dma_wait3A_156 : memref<20480xf32, #tpu.memory_space<hbm>>) dst(%dma_wait3A_155 : memref<20480xf32, #tpu.memory_space<vmem>>)
      %dma_wait3A_157 = arith.constant 0 : i32
      %dma_wait3A_158 = tpu.memref_slice %arg9[%dma_wait3A_157] : memref<8192xf32, #tpu.memory_space<vmem>> -> memref<4096xf32, #tpu.memory_space<vmem>>
      %dma_wait3A_159 = tpu.memref_slice %arg3[%mul3A_150] : memref<4194304xf32, #tpu.memory_space<hbm>> -> memref<4096xf32, #tpu.memory_space<hbm>>
      %dma_wait3A_160 = arith.constant 0 : i32
      %dma_wait3A_161 = tpu.memref_slice %arg9[%dma_wait3A_160] : memref<8192xf32, #tpu.memory_space<vmem>> -> memref<4096xf32, #tpu.memory_space<vmem>>
      %dma_wait3A_162 = tpu.memref_slice %arg3[%mul3A_150] : memref<4194304xf32, #tpu.memory_space<hbm>> -> memref<4096xf32, #tpu.memory_space<hbm>>
      tpu.wait_dma2 semaphore(%arg17 : memref<!tpu.dma_semaphore, #tpu.memory_space<semaphore_mem>>) src(%dma_wait3A_162 : memref<4096xf32, #tpu.memory_space<hbm>>) dst(%dma_wait3A_161 : memref<4096xf32, #tpu.memory_space<vmem>>)
      %ge3A = arith.constant 2 : i32
      %ge3A_163 = arith.cmpi sge, %add3A_142, %ge3A : i32
      %convert_element_type3A_164 = arith.extui %ge3A_163 : i1 to i32
      %cond3A_165 = arith.constant 0 : i32
      %cond3A_166 = arith.cmpi ne, %convert_element_type3A_164, %cond3A_165 : i32
      scf.if %cond3A_166 {
        %add3A_582 = arith.addi %mul3A_2, %add3A_142 : i32
        %sub3A = arith.constant 2 : i32
        %sub3A_583 = arith.subi %add3A_582, %sub3A : i32
        %mul3A_584 = arith.constant 2048 : i32
        %mul3A_585 = arith.muli %sub3A_583, %mul3A_584 : i32
        %dma_wait3A_586 = arith.constant 0 : i32
        %dma_wait3A_587 = tpu.memref_slice %arg10[%dma_wait3A_586] : memref<4096xf32, #tpu.memory_space<vmem>> -> memref<2048xf32, #tpu.memory_space<vmem>>
        %dma_wait3A_588 = tpu.memref_slice %arg4[%mul3A_585] : memref<2097152xf32, #tpu.memory_space<hbm>> -> memref<2048xf32, #tpu.memory_space<hbm>>
        %dma_wait3A_589 = tpu.memref_slice %arg4[%mul3A_585] : memref<2097152xf32, #tpu.memory_space<hbm>> -> memref<2048xf32, #tpu.memory_space<hbm>>
        %dma_wait3A_590 = arith.constant 0 : i32
        %dma_wait3A_591 = tpu.memref_slice %arg10[%dma_wait3A_590] : memref<4096xf32, #tpu.memory_space<vmem>> -> memref<2048xf32, #tpu.memory_space<vmem>>
        tpu.wait_dma2 semaphore(%arg19 : memref<!tpu.dma_semaphore, #tpu.memory_space<semaphore_mem>>) src(%dma_wait3A_591 : memref<2048xf32, #tpu.memory_space<vmem>>) dst(%dma_wait3A_589 : memref<2048xf32, #tpu.memory_space<hbm>>)
      } else {
      }
      %add3A_167 = arith.constant 1 : i32
      %add3A_168 = arith.addi %add3A_142, %add3A_167 : i32
      %jit3A = arith.constant 3 : i32
      %eq3A_169 = arith.constant 0 : i32
      %eq3A_170 = arith.cmpi eq, %jit3A, %eq3A_169 : i32
      %jit3A_171 = arith.constant 1 : i32
      %select_n3A = arith.select %eq3A_170, %jit3A_171, %jit3A : i32
      %rem3A = arith.remsi %add3A_168, %select_n3A : i32
      %ne3A = arith.constant 0 : i32
      %ne3A_172 = arith.cmpi ne, %rem3A, %ne3A : i32
      %lt3A = arith.constant 0 : i32
      %lt3A_173 = arith.cmpi slt, %rem3A, %lt3A : i32
      %lt3A_174 = arith.constant 0 : i32
      %lt3A_175 = arith.cmpi slt, %select_n3A, %lt3A_174 : i32
      %ne3A_176 = arith.xori %lt3A_173, %lt3A_175 : i1
      %and3A_177 = arith.andi %ne3A_176, %ne3A_172 : i1
      %add3A_178 = arith.addi %rem3A, %select_n3A : i32
      %select_n3A_179 = arith.select %and3A_177, %add3A_178, %rem3A : i32
      %eq3A_180 = arith.constant 0 : i32
      %eq3A_181 = arith.cmpi eq, %select_n3A_179, %eq3A_180 : i32
      %ge3A_182 = arith.constant 2 : i32
      %ge3A_183 = arith.cmpi sge, %add3A_142, %ge3A_182 : i32
      %and3A_184 = arith.andi %eq3A_181, %ge3A_183 : i1
      %convert_element_type3A_185 = arith.extui %and3A_184 : i1 to i32
      %cond3A_186 = arith.constant 0 : i32
      %cond3A_187 = arith.cmpi ne, %convert_element_type3A_185, %cond3A_186 : i32
      scf.if %cond3A_187 {
        %add3A_582 = arith.addi %mul3A_2, %add3A_142 : i32
        %sub3A = arith.constant 2 : i32
        %sub3A_583 = arith.subi %add3A_582, %sub3A : i32
        %mul3A_584 = arith.constant 16384 : i32
        %mul3A_585 = arith.muli %sub3A_583, %mul3A_584 : i32
        %dma_wait3A_586 = arith.constant 0 : i32
        %dma_wait3A_587 = tpu.memref_slice %arg11[%dma_wait3A_586] : memref<49152xf32, #tpu.memory_space<vmem>> -> memref<16384xf32, #tpu.memory_space<vmem>>
        %dma_wait3A_588 = tpu.memref_slice %arg7[%mul3A_585] : memref<16777216xf32, #tpu.memory_space<hbm>> -> memref<16384xf32, #tpu.memory_space<hbm>>
        %dma_wait3A_589 = tpu.memref_slice %arg7[%mul3A_585] : memref<16777216xf32, #tpu.memory_space<hbm>> -> memref<16384xf32, #tpu.memory_space<hbm>>
        %dma_wait3A_590 = arith.constant 0 : i32
        %dma_wait3A_591 = tpu.memref_slice %arg11[%dma_wait3A_590] : memref<49152xf32, #tpu.memory_space<vmem>> -> memref<16384xf32, #tpu.memory_space<vmem>>
        tpu.wait_dma2 semaphore(%arg21 : memref<!tpu.dma_semaphore, #tpu.memory_space<semaphore_mem>>) src(%dma_wait3A_591 : memref<16384xf32, #tpu.memory_space<vmem>>) dst(%dma_wait3A_589 : memref<16384xf32, #tpu.memory_space<hbm>>)
      } else {
      }
      %eq3A_188 = arith.constant 0 : i32
      %eq3A_189 = arith.cmpi eq, %select_n3A_179, %eq3A_188 : i32
      %add3A_190 = arith.constant 1 : i32
      %add3A_191 = arith.addi %add3A_142, %add3A_190 : i32
      %lt3A_192 = arith.constant 32 : i32
      %lt3A_193 = arith.cmpi slt, %add3A_191, %lt3A_192 : i32
      %and3A_194 = arith.andi %eq3A_189, %lt3A_193 : i1
      %convert_element_type3A_195 = arith.extui %and3A_194 : i1 to i32
      %cond3A_196 = arith.constant 0 : i32
      %cond3A_197 = arith.cmpi ne, %convert_element_type3A_195, %cond3A_196 : i32
      scf.if %cond3A_197 {
        %dma_start3A_582 = arith.constant 0 : i32
        %dma_start3A_583 = tpu.memref_slice %arg11[%dma_start3A_582] : memref<49152xf32, #tpu.memory_space<vmem>> -> memref<16384xf32, #tpu.memory_space<vmem>>
        %dma_start3A_584 = arith.constant 0 : i32
        %dma_start3A_585 = tpu.memref_slice %arg11[%dma_start3A_584] : memref<49152xf32, #tpu.memory_space<vmem>> -> memref<16384xf32, #tpu.memory_space<vmem>>
        tpu.enqueue_dma source(%arg14 : memref<16384xf32, #tpu.memory_space<vmem_shared>>) target(%dma_start3A_585 : memref<16384xf32, #tpu.memory_space<vmem>>) target_semaphore(%arg28 : memref<!tpu.dma_semaphore, #tpu.memory_space<semaphore_mem>>)
      } else {
      }
      %eq3A_198 = arith.constant 1 : i32
      %eq3A_199 = arith.cmpi eq, %select_n3A_179, %eq3A_198 : i32
      %ge3A_200 = arith.constant 2 : i32
      %ge3A_201 = arith.cmpi sge, %add3A_142, %ge3A_200 : i32
      %and3A_202 = arith.andi %eq3A_199, %ge3A_201 : i1
      %convert_element_type3A_203 = arith.extui %and3A_202 : i1 to i32
      %cond3A_204 = arith.constant 0 : i32
      %cond3A_205 = arith.cmpi ne, %convert_element_type3A_203, %cond3A_204 : i32
      scf.if %cond3A_205 {
        %add3A_582 = arith.addi %mul3A_2, %add3A_142 : i32
        %sub3A = arith.constant 2 : i32
        %sub3A_583 = arith.subi %add3A_582, %sub3A : i32
        %mul3A_584 = arith.constant 16384 : i32
        %mul3A_585 = arith.muli %sub3A_583, %mul3A_584 : i32
        %dma_wait3A_586 = arith.constant 16384 : i32
        %dma_wait3A_587 = tpu.memref_slice %arg11[%dma_wait3A_586] : memref<49152xf32, #tpu.memory_space<vmem>> -> memref<16384xf32, #tpu.memory_space<vmem>>
        %dma_wait3A_588 = tpu.memref_slice %arg7[%mul3A_585] : memref<16777216xf32, #tpu.memory_space<hbm>> -> memref<16384xf32, #tpu.memory_space<hbm>>
        %dma_wait3A_589 = tpu.memref_slice %arg7[%mul3A_585] : memref<16777216xf32, #tpu.memory_space<hbm>> -> memref<16384xf32, #tpu.memory_space<hbm>>
        %dma_wait3A_590 = arith.constant 16384 : i32
        %dma_wait3A_591 = tpu.memref_slice %arg11[%dma_wait3A_590] : memref<49152xf32, #tpu.memory_space<vmem>> -> memref<16384xf32, #tpu.memory_space<vmem>>
        tpu.wait_dma2 semaphore(%arg22 : memref<!tpu.dma_semaphore, #tpu.memory_space<semaphore_mem>>) src(%dma_wait3A_591 : memref<16384xf32, #tpu.memory_space<vmem>>) dst(%dma_wait3A_589 : memref<16384xf32, #tpu.memory_space<hbm>>)
      } else {
      }
      %eq3A_206 = arith.constant 1 : i32
      %eq3A_207 = arith.cmpi eq, %select_n3A_179, %eq3A_206 : i32
      %add3A_208 = arith.constant 1 : i32
      %add3A_209 = arith.addi %add3A_142, %add3A_208 : i32
      %lt3A_210 = arith.constant 32 : i32
      %lt3A_211 = arith.cmpi slt, %add3A_209, %lt3A_210 : i32
      %and3A_212 = arith.andi %eq3A_207, %lt3A_211 : i1
      %convert_element_type3A_213 = arith.extui %and3A_212 : i1 to i32
      %cond3A_214 = arith.constant 0 : i32
      %cond3A_215 = arith.cmpi ne, %convert_element_type3A_213, %cond3A_214 : i32
      scf.if %cond3A_215 {
        %dma_start3A_582 = arith.constant 16384 : i32
        %dma_start3A_583 = tpu.memref_slice %arg11[%dma_start3A_582] : memref<49152xf32, #tpu.memory_space<vmem>> -> memref<16384xf32, #tpu.memory_space<vmem>>
        %dma_start3A_584 = arith.constant 16384 : i32
        %dma_start3A_585 = tpu.memref_slice %arg11[%dma_start3A_584] : memref<49152xf32, #tpu.memory_space<vmem>> -> memref<16384xf32, #tpu.memory_space<vmem>>
        tpu.enqueue_dma source(%arg14 : memref<16384xf32, #tpu.memory_space<vmem_shared>>) target(%dma_start3A_585 : memref<16384xf32, #tpu.memory_space<vmem>>) target_semaphore(%arg29 : memref<!tpu.dma_semaphore, #tpu.memory_space<semaphore_mem>>)
      } else {
      }
      %eq3A_216 = arith.constant 2 : i32
      %eq3A_217 = arith.cmpi eq, %select_n3A_179, %eq3A_216 : i32
      %ge3A_218 = arith.constant 2 : i32
      %ge3A_219 = arith.cmpi sge, %add3A_142, %ge3A_218 : i32
      %and3A_220 = arith.andi %eq3A_217, %ge3A_219 : i1
      %convert_element_type3A_221 = arith.extui %and3A_220 : i1 to i32
      %cond3A_222 = arith.constant 0 : i32
      %cond3A_223 = arith.cmpi ne, %convert_element_type3A_221, %cond3A_222 : i32
      scf.if %cond3A_223 {
        %add3A_582 = arith.addi %mul3A_2, %add3A_142 : i32
        %sub3A = arith.constant 2 : i32
        %sub3A_583 = arith.subi %add3A_582, %sub3A : i32
        %mul3A_584 = arith.constant 16384 : i32
        %mul3A_585 = arith.muli %sub3A_583, %mul3A_584 : i32
        %dma_wait3A_586 = arith.constant 32768 : i32
        %dma_wait3A_587 = tpu.memref_slice %arg11[%dma_wait3A_586] : memref<49152xf32, #tpu.memory_space<vmem>> -> memref<16384xf32, #tpu.memory_space<vmem>>
        %dma_wait3A_588 = tpu.memref_slice %arg7[%mul3A_585] : memref<16777216xf32, #tpu.memory_space<hbm>> -> memref<16384xf32, #tpu.memory_space<hbm>>
        %dma_wait3A_589 = tpu.memref_slice %arg7[%mul3A_585] : memref<16777216xf32, #tpu.memory_space<hbm>> -> memref<16384xf32, #tpu.memory_space<hbm>>
        %dma_wait3A_590 = arith.constant 32768 : i32
        %dma_wait3A_591 = tpu.memref_slice %arg11[%dma_wait3A_590] : memref<49152xf32, #tpu.memory_space<vmem>> -> memref<16384xf32, #tpu.memory_space<vmem>>
        tpu.wait_dma2 semaphore(%arg23 : memref<!tpu.dma_semaphore, #tpu.memory_space<semaphore_mem>>) src(%dma_wait3A_591 : memref<16384xf32, #tpu.memory_space<vmem>>) dst(%dma_wait3A_589 : memref<16384xf32, #tpu.memory_space<hbm>>)
      } else {
      }
      %eq3A_224 = arith.constant 2 : i32
      %eq3A_225 = arith.cmpi eq, %select_n3A_179, %eq3A_224 : i32
      %add3A_226 = arith.constant 1 : i32
      %add3A_227 = arith.addi %add3A_142, %add3A_226 : i32
      %lt3A_228 = arith.constant 32 : i32
      %lt3A_229 = arith.cmpi slt, %add3A_227, %lt3A_228 : i32
      %and3A_230 = arith.andi %eq3A_225, %lt3A_229 : i1
      %convert_element_type3A_231 = arith.extui %and3A_230 : i1 to i32
      %cond3A_232 = arith.constant 0 : i32
      %cond3A_233 = arith.cmpi ne, %convert_element_type3A_231, %cond3A_232 : i32
      scf.if %cond3A_233 {
        %dma_start3A_582 = arith.constant 32768 : i32
        %dma_start3A_583 = tpu.memref_slice %arg11[%dma_start3A_582] : memref<49152xf32, #tpu.memory_space<vmem>> -> memref<16384xf32, #tpu.memory_space<vmem>>
        %dma_start3A_584 = arith.constant 32768 : i32
        %dma_start3A_585 = tpu.memref_slice %arg11[%dma_start3A_584] : memref<49152xf32, #tpu.memory_space<vmem>> -> memref<16384xf32, #tpu.memory_space<vmem>>
        tpu.enqueue_dma source(%arg14 : memref<16384xf32, #tpu.memory_space<vmem_shared>>) target(%dma_start3A_585 : memref<16384xf32, #tpu.memory_space<vmem>>) target_semaphore(%arg30 : memref<!tpu.dma_semaphore, #tpu.memory_space<semaphore_mem>>)
      } else {
      }
      %jit3A_234 = arith.constant 3 : i32
      %eq3A_235 = arith.constant 0 : i32
      %eq3A_236 = arith.cmpi eq, %jit3A_234, %eq3A_235 : i32
      %jit3A_237 = arith.constant 1 : i32
      %select_n3A_238 = arith.select %eq3A_236, %jit3A_237, %jit3A_234 : i32
      %rem3A_239 = arith.remsi %add3A_142, %select_n3A_238 : i32
      %ne3A_240 = arith.constant 0 : i32
      %ne3A_241 = arith.cmpi ne, %rem3A_239, %ne3A_240 : i32
      %lt3A_242 = arith.constant 0 : i32
      %lt3A_243 = arith.cmpi slt, %rem3A_239, %lt3A_242 : i32
      %lt3A_244 = arith.constant 0 : i32
      %lt3A_245 = arith.cmpi slt, %select_n3A_238, %lt3A_244 : i32
      %ne3A_246 = arith.xori %lt3A_243, %lt3A_245 : i1
      %and3A_247 = arith.andi %ne3A_246, %ne3A_241 : i1
      %add3A_248 = arith.addi %rem3A_239, %select_n3A_238 : i32
      %select_n3A_249 = arith.select %and3A_247, %add3A_248, %rem3A_239 : i32
      %eq3A_250 = arith.constant 0 : i32
      %eq3A_251 = arith.cmpi eq, %select_n3A_249, %eq3A_250 : i32
      %convert_element_type3A_252 = arith.extui %eq3A_251 : i1 to i32
      %cond3A_253 = arith.constant 0 : i32
      %cond3A_254 = arith.cmpi ne, %convert_element_type3A_252, %cond3A_253 : i32
      scf.if %cond3A_254 {
        %dma_wait3A_582 = arith.constant 0 : i32
        %dma_wait3A_583 = tpu.memref_slice %arg11[%dma_wait3A_582] : memref<49152xf32, #tpu.memory_space<vmem>> -> memref<16384xf32, #tpu.memory_space<vmem>>
        %dma_wait3A_584 = arith.constant 0 : i32
        %dma_wait3A_585 = tpu.memref_slice %arg11[%dma_wait3A_584] : memref<49152xf32, #tpu.memory_space<vmem>> -> memref<16384xf32, #tpu.memory_space<vmem>>
        tpu.wait_dma2 semaphore(%arg28 : memref<!tpu.dma_semaphore, #tpu.memory_space<semaphore_mem>>) src(%arg14 : memref<16384xf32, #tpu.memory_space<vmem_shared>>) dst(%dma_wait3A_585 : memref<16384xf32, #tpu.memory_space<vmem>>)
      } else {
      }
      %eq3A_255 = arith.constant 1 : i32
      %eq3A_256 = arith.cmpi eq, %select_n3A_249, %eq3A_255 : i32
      %convert_element_type3A_257 = arith.extui %eq3A_256 : i1 to i32
      %cond3A_258 = arith.constant 0 : i32
      %cond3A_259 = arith.cmpi ne, %convert_element_type3A_257, %cond3A_258 : i32
      scf.if %cond3A_259 {
        %dma_wait3A_582 = arith.constant 16384 : i32
        %dma_wait3A_583 = tpu.memref_slice %arg11[%dma_wait3A_582] : memref<49152xf32, #tpu.memory_space<vmem>> -> memref<16384xf32, #tpu.memory_space<vmem>>
        %dma_wait3A_584 = arith.constant 16384 : i32
        %dma_wait3A_585 = tpu.memref_slice %arg11[%dma_wait3A_584] : memref<49152xf32, #tpu.memory_space<vmem>> -> memref<16384xf32, #tpu.memory_space<vmem>>
        tpu.wait_dma2 semaphore(%arg29 : memref<!tpu.dma_semaphore, #tpu.memory_space<semaphore_mem>>) src(%arg14 : memref<16384xf32, #tpu.memory_space<vmem_shared>>) dst(%dma_wait3A_585 : memref<16384xf32, #tpu.memory_space<vmem>>)
      } else {
      }
      %eq3A_260 = arith.constant 2 : i32
      %eq3A_261 = arith.cmpi eq, %select_n3A_249, %eq3A_260 : i32
      %convert_element_type3A_262 = arith.extui %eq3A_261 : i1 to i32
      %cond3A_263 = arith.constant 0 : i32
      %cond3A_264 = arith.cmpi ne, %convert_element_type3A_262, %cond3A_263 : i32
      scf.if %cond3A_264 {
        %dma_wait3A_582 = arith.constant 32768 : i32
        %dma_wait3A_583 = tpu.memref_slice %arg11[%dma_wait3A_582] : memref<49152xf32, #tpu.memory_space<vmem>> -> memref<16384xf32, #tpu.memory_space<vmem>>
        %dma_wait3A_584 = arith.constant 32768 : i32
        %dma_wait3A_585 = tpu.memref_slice %arg11[%dma_wait3A_584] : memref<49152xf32, #tpu.memory_space<vmem>> -> memref<16384xf32, #tpu.memory_space<vmem>>
        tpu.wait_dma2 semaphore(%arg30 : memref<!tpu.dma_semaphore, #tpu.memory_space<semaphore_mem>>) src(%arg14 : memref<16384xf32, #tpu.memory_space<vmem_shared>>) dst(%dma_wait3A_585 : memref<16384xf32, #tpu.memory_space<vmem>>)
      } else {
      }
      %and3A_265 = arith.constant 7 : i32
      %and3A_266 = arith.andi %add3A_142, %and3A_265 : i32
      %eq3A_267 = arith.constant 0 : i32
      %eq3A_268 = arith.cmpi eq, %and3A_266, %eq3A_267 : i32
      %ge3A_269 = arith.constant 16 : i32
      %ge3A_270 = arith.cmpi sge, %add3A_142, %ge3A_269 : i32
      %and3A_271 = arith.andi %eq3A_268, %ge3A_270 : i1
      %eq3A_272 = arith.constant 0 : i32
      %eq3A_273 = arith.cmpi eq, %and3A_145, %eq3A_272 : i32
      %and3A_274 = arith.andi %and3A_271, %eq3A_273 : i1
      %convert_element_type3A_275 = arith.extui %and3A_274 : i1 to i32
      %cond3A_276 = arith.constant 0 : i32
      %cond3A_277 = arith.cmpi ne, %convert_element_type3A_275, %cond3A_276 : i32
      scf.if %cond3A_277 {
        %add3A_582 = arith.addi %mul3A_2, %add3A_142 : i32
        %sub3A = arith.constant 16 : i32
        %sub3A_583 = arith.subi %add3A_582, %sub3A : i32
        %shift_right_arithmetic3A_584 = arith.constant 3 : i32
        %shift_right_arithmetic3A_585 = arith.shrsi %sub3A_583, %shift_right_arithmetic3A_584 : i32
        %mul3A_586 = arith.constant 4096 : i32
        %mul3A_587 = arith.muli %shift_right_arithmetic3A_585, %mul3A_586 : i32
        %dma_wait3A_588 = arith.constant 0 : i32
        %dma_wait3A_589 = tpu.memref_slice %arg12[%dma_wait3A_588] : memref<8192xf32, #tpu.memory_space<vmem>> -> memref<4096xf32, #tpu.memory_space<vmem>>
        %dma_wait3A_590 = tpu.memref_slice %arg5[%mul3A_587] : memref<524288xf32, #tpu.memory_space<hbm>> -> memref<4096xf32, #tpu.memory_space<hbm>>
        %dma_wait3A_591 = tpu.memref_slice %arg5[%mul3A_587] : memref<524288xf32, #tpu.memory_space<hbm>> -> memref<4096xf32, #tpu.memory_space<hbm>>
        %dma_wait3A_592 = arith.constant 0 : i32
        %dma_wait3A_593 = tpu.memref_slice %arg12[%dma_wait3A_592] : memref<8192xf32, #tpu.memory_space<vmem>> -> memref<4096xf32, #tpu.memory_space<vmem>>
        tpu.wait_dma2 semaphore(%arg24 : memref<!tpu.dma_semaphore, #tpu.memory_space<semaphore_mem>>) src(%dma_wait3A_593 : memref<4096xf32, #tpu.memory_space<vmem>>) dst(%dma_wait3A_591 : memref<4096xf32, #tpu.memory_space<hbm>>)
        %mul3A_594 = arith.constant 4096 : i32
        %mul3A_595 = arith.muli %shift_right_arithmetic3A_585, %mul3A_594 : i32
        %dma_wait3A_596 = arith.constant 0 : i32
        %dma_wait3A_597 = tpu.memref_slice %arg13[%dma_wait3A_596] : memref<8192xi32, #tpu.memory_space<vmem>> -> memref<4096xi32, #tpu.memory_space<vmem>>
        %dma_wait3A_598 = tpu.memref_slice %arg6[%mul3A_595] : memref<524288xi32, #tpu.memory_space<hbm>> -> memref<4096xi32, #tpu.memory_space<hbm>>
        %dma_wait3A_599 = tpu.memref_slice %arg6[%mul3A_595] : memref<524288xi32, #tpu.memory_space<hbm>> -> memref<4096xi32, #tpu.memory_space<hbm>>
        %dma_wait3A_600 = arith.constant 0 : i32
        %dma_wait3A_601 = tpu.memref_slice %arg13[%dma_wait3A_600] : memref<8192xi32, #tpu.memory_space<vmem>> -> memref<4096xi32, #tpu.memory_space<vmem>>
        tpu.wait_dma2 semaphore(%arg26 : memref<!tpu.dma_semaphore, #tpu.memory_space<semaphore_mem>>) src(%dma_wait3A_601 : memref<4096xi32, #tpu.memory_space<vmem>>) dst(%dma_wait3A_599 : memref<4096xi32, #tpu.memory_space<hbm>>)
      } else {
      }
      %and3A_278 = arith.constant 7 : i32
      %and3A_279 = arith.andi %add3A_142, %and3A_278 : i32
      %eq3A_280 = arith.constant 0 : i32
      %eq3A_281 = arith.cmpi eq, %and3A_279, %eq3A_280 : i32
      %ge3A_282 = arith.constant 16 : i32
      %ge3A_283 = arith.cmpi sge, %add3A_142, %ge3A_282 : i32
      %and3A_284 = arith.andi %eq3A_281, %ge3A_283 : i1
      %eq3A_285 = arith.constant 1 : i32
      %eq3A_286 = arith.cmpi eq, %and3A_145, %eq3A_285 : i32
      %and3A_287 = arith.andi %and3A_284, %eq3A_286 : i1
      %convert_element_type3A_288 = arith.extui %and3A_287 : i1 to i32
      %cond3A_289 = arith.constant 0 : i32
      %cond3A_290 = arith.cmpi ne, %convert_element_type3A_288, %cond3A_289 : i32
      scf.if %cond3A_290 {
        %add3A_582 = arith.addi %mul3A_2, %add3A_142 : i32
        %sub3A = arith.constant 16 : i32
        %sub3A_583 = arith.subi %add3A_582, %sub3A : i32
        %shift_right_arithmetic3A_584 = arith.constant 3 : i32
        %shift_right_arithmetic3A_585 = arith.shrsi %sub3A_583, %shift_right_arithmetic3A_584 : i32
        %mul3A_586 = arith.constant 4096 : i32
        %mul3A_587 = arith.muli %shift_right_arithmetic3A_585, %mul3A_586 : i32
        %dma_wait3A_588 = arith.constant 4096 : i32
        %dma_wait3A_589 = tpu.memref_slice %arg12[%dma_wait3A_588] : memref<8192xf32, #tpu.memory_space<vmem>> -> memref<4096xf32, #tpu.memory_space<vmem>>
        %dma_wait3A_590 = tpu.memref_slice %arg5[%mul3A_587] : memref<524288xf32, #tpu.memory_space<hbm>> -> memref<4096xf32, #tpu.memory_space<hbm>>
        %dma_wait3A_591 = tpu.memref_slice %arg5[%mul3A_587] : memref<524288xf32, #tpu.memory_space<hbm>> -> memref<4096xf32, #tpu.memory_space<hbm>>
        %dma_wait3A_592 = arith.constant 4096 : i32
        %dma_wait3A_593 = tpu.memref_slice %arg12[%dma_wait3A_592] : memref<8192xf32, #tpu.memory_space<vmem>> -> memref<4096xf32, #tpu.memory_space<vmem>>
        tpu.wait_dma2 semaphore(%arg25 : memref<!tpu.dma_semaphore, #tpu.memory_space<semaphore_mem>>) src(%dma_wait3A_593 : memref<4096xf32, #tpu.memory_space<vmem>>) dst(%dma_wait3A_591 : memref<4096xf32, #tpu.memory_space<hbm>>)
        %mul3A_594 = arith.constant 4096 : i32
        %mul3A_595 = arith.muli %shift_right_arithmetic3A_585, %mul3A_594 : i32
        %dma_wait3A_596 = arith.constant 4096 : i32
        %dma_wait3A_597 = tpu.memref_slice %arg13[%dma_wait3A_596] : memref<8192xi32, #tpu.memory_space<vmem>> -> memref<4096xi32, #tpu.memory_space<vmem>>
        %dma_wait3A_598 = tpu.memref_slice %arg6[%mul3A_595] : memref<524288xi32, #tpu.memory_space<hbm>> -> memref<4096xi32, #tpu.memory_space<hbm>>
        %dma_wait3A_599 = tpu.memref_slice %arg6[%mul3A_595] : memref<524288xi32, #tpu.memory_space<hbm>> -> memref<4096xi32, #tpu.memory_space<hbm>>
        %dma_wait3A_600 = arith.constant 4096 : i32
        %dma_wait3A_601 = tpu.memref_slice %arg13[%dma_wait3A_600] : memref<8192xi32, #tpu.memory_space<vmem>> -> memref<4096xi32, #tpu.memory_space<vmem>>
        tpu.wait_dma2 semaphore(%arg27 : memref<!tpu.dma_semaphore, #tpu.memory_space<semaphore_mem>>) src(%dma_wait3A_601 : memref<4096xi32, #tpu.memory_space<vmem>>) dst(%dma_wait3A_599 : memref<4096xi32, #tpu.memory_space<hbm>>)
      } else {
      }
      %mul3A_291 = arith.constant 16384 : i32
      %mul3A_292 = arith.muli %select_n3A_249, %mul3A_291 : i32
      %mul3A_293 = arith.constant 4096 : i32
      %mul3A_294 = arith.muli %and3A_145, %mul3A_293 : i32
      %and3A_295 = arith.constant 7 : i32
      %and3A_296 = arith.andi %add3A_142, %and3A_295 : i32
      %mul3A_297 = arith.constant 128 : i32
      %mul3A_298 = arith.muli %and3A_296, %mul3A_297 : i32
      %add3A_299 = arith.addi %mul3A_294, %mul3A_298 : i32
      %scan3A_300 = arith.constant 0 : i32
      %scan3A_301 = arith.constant 0 : i32
      %scan3A_302 = arith.constant 16 : i32
      %scan3A_303 = arith.addi %scan3A_301, %scan3A_302 : i32
      %scan3A_304 = arith.constant 1 : i32
      %scan3A_305 = scf.for %scan3A_582 = %scan3A_301 to %scan3A_303 step %scan3A_304 iter_args(%scan3A_583 = %scan3A_300) -> (i32)  : i32 {
        %mul3A_584 = arith.constant 2 : i32
        %mul3A_585 = arith.muli %scan3A_582, %mul3A_584 : i32
        %shift_right_arithmetic3A_586 = arith.constant 3 : i32
        %shift_right_arithmetic3A_587 = arith.shrsi %mul3A_585, %shift_right_arithmetic3A_586 : i32
        %and3A_588 = arith.constant 7 : i32
        %and3A_589 = arith.andi %mul3A_585, %and3A_588 : i32
        %mul3A_590 = arith.constant 1024 : i32
        %mul3A_591 = arith.muli %shift_right_arithmetic3A_587, %mul3A_590 : i32
        %mul3A_592 = arith.constant 16 : i32
        %mul3A_593 = arith.muli %and3A_589, %mul3A_592 : i32
        %add3A_594 = arith.addi %mul3A_591, %mul3A_593 : i32
        %mul3A_595 = arith.constant 512 : i32
        %mul3A_596 = arith.muli %shift_right_arithmetic3A_587, %mul3A_595 : i32
        %add3A_597 = arith.constant 0 : i32
        %add3A_598 = arith.addi %add3A_597, %mul3A_596 : i32
        %mul3A_599 = arith.constant 16 : i32
        %mul3A_600 = arith.muli %and3A_589, %mul3A_599 : i32
        %add3A_601 = arith.addi %add3A_598, %mul3A_600 : i32
        %mul3A_602 = arith.constant 512 : i32
        %mul3A_603 = arith.muli %shift_right_arithmetic3A_587, %mul3A_602 : i32
        %add3A_604 = arith.addi %mul3A_292, %mul3A_603 : i32
        %mul3A_605 = arith.constant 16 : i32
        %mul3A_606 = arith.muli %and3A_589, %mul3A_605 : i32
        %add3A_607 = arith.addi %add3A_604, %mul3A_606 : i32
        %broadcast_in_dim3A_608 = vector.broadcast %add3A_607 : i32 to vector<16xi32>
        %add3A_609 = arith.addi %broadcast_in_dim3A_608, %iota3A : vector<16xi32>
        %add3A_610 = arith.constant 16 : i32
        %add3A_611 = vector.broadcast %add3A_610 : i32 to vector<16xi32>
        %add3A_612 = arith.addi %add3A_609, %add3A_611 : vector<16xi32>
        %broadcast_in_dim3A_613 = arith.constant 1.000000e+02 : f32
        %broadcast_in_dim3A_614 = vector.broadcast %broadcast_in_dim3A_613 : f32 to vector<16xf32>
        %broadcast_in_dim3A_615 = arith.constant 8.000000e+00 : f32
        %broadcast_in_dim3A_616 = vector.broadcast %broadcast_in_dim3A_615 : f32 to vector<16xf32>
        %scan3A_617 = arith.constant 0 : i32
        %scan3A_618 = arith.constant 8 : i32
        %scan3A_619 = arith.addi %scan3A_617, %scan3A_618 : i32
        %scan3A_620 = arith.constant 1 : i32
        %scan3A_621:12 = scf.for %scan3A_682 = %scan3A_617 to %scan3A_619 step %scan3A_620 iter_args(%scan3A_683 = %broadcast_in_dim3A_3, %scan3A_684 = %broadcast_in_dim3A_3, %scan3A_685 = %broadcast_in_dim3A_3, %scan3A_686 = %broadcast_in_dim3A_5, %scan3A_687 = %broadcast_in_dim3A_614, %scan3A_688 = %broadcast_in_dim3A_616, %scan3A_689 = %broadcast_in_dim3A_3, %scan3A_690 = %broadcast_in_dim3A_3, %scan3A_691 = %broadcast_in_dim3A_3, %scan3A_692 = %broadcast_in_dim3A_5, %scan3A_693 = %broadcast_in_dim3A_614, %scan3A_694 = %broadcast_in_dim3A_616) -> (vector<16xf32>, vector<16xf32>, vector<16xf32>, vector<16xf32>, vector<16xf32>, vector<16xf32>, vector<16xf32>, vector<16xf32>, vector<16xf32>, vector<16xf32>, vector<16xf32>, vector<16xf32>)  : i32 {
          %add3A_695 = arith.constant 0 : i32
          %add3A_696 = arith.addi %add3A_695, %add3A_594 : i32
          %sub3A = arith.constant 7 : i32
          %sub3A_697 = arith.subi %sub3A, %scan3A_682 : i32
          %mul3A_698 = arith.constant 128 : i32
          %mul3A_699 = arith.muli %sub3A_697, %mul3A_698 : i32
          %add3A_700 = arith.addi %add3A_696, %mul3A_699 : i32
          %add3A_701 = arith.constant 0 : i32
          %add3A_702 = arith.addi %add3A_701, %add3A_594 : i32
          %sub3A_703 = arith.constant 7 : i32
          %sub3A_704 = arith.subi %sub3A_703, %scan3A_682 : i32
          %mul3A_705 = arith.constant 128 : i32
          %mul3A_706 = arith.muli %sub3A_704, %mul3A_705 : i32
          %add3A_707 = arith.addi %add3A_702, %mul3A_706 : i32
          %add3A_708 = arith.constant 0 : i32
          %add3A_709 = arith.addi %add3A_700, %add3A_708 : i32
          %get3A = arith.index_cast %add3A_709 : i32 to index
          %get3A_710 = tpu.vector_load %arg8[%get3A] {strides = array<i32>} : memref<40960xf32, #tpu.memory_space<vmem>>, vector<16xf32>,
          %add3A_711 = arith.constant 0 : i32
          %add3A_712 = arith.addi %add3A_700, %add3A_711 : i32
          %add3A_713 = arith.constant 4096 : i32
          %add3A_714 = arith.addi %add3A_712, %add3A_713 : i32
          %get3A_715 = arith.index_cast %add3A_714 : i32 to index
          %get3A_716 = tpu.vector_load %arg8[%get3A_715] {strides = array<i32>} : memref<40960xf32, #tpu.memory_space<vmem>>, vector<16xf32>,
          %add3A_717 = arith.constant 0 : i32
          %add3A_718 = arith.addi %add3A_700, %add3A_717 : i32
          %add3A_719 = arith.constant 8192 : i32
          %add3A_720 = arith.addi %add3A_718, %add3A_719 : i32
          %get3A_721 = arith.index_cast %add3A_720 : i32 to index
          %get3A_722 = tpu.vector_load %arg8[%get3A_721] {strides = array<i32>} : memref<40960xf32, #tpu.memory_space<vmem>>, vector<16xf32>,
          %add3A_723 = arith.constant 0 : i32
          %add3A_724 = arith.addi %add3A_700, %add3A_723 : i32
          %add3A_725 = arith.constant 12288 : i32
          %add3A_726 = arith.addi %add3A_724, %add3A_725 : i32
          %get3A_727 = arith.index_cast %add3A_726 : i32 to index
          %get3A_728 = tpu.vector_load %arg8[%get3A_727] {strides = array<i32>} : memref<40960xf32, #tpu.memory_space<vmem>>, vector<16xf32>,
          %add3A_729 = arith.constant 0 : i32
          %add3A_730 = arith.addi %add3A_700, %add3A_729 : i32
          %add3A_731 = arith.constant 16384 : i32
          %add3A_732 = arith.addi %add3A_730, %add3A_731 : i32
          %get3A_733 = arith.index_cast %add3A_732 : i32 to index
          %get3A_734 = tpu.vector_load %arg8[%get3A_733] {strides = array<i32>} : memref<40960xf32, #tpu.memory_space<vmem>>, vector<16xf32>,
          %add3A_735 = arith.constant 0 : i32
          %add3A_736 = arith.addi %add3A_707, %add3A_735 : i32
          %get3A_737 = arith.index_cast %add3A_736 : i32 to index
          %get3A_738 = tpu.vector_load %arg9[%get3A_737] {strides = array<i32>} : memref<8192xf32, #tpu.memory_space<vmem>>, vector<16xf32>,
          %sub3A_739 = arith.subf %broadcast_in_dim3A_3, %get3A_728 : vector<16xf32>
          %mul3A_740 = arith.mulf %get3A_710, %get3A_728 : vector<16xf32>
          %mul3A_741 = arith.mulf %scan3A_683, %sub3A_739 : vector<16xf32>
          %add3A_742 = arith.addf %mul3A_740, %mul3A_741 : vector<16xf32>
          %mul3A_743 = arith.mulf %get3A_716, %get3A_728 : vector<16xf32>
          %mul3A_744 = arith.mulf %scan3A_684, %sub3A_739 : vector<16xf32>
          %add3A_745 = arith.addf %mul3A_743, %mul3A_744 : vector<16xf32>
          %mul3A_746 = arith.mulf %get3A_722, %get3A_728 : vector<16xf32>
          %mul3A_747 = arith.mulf %scan3A_685, %sub3A_739 : vector<16xf32>
          %add3A_748 = arith.addf %mul3A_746, %mul3A_747 : vector<16xf32>
          %max3A = arith.maximumf %get3A_728, %scan3A_686 : vector<16xf32>
          %gt3A_749 = arith.constant 0.000000e+00 : f32
          %gt3A_750 = vector.broadcast %gt3A_749 : f32 to vector<16xf32>
          %gt3A_751 = arith.cmpf ogt, %get3A_738, %gt3A_750 : vector<16xf32>
          %mul3A_752 = arith.mulf %get3A_738, %get3A_728 : vector<16xf32>
          %mul3A_753 = arith.mulf %scan3A_687, %sub3A_739 : vector<16xf32>
          %add3A_754 = arith.addf %mul3A_752, %mul3A_753 : vector<16xf32>
          %select_n3A_755 = arith.select %gt3A_751, %add3A_754, %scan3A_687 : vector<16xi1>, vector<16xf32>
          %ge3A_756 = arith.constant 0.000000e+00 : f32
          %ge3A_757 = vector.broadcast %ge3A_756 : f32 to vector<16xf32>
          %ge3A_758 = arith.cmpf oge, %get3A_738, %ge3A_757 : vector<16xf32>
          %gt3A_759 = arith.constant 5.000000e-01 : f32
          %gt3A_760 = vector.broadcast %gt3A_759 : f32 to vector<16xf32>
          %gt3A_761 = arith.cmpf ogt, %get3A_728, %gt3A_760 : vector<16xf32>
          %and3A_762 = arith.andi %ge3A_758, %gt3A_761 : vector<16xi1>
          %select_n3A_763 = arith.select %and3A_762, %get3A_734, %scan3A_688 : vector<16xi1>, vector<16xf32>
          %convert_element_type3A_764 = arith.fptosi %get3A_734 : vector<16xf32> to vector<16xi32>
          %shift_left3A = arith.constant 11 : i32
          %shift_left3A_765 = vector.broadcast %shift_left3A : i32 to vector<16xi32>
          %shift_left3A_766 = arith.shli %convert_element_type3A_764, %shift_left3A_765 : vector<16xi32>
          %add3A_767 = arith.addi %shift_left3A_766, %add3A_609 : vector<16xi32>
          %mul3A_768 = arith.mulf %get3A_710, %get3A_728 : vector<16xf32>
          %add3A_769 = arith.addf %mul3A_768, %sub3A_739 : vector<16xf32>
          tpu.vector_store_idx %arg11[%add3A_767], %add3A_769 masked %ge3A_758 : memref<49152xf32, #tpu.memory_space<vmem>>[vector<16xi32>], vector<16xf32>, vector<16xi1>
          %mul3A_770 = arith.mulf %get3A_716, %get3A_728 : vector<16xf32>
          %add3A_771 = arith.addf %mul3A_770, %sub3A_739 : vector<16xf32>
          %scatter3A = arith.constant 128 : i32
          %scatter3A_772 = tpu.memref_slice %arg11[%scatter3A] : memref<49152xf32, #tpu.memory_space<vmem>> -> memref<49024xf32, #tpu.memory_space<vmem>>
          tpu.vector_store_idx %scatter3A_772[%add3A_767], %add3A_771 masked %ge3A_758 : memref<49024xf32, #tpu.memory_space<vmem>>[vector<16xi32>], vector<16xf32>, vector<16xi1>
          %mul3A_773 = arith.mulf %get3A_722, %get3A_728 : vector<16xf32>
          %add3A_774 = arith.addf %mul3A_773, %sub3A_739 : vector<16xf32>
          %scatter3A_775 = arith.constant 256 : i32
          %scatter3A_776 = tpu.memref_slice %arg11[%scatter3A_775] : memref<49152xf32, #tpu.memory_space<vmem>> -> memref<48896xf32, #tpu.memory_space<vmem>>
          tpu.vector_store_idx %scatter3A_776[%add3A_767], %add3A_774 masked %ge3A_758 : memref<48896xf32, #tpu.memory_space<vmem>>[vector<16xi32>], vector<16xf32>, vector<16xi1>
          %scatter3A_777 = arith.constant 384 : i32
          %scatter3A_778 = tpu.memref_slice %arg11[%scatter3A_777] : memref<49152xf32, #tpu.memory_space<vmem>> -> memref<48768xf32, #tpu.memory_space<vmem>>
          tpu.vector_store_idx %scatter3A_778[%add3A_767], %get3A_728 masked %ge3A_758 : memref<48768xf32, #tpu.memory_space<vmem>>[vector<16xi32>], vector<16xf32>, vector<16xi1>
          %add3A_779 = arith.constant 16 : i32
          %add3A_780 = arith.addi %add3A_700, %add3A_779 : i32
          %get3A_781 = arith.index_cast %add3A_780 : i32 to index
          %get3A_782 = tpu.vector_load %arg8[%get3A_781] {strides = array<i32>} : memref<40960xf32, #tpu.memory_space<vmem>>, vector<16xf32>,
          %add3A_783 = arith.constant 16 : i32
          %add3A_784 = arith.addi %add3A_700, %add3A_783 : i32
          %add3A_785 = arith.constant 4096 : i32
          %add3A_786 = arith.addi %add3A_784, %add3A_785 : i32
          %get3A_787 = arith.index_cast %add3A_786 : i32 to index
          %get3A_788 = tpu.vector_load %arg8[%get3A_787] {strides = array<i32>} : memref<40960xf32, #tpu.memory_space<vmem>>, vector<16xf32>,
          %add3A_789 = arith.constant 16 : i32
          %add3A_790 = arith.addi %add3A_700, %add3A_789 : i32
          %add3A_791 = arith.constant 8192 : i32
          %add3A_792 = arith.addi %add3A_790, %add3A_791 : i32
          %get3A_793 = arith.index_cast %add3A_792 : i32 to index
          %get3A_794 = tpu.vector_load %arg8[%get3A_793] {strides = array<i32>} : memref<40960xf32, #tpu.memory_space<vmem>>, vector<16xf32>,
          %add3A_795 = arith.constant 16 : i32
          %add3A_796 = arith.addi %add3A_700, %add3A_795 : i32
          %add3A_797 = arith.constant 12288 : i32
          %add3A_798 = arith.addi %add3A_796, %add3A_797 : i32
          %get3A_799 = arith.index_cast %add3A_798 : i32 to index
          %get3A_800 = tpu.vector_load %arg8[%get3A_799] {strides = array<i32>} : memref<40960xf32, #tpu.memory_space<vmem>>, vector<16xf32>,
          %add3A_801 = arith.constant 16 : i32
          %add3A_802 = arith.addi %add3A_700, %add3A_801 : i32
          %add3A_803 = arith.constant 16384 : i32
          %add3A_804 = arith.addi %add3A_802, %add3A_803 : i32
          %get3A_805 = arith.index_cast %add3A_804 : i32 to index
          %get3A_806 = tpu.vector_load %arg8[%get3A_805] {strides = array<i32>} : memref<40960xf32, #tpu.memory_space<vmem>>, vector<16xf32>,
          %add3A_807 = arith.constant 16 : i32
          %add3A_808 = arith.addi %add3A_707, %add3A_807 : i32
          %get3A_809 = arith.index_cast %add3A_808 : i32 to index
          %get3A_810 = tpu.vector_load %arg9[%get3A_809] {strides = array<i32>} : memref<8192xf32, #tpu.memory_space<vmem>>, vector<16xf32>,
          %sub3A_811 = arith.subf %broadcast_in_dim3A_3, %get3A_800 : vector<16xf32>
          %mul3A_812 = arith.mulf %get3A_782, %get3A_800 : vector<16xf32>
          %mul3A_813 = arith.mulf %scan3A_689, %sub3A_811 : vector<16xf32>
          %add3A_814 = arith.addf %mul3A_812, %mul3A_813 : vector<16xf32>
          %mul3A_815 = arith.mulf %get3A_788, %get3A_800 : vector<16xf32>
          %mul3A_816 = arith.mulf %scan3A_690, %sub3A_811 : vector<16xf32>
          %add3A_817 = arith.addf %mul3A_815, %mul3A_816 : vector<16xf32>
          %mul3A_818 = arith.mulf %get3A_794, %get3A_800 : vector<16xf32>
          %mul3A_819 = arith.mulf %scan3A_691, %sub3A_811 : vector<16xf32>
          %add3A_820 = arith.addf %mul3A_818, %mul3A_819 : vector<16xf32>
          %max3A_821 = arith.maximumf %get3A_800, %scan3A_692 : vector<16xf32>
          %gt3A_822 = arith.constant 0.000000e+00 : f32
          %gt3A_823 = vector.broadcast %gt3A_822 : f32 to vector<16xf32>
          %gt3A_824 = arith.cmpf ogt, %get3A_810, %gt3A_823 : vector<16xf32>
          %mul3A_825 = arith.mulf %get3A_810, %get3A_800 : vector<16xf32>
          %mul3A_826 = arith.mulf %scan3A_693, %sub3A_811 : vector<16xf32>
          %add3A_827 = arith.addf %mul3A_825, %mul3A_826 : vector<16xf32>
          %select_n3A_828 = arith.select %gt3A_824, %add3A_827, %scan3A_693 : vector<16xi1>, vector<16xf32>
          %ge3A_829 = arith.constant 0.000000e+00 : f32
          %ge3A_830 = vector.broadcast %ge3A_829 : f32 to vector<16xf32>
          %ge3A_831 = arith.cmpf oge, %get3A_810, %ge3A_830 : vector<16xf32>
          %gt3A_832 = arith.constant 5.000000e-01 : f32
          %gt3A_833 = vector.broadcast %gt3A_832 : f32 to vector<16xf32>
          %gt3A_834 = arith.cmpf ogt, %get3A_800, %gt3A_833 : vector<16xf32>
          %and3A_835 = arith.andi %ge3A_831, %gt3A_834 : vector<16xi1>
          %select_n3A_836 = arith.select %and3A_835, %get3A_806, %scan3A_694 : vector<16xi1>, vector<16xf32>
          %convert_element_type3A_837 = arith.fptosi %get3A_806 : vector<16xf32> to vector<16xi32>
          %shift_left3A_838 = arith.constant 11 : i32
          %shift_left3A_839 = vector.broadcast %shift_left3A_838 : i32 to vector<16xi32>
          %shift_left3A_840 = arith.shli %convert_element_type3A_837, %shift_left3A_839 : vector<16xi32>
          %add3A_841 = arith.addi %shift_left3A_840, %add3A_612 : vector<16xi32>
          %mul3A_842 = arith.mulf %get3A_782, %get3A_800 : vector<16xf32>
          %add3A_843 = arith.addf %mul3A_842, %sub3A_811 : vector<16xf32>
          tpu.vector_store_idx %arg11[%add3A_841], %add3A_843 masked %ge3A_831 : memref<49152xf32, #tpu.memory_space<vmem>>[vector<16xi32>], vector<16xf32>, vector<16xi1>
          %mul3A_844 = arith.mulf %get3A_788, %get3A_800 : vector<16xf32>
          %add3A_845 = arith.addf %mul3A_844, %sub3A_811 : vector<16xf32>
          %scatter3A_846 = arith.constant 128 : i32
          %scatter3A_847 = tpu.memref_slice %arg11[%scatter3A_846] : memref<49152xf32, #tpu.memory_space<vmem>> -> memref<49024xf32, #tpu.memory_space<vmem>>
          tpu.vector_store_idx %scatter3A_847[%add3A_841], %add3A_845 masked %ge3A_831 : memref<49024xf32, #tpu.memory_space<vmem>>[vector<16xi32>], vector<16xf32>, vector<16xi1>
          %mul3A_848 = arith.mulf %get3A_794, %get3A_800 : vector<16xf32>
          %add3A_849 = arith.addf %mul3A_848, %sub3A_811 : vector<16xf32>
          %scatter3A_850 = arith.constant 256 : i32
          %scatter3A_851 = tpu.memref_slice %arg11[%scatter3A_850] : memref<49152xf32, #tpu.memory_space<vmem>> -> memref<48896xf32, #tpu.memory_space<vmem>>
          tpu.vector_store_idx %scatter3A_851[%add3A_841], %add3A_849 masked %ge3A_831 : memref<48896xf32, #tpu.memory_space<vmem>>[vector<16xi32>], vector<16xf32>, vector<16xi1>
          %scatter3A_852 = arith.constant 384 : i32
          %scatter3A_853 = tpu.memref_slice %arg11[%scatter3A_852] : memref<49152xf32, #tpu.memory_space<vmem>> -> memref<48768xf32, #tpu.memory_space<vmem>>
          tpu.vector_store_idx %scatter3A_853[%add3A_841], %get3A_800 masked %ge3A_831 : memref<48768xf32, #tpu.memory_space<vmem>>[vector<16xi32>], vector<16xf32>, vector<16xi1>
          scf.yield %add3A_742, %add3A_745, %add3A_748, %max3A, %select_n3A_755, %select_n3A_763, %add3A_814, %add3A_817, %add3A_820, %max3A_821, %select_n3A_828, %select_n3A_836 : vector<16xf32>, vector<16xf32>, vector<16xf32>, vector<16xf32>, vector<16xf32>, vector<16xf32>, vector<16xf32>, vector<16xf32>, vector<16xf32>, vector<16xf32>, vector<16xf32>, vector<16xf32>
        }
        %scan3A_622 = arith.constant 8 : i32
        %broadcast_in_dim3A_623 = arith.constant -1.000000e+00 : f32
        %broadcast_in_dim3A_624 = vector.broadcast %broadcast_in_dim3A_623 : f32 to vector<16xf32>
        %gt3A = arith.constant 7.500000e+00 : f32
        %gt3A_625 = vector.broadcast %gt3A : f32 to vector<16xf32>
        %gt3A_626 = arith.cmpf ogt, %scan3A_621#5, %gt3A_625 : vector<16xf32>
        %select_n3A_627 = arith.select %gt3A_626, %broadcast_in_dim3A_624, %scan3A_621#5 : vector<16xi1>, vector<16xf32>
        %gt3A_628 = arith.constant 7.500000e+00 : f32
        %gt3A_629 = vector.broadcast %gt3A_628 : f32 to vector<16xf32>
        %gt3A_630 = arith.cmpf ogt, %scan3A_621#11, %gt3A_629 : vector<16xf32>
        %select_n3A_631 = arith.select %gt3A_630, %broadcast_in_dim3A_624, %scan3A_621#11 : vector<16xi1>, vector<16xf32>
        %swap3A = arith.index_cast %add3A_601 : i32 to index
        %swap3A_632 = tpu.vector_load %arg10[%swap3A] {strides = array<i32>} : memref<4096xf32, #tpu.memory_space<vmem>>, vector<16xf32>,
        tpu.vector_store %arg10[%swap3A], %scan3A_621#0 {strides = array<i32>} : memref<4096xf32, #tpu.memory_space<vmem>>, vector<16xf32>,
        %add3A_633 = arith.constant 16 : i32
        %add3A_634 = arith.addi %add3A_601, %add3A_633 : i32
        %swap3A_635 = arith.index_cast %add3A_634 : i32 to index
        %swap3A_636 = tpu.vector_load %arg10[%swap3A_635] {strides = array<i32>} : memref<4096xf32, #tpu.memory_space<vmem>>, vector<16xf32>,
        tpu.vector_store %arg10[%swap3A_635], %scan3A_621#6 {strides = array<i32>} : memref<4096xf32, #tpu.memory_space<vmem>>, vector<16xf32>,
        %add3A_637 = arith.constant 128 : i32
        %add3A_638 = arith.addi %add3A_601, %add3A_637 : i32
        %swap3A_639 = arith.index_cast %add3A_638 : i32 to index
        %swap3A_640 = tpu.vector_load %arg10[%swap3A_639] {strides = array<i32>} : memref<4096xf32, #tpu.memory_space<vmem>>, vector<16xf32>,
        tpu.vector_store %arg10[%swap3A_639], %scan3A_621#1 {strides = array<i32>} : memref<4096xf32, #tpu.memory_space<vmem>>, vector<16xf32>,
        %add3A_641 = arith.constant 144 : i32
        %add3A_642 = arith.addi %add3A_601, %add3A_641 : i32
        %swap3A_643 = arith.index_cast %add3A_642 : i32 to index
        %swap3A_644 = tpu.vector_load %arg10[%swap3A_643] {strides = array<i32>} : memref<4096xf32, #tpu.memory_space<vmem>>, vector<16xf32>,
        tpu.vector_store %arg10[%swap3A_643], %scan3A_621#7 {strides = array<i32>} : memref<4096xf32, #tpu.memory_space<vmem>>, vector<16xf32>,
        %add3A_645 = arith.constant 256 : i32
        %add3A_646 = arith.addi %add3A_601, %add3A_645 : i32
        %swap3A_647 = arith.index_cast %add3A_646 : i32 to index
        %swap3A_648 = tpu.vector_load %arg10[%swap3A_647] {strides = array<i32>} : memref<4096xf32, #tpu.memory_space<vmem>>, vector<16xf32>,
        tpu.vector_store %arg10[%swap3A_647], %scan3A_621#2 {strides = array<i32>} : memref<4096xf32, #tpu.memory_space<vmem>>, vector<16xf32>,
        %add3A_649 = arith.constant 272 : i32
        %add3A_650 = arith.addi %add3A_601, %add3A_649 : i32
        %swap3A_651 = arith.index_cast %add3A_650 : i32 to index
        %swap3A_652 = tpu.vector_load %arg10[%swap3A_651] {strides = array<i32>} : memref<4096xf32, #tpu.memory_space<vmem>>, vector<16xf32>,
        tpu.vector_store %arg10[%swap3A_651], %scan3A_621#8 {strides = array<i32>} : memref<4096xf32, #tpu.memory_space<vmem>>, vector<16xf32>,
        %add3A_653 = arith.constant 384 : i32
        %add3A_654 = arith.addi %add3A_601, %add3A_653 : i32
        %swap3A_655 = arith.index_cast %add3A_654 : i32 to index
        %swap3A_656 = tpu.vector_load %arg10[%swap3A_655] {strides = array<i32>} : memref<4096xf32, #tpu.memory_space<vmem>>, vector<16xf32>,
        tpu.vector_store %arg10[%swap3A_655], %scan3A_621#3 {strides = array<i32>} : memref<4096xf32, #tpu.memory_space<vmem>>, vector<16xf32>,
        %add3A_657 = arith.constant 400 : i32
        %add3A_658 = arith.addi %add3A_601, %add3A_657 : i32
        %swap3A_659 = arith.index_cast %add3A_658 : i32 to index
        %swap3A_660 = tpu.vector_load %arg10[%swap3A_659] {strides = array<i32>} : memref<4096xf32, #tpu.memory_space<vmem>>, vector<16xf32>,
        tpu.vector_store %arg10[%swap3A_659], %scan3A_621#9 {strides = array<i32>} : memref<4096xf32, #tpu.memory_space<vmem>>, vector<16xf32>,
        %mul3A_661 = arith.constant 1024 : i32
        %mul3A_662 = arith.muli %shift_right_arithmetic3A_587, %mul3A_661 : i32
        %add3A_663 = arith.addi %add3A_299, %mul3A_662 : i32
        %mul3A_664 = arith.constant 16 : i32
        %mul3A_665 = arith.muli %and3A_589, %mul3A_664 : i32
        %add3A_666 = arith.addi %add3A_663, %mul3A_665 : i32
        %swap3A_667 = arith.index_cast %add3A_666 : i32 to index
        %swap3A_668 = tpu.vector_load %arg12[%swap3A_667] {strides = array<i32>} : memref<8192xf32, #tpu.memory_space<vmem>>, vector<16xf32>,
        tpu.vector_store %arg12[%swap3A_667], %scan3A_621#4 {strides = array<i32>} : memref<8192xf32, #tpu.memory_space<vmem>>, vector<16xf32>,
        %add3A_669 = arith.constant 16 : i32
        %add3A_670 = arith.addi %add3A_666, %add3A_669 : i32
        %swap3A_671 = arith.index_cast %add3A_670 : i32 to index
        %swap3A_672 = tpu.vector_load %arg12[%swap3A_671] {strides = array<i32>} : memref<8192xf32, #tpu.memory_space<vmem>>, vector<16xf32>,
        tpu.vector_store %arg12[%swap3A_671], %scan3A_621#10 {strides = array<i32>} : memref<8192xf32, #tpu.memory_space<vmem>>, vector<16xf32>,
        %convert_element_type3A_673 = arith.fptosi %select_n3A_627 : vector<16xf32> to vector<16xi32>
        %swap3A_674 = arith.index_cast %add3A_666 : i32 to index
        %swap3A_675 = tpu.vector_load %arg13[%swap3A_674] {strides = array<i32>} : memref<8192xi32, #tpu.memory_space<vmem>>, vector<16xi32>,
        tpu.vector_store %arg13[%swap3A_674], %convert_element_type3A_673 {strides = array<i32>} : memref<8192xi32, #tpu.memory_space<vmem>>, vector<16xi32>,
        %convert_element_type3A_676 = arith.fptosi %select_n3A_631 : vector<16xf32> to vector<16xi32>
        %add3A_677 = arith.constant 16 : i32
        %add3A_678 = arith.addi %add3A_666, %add3A_677 : i32
        %swap3A_679 = arith.index_cast %add3A_678 : i32 to index
        %swap3A_680 = tpu.vector_load %arg13[%swap3A_679] {strides = array<i32>} : memref<8192xi32, #tpu.memory_space<vmem>>, vector<16xi32>,
        tpu.vector_store %arg13[%swap3A_679], %convert_element_type3A_676 {strides = array<i32>} : memref<8192xi32, #tpu.memory_space<vmem>>, vector<16xi32>,
        %scan3A_681 = arith.constant 0 : i32
        scf.yield %scan3A_681 : i32
      }
      %scan3A_306 = arith.constant 16 : i32
      %add3A_307 = arith.addi %mul3A_2, %add3A_142 : i32
      %mul3A_308 = arith.constant 2048 : i32
      %mul3A_309 = arith.muli %add3A_307, %mul3A_308 : i32
      %dma_start3A_310 = arith.constant 0 : i32
      %dma_start3A_311 = tpu.memref_slice %arg10[%dma_start3A_310] : memref<4096xf32, #tpu.memory_space<vmem>> -> memref<2048xf32, #tpu.memory_space<vmem>>
      %dma_start3A_312 = tpu.memref_slice %arg4[%mul3A_309] : memref<2097152xf32, #tpu.memory_space<hbm>> -> memref<2048xf32, #tpu.memory_space<hbm>>
      %dma_start3A_313 = tpu.memref_slice %arg4[%mul3A_309] : memref<2097152xf32, #tpu.memory_space<hbm>> -> memref<2048xf32, #tpu.memory_space<hbm>>
      %dma_start3A_314 = arith.constant 0 : i32
      %dma_start3A_315 = tpu.memref_slice %arg10[%dma_start3A_314] : memref<4096xf32, #tpu.memory_space<vmem>> -> memref<2048xf32, #tpu.memory_space<vmem>>
      tpu.enqueue_dma source(%dma_start3A_315 : memref<2048xf32, #tpu.memory_space<vmem>>) target(%dma_start3A_313 : memref<2048xf32, #tpu.memory_space<hbm>>) target_semaphore(%arg19 : memref<!tpu.dma_semaphore, #tpu.memory_space<semaphore_mem>>)
      %eq3A_316 = arith.constant 0 : i32
      %eq3A_317 = arith.cmpi eq, %select_n3A_249, %eq3A_316 : i32
      %convert_element_type3A_318 = arith.extui %eq3A_317 : i1 to i32
      %cond3A_319 = arith.constant 0 : i32
      %cond3A_320 = arith.cmpi ne, %convert_element_type3A_318, %cond3A_319 : i32
      scf.if %cond3A_320 {
        %mul3A_582 = arith.constant 16384 : i32
        %mul3A_583 = arith.muli %add3A_307, %mul3A_582 : i32
        %dma_start3A_584 = arith.constant 0 : i32
        %dma_start3A_585 = tpu.memref_slice %arg11[%dma_start3A_584] : memref<49152xf32, #tpu.memory_space<vmem>> -> memref<16384xf32, #tpu.memory_space<vmem>>
        %dma_start3A_586 = tpu.memref_slice %arg7[%mul3A_583] : memref<16777216xf32, #tpu.memory_space<hbm>> -> memref<16384xf32, #tpu.memory_space<hbm>>
        %dma_start3A_587 = tpu.memref_slice %arg7[%mul3A_583] : memref<16777216xf32, #tpu.memory_space<hbm>> -> memref<16384xf32, #tpu.memory_space<hbm>>
        %dma_start3A_588 = arith.constant 0 : i32
        %dma_start3A_589 = tpu.memref_slice %arg11[%dma_start3A_588] : memref<49152xf32, #tpu.memory_space<vmem>> -> memref<16384xf32, #tpu.memory_space<vmem>>
        tpu.enqueue_dma source(%dma_start3A_589 : memref<16384xf32, #tpu.memory_space<vmem>>) target(%dma_start3A_587 : memref<16384xf32, #tpu.memory_space<hbm>>) target_semaphore(%arg21 : memref<!tpu.dma_semaphore, #tpu.memory_space<semaphore_mem>>)
      } else {
      }
      %eq3A_321 = arith.constant 1 : i32
      %eq3A_322 = arith.cmpi eq, %select_n3A_249, %eq3A_321 : i32
      %convert_element_type3A_323 = arith.extui %eq3A_322 : i1 to i32
      %cond3A_324 = arith.constant 0 : i32
      %cond3A_325 = arith.cmpi ne, %convert_element_type3A_323, %cond3A_324 : i32
      scf.if %cond3A_325 {
        %mul3A_582 = arith.constant 16384 : i32
        %mul3A_583 = arith.muli %add3A_307, %mul3A_582 : i32
        %dma_start3A_584 = arith.constant 16384 : i32
        %dma_start3A_585 = tpu.memref_slice %arg11[%dma_start3A_584] : memref<49152xf32, #tpu.memory_space<vmem>> -> memref<16384xf32, #tpu.memory_space<vmem>>
        %dma_start3A_586 = tpu.memref_slice %arg7[%mul3A_583] : memref<16777216xf32, #tpu.memory_space<hbm>> -> memref<16384xf32, #tpu.memory_space<hbm>>
        %dma_start3A_587 = tpu.memref_slice %arg7[%mul3A_583] : memref<16777216xf32, #tpu.memory_space<hbm>> -> memref<16384xf32, #tpu.memory_space<hbm>>
        %dma_start3A_588 = arith.constant 16384 : i32
        %dma_start3A_589 = tpu.memref_slice %arg11[%dma_start3A_588] : memref<49152xf32, #tpu.memory_space<vmem>> -> memref<16384xf32, #tpu.memory_space<vmem>>
        tpu.enqueue_dma source(%dma_start3A_589 : memref<16384xf32, #tpu.memory_space<vmem>>) target(%dma_start3A_587 : memref<16384xf32, #tpu.memory_space<hbm>>) target_semaphore(%arg22 : memref<!tpu.dma_semaphore, #tpu.memory_space<semaphore_mem>>)
      } else {
      }
      %eq3A_326 = arith.constant 2 : i32
      %eq3A_327 = arith.cmpi eq, %select_n3A_249, %eq3A_326 : i32
      %convert_element_type3A_328 = arith.extui %eq3A_327 : i1 to i32
      %cond3A_329 = arith.constant 0 : i32
      %cond3A_330 = arith.cmpi ne, %convert_element_type3A_328, %cond3A_329 : i32
      scf.if %cond3A_330 {
        %mul3A_582 = arith.constant 16384 : i32
        %mul3A_583 = arith.muli %add3A_307, %mul3A_582 : i32
        %dma_start3A_584 = arith.constant 32768 : i32
        %dma_start3A_585 = tpu.memref_slice %arg11[%dma_start3A_584] : memref<49152xf32, #tpu.memory_space<vmem>> -> memref<16384xf32, #tpu.memory_space<vmem>>
        %dma_start3A_586 = tpu.memref_slice %arg7[%mul3A_583] : memref<16777216xf32, #tpu.memory_space<hbm>> -> memref<16384xf32, #tpu.memory_space<hbm>>
        %dma_start3A_587 = tpu.memref_slice %arg7[%mul3A_583] : memref<16777216xf32, #tpu.memory_space<hbm>> -> memref<16384xf32, #tpu.memory_space<hbm>>
        %dma_start3A_588 = arith.constant 32768 : i32
        %dma_start3A_589 = tpu.memref_slice %arg11[%dma_start3A_588] : memref<49152xf32, #tpu.memory_space<vmem>> -> memref<16384xf32, #tpu.memory_space<vmem>>
        tpu.enqueue_dma source(%dma_start3A_589 : memref<16384xf32, #tpu.memory_space<vmem>>) target(%dma_start3A_587 : memref<16384xf32, #tpu.memory_space<hbm>>) target_semaphore(%arg23 : memref<!tpu.dma_semaphore, #tpu.memory_space<semaphore_mem>>)
      } else {
      }
      %and3A_331 = arith.constant 7 : i32
      %and3A_332 = arith.andi %add3A_142, %and3A_331 : i32
      %eq3A_333 = arith.constant 7 : i32
      %eq3A_334 = arith.cmpi eq, %and3A_332, %eq3A_333 : i32
      %eq3A_335 = arith.constant 0 : i32
      %eq3A_336 = arith.cmpi eq, %and3A_145, %eq3A_335 : i32
      %and3A_337 = arith.andi %eq3A_334, %eq3A_336 : i1
      %convert_element_type3A_338 = arith.extui %and3A_337 : i1 to i32
      %cond3A_339 = arith.constant 0 : i32
      %cond3A_340 = arith.cmpi ne, %convert_element_type3A_338, %cond3A_339 : i32
      scf.if %cond3A_340 {
        %shift_right_arithmetic3A_582 = arith.constant 3 : i32
        %shift_right_arithmetic3A_583 = arith.shrsi %add3A_307, %shift_right_arithmetic3A_582 : i32
        %mul3A_584 = arith.constant 4096 : i32
        %mul3A_585 = arith.muli %shift_right_arithmetic3A_583, %mul3A_584 : i32
        %dma_start3A_586 = arith.constant 0 : i32
        %dma_start3A_587 = tpu.memref_slice %arg12[%dma_start3A_586] : memref<8192xf32, #tpu.memory_space<vmem>> -> memref<4096xf32, #tpu.memory_space<vmem>>
        %dma_start3A_588 = tpu.memref_slice %arg5[%mul3A_585] : memref<524288xf32, #tpu.memory_space<hbm>> -> memref<4096xf32, #tpu.memory_space<hbm>>
        %dma_start3A_589 = tpu.memref_slice %arg5[%mul3A_585] : memref<524288xf32, #tpu.memory_space<hbm>> -> memref<4096xf32, #tpu.memory_space<hbm>>
        %dma_start3A_590 = arith.constant 0 : i32
        %dma_start3A_591 = tpu.memref_slice %arg12[%dma_start3A_590] : memref<8192xf32, #tpu.memory_space<vmem>> -> memref<4096xf32, #tpu.memory_space<vmem>>
        tpu.enqueue_dma source(%dma_start3A_591 : memref<4096xf32, #tpu.memory_space<vmem>>) target(%dma_start3A_589 : memref<4096xf32, #tpu.memory_space<hbm>>) target_semaphore(%arg24 : memref<!tpu.dma_semaphore, #tpu.memory_space<semaphore_mem>>)
        %mul3A_592 = arith.constant 4096 : i32
        %mul3A_593 = arith.muli %shift_right_arithmetic3A_583, %mul3A_592 : i32
        %dma_start3A_594 = arith.constant 0 : i32
        %dma_start3A_595 = tpu.memref_slice %arg13[%dma_start3A_594] : memref<8192xi32, #tpu.memory_space<vmem>> -> memref<4096xi32, #tpu.memory_space<vmem>>
        %dma_start3A_596 = tpu.memref_slice %arg6[%mul3A_593] : memref<524288xi32, #tpu.memory_space<hbm>> -> memref<4096xi32, #tpu.memory_space<hbm>>
        %dma_start3A_597 = tpu.memref_slice %arg6[%mul3A_593] : memref<524288xi32, #tpu.memory_space<hbm>> -> memref<4096xi32, #tpu.memory_space<hbm>>
        %dma_start3A_598 = arith.constant 0 : i32
        %dma_start3A_599 = tpu.memref_slice %arg13[%dma_start3A_598] : memref<8192xi32, #tpu.memory_space<vmem>> -> memref<4096xi32, #tpu.memory_space<vmem>>
        tpu.enqueue_dma source(%dma_start3A_599 : memref<4096xi32, #tpu.memory_space<vmem>>) target(%dma_start3A_597 : memref<4096xi32, #tpu.memory_space<hbm>>) target_semaphore(%arg26 : memref<!tpu.dma_semaphore, #tpu.memory_space<semaphore_mem>>)
      } else {
      }
      %and3A_341 = arith.constant 7 : i32
      %and3A_342 = arith.andi %add3A_142, %and3A_341 : i32
      %eq3A_343 = arith.constant 7 : i32
      %eq3A_344 = arith.cmpi eq, %and3A_342, %eq3A_343 : i32
      %eq3A_345 = arith.constant 1 : i32
      %eq3A_346 = arith.cmpi eq, %and3A_145, %eq3A_345 : i32
      %and3A_347 = arith.andi %eq3A_344, %eq3A_346 : i1
      %convert_element_type3A_348 = arith.extui %and3A_347 : i1 to i32
      %cond3A_349 = arith.constant 0 : i32
      %cond3A_350 = arith.cmpi ne, %convert_element_type3A_348, %cond3A_349 : i32
      scf.if %cond3A_350 {
        %shift_right_arithmetic3A_582 = arith.constant 3 : i32
        %shift_right_arithmetic3A_583 = arith.shrsi %add3A_307, %shift_right_arithmetic3A_582 : i32
        %mul3A_584 = arith.constant 4096 : i32
        %mul3A_585 = arith.muli %shift_right_arithmetic3A_583, %mul3A_584 : i32
        %dma_start3A_586 = arith.constant 4096 : i32
        %dma_start3A_587 = tpu.memref_slice %arg12[%dma_start3A_586] : memref<8192xf32, #tpu.memory_space<vmem>> -> memref<4096xf32, #tpu.memory_space<vmem>>
        %dma_start3A_588 = tpu.memref_slice %arg5[%mul3A_585] : memref<524288xf32, #tpu.memory_space<hbm>> -> memref<4096xf32, #tpu.memory_space<hbm>>
        %dma_start3A_589 = tpu.memref_slice %arg5[%mul3A_585] : memref<524288xf32, #tpu.memory_space<hbm>> -> memref<4096xf32, #tpu.memory_space<hbm>>
        %dma_start3A_590 = arith.constant 4096 : i32
        %dma_start3A_591 = tpu.memref_slice %arg12[%dma_start3A_590] : memref<8192xf32, #tpu.memory_space<vmem>> -> memref<4096xf32, #tpu.memory_space<vmem>>
        tpu.enqueue_dma source(%dma_start3A_591 : memref<4096xf32, #tpu.memory_space<vmem>>) target(%dma_start3A_589 : memref<4096xf32, #tpu.memory_space<hbm>>) target_semaphore(%arg25 : memref<!tpu.dma_semaphore, #tpu.memory_space<semaphore_mem>>)
        %mul3A_592 = arith.constant 4096 : i32
        %mul3A_593 = arith.muli %shift_right_arithmetic3A_583, %mul3A_592 : i32
        %dma_start3A_594 = arith.constant 4096 : i32
        %dma_start3A_595 = tpu.memref_slice %arg13[%dma_start3A_594] : memref<8192xi32, #tpu.memory_space<vmem>> -> memref<4096xi32, #tpu.memory_space<vmem>>
        %dma_start3A_596 = tpu.memref_slice %arg6[%mul3A_593] : memref<524288xi32, #tpu.memory_space<hbm>> -> memref<4096xi32, #tpu.memory_space<hbm>>
        %dma_start3A_597 = tpu.memref_slice %arg6[%mul3A_593] : memref<524288xi32, #tpu.memory_space<hbm>> -> memref<4096xi32, #tpu.memory_space<hbm>>
        %dma_start3A_598 = arith.constant 4096 : i32
        %dma_start3A_599 = tpu.memref_slice %arg13[%dma_start3A_598] : memref<8192xi32, #tpu.memory_space<vmem>> -> memref<4096xi32, #tpu.memory_space<vmem>>
        tpu.enqueue_dma source(%dma_start3A_599 : memref<4096xi32, #tpu.memory_space<vmem>>) target(%dma_start3A_597 : memref<4096xi32, #tpu.memory_space<hbm>>) target_semaphore(%arg27 : memref<!tpu.dma_semaphore, #tpu.memory_space<semaphore_mem>>)
      } else {
      }
      %add3A_351 = arith.constant 2 : i32
      %add3A_352 = arith.addi %add3A_142, %add3A_351 : i32
      %lt3A_353 = arith.constant 32 : i32
      %lt3A_354 = arith.cmpi slt, %add3A_352, %lt3A_353 : i32
      %convert_element_type3A_355 = arith.extui %lt3A_354 : i1 to i32
      %cond3A_356 = arith.constant 0 : i32
      %cond3A_357 = arith.cmpi ne, %convert_element_type3A_355, %cond3A_356 : i32
      scf.if %cond3A_357 {
        %add3A_582 = arith.constant 2 : i32
        %add3A_583 = arith.addi %add3A_142, %add3A_582 : i32
        %add3A_584 = arith.addi %mul3A_2, %add3A_583 : i32
        %mul3A_585 = arith.constant 20480 : i32
        %mul3A_586 = arith.muli %add3A_584, %mul3A_585 : i32
        %mul3A_587 = arith.constant 4096 : i32
        %mul3A_588 = arith.muli %add3A_584, %mul3A_587 : i32
        %dma_start3A_589 = arith.constant 0 : i32
        %dma_start3A_590 = tpu.memref_slice %arg8[%dma_start3A_589] : memref<40960xf32, #tpu.memory_space<vmem>> -> memref<20480xf32, #tpu.memory_space<vmem>>
        %dma_start3A_591 = tpu.memref_slice %arg2[%mul3A_586] : memref<20971520xf32, #tpu.memory_space<hbm>> -> memref<20480xf32, #tpu.memory_space<hbm>>
        %dma_start3A_592 = arith.constant 0 : i32
        %dma_start3A_593 = tpu.memref_slice %arg8[%dma_start3A_592] : memref<40960xf32, #tpu.memory_space<vmem>> -> memref<20480xf32, #tpu.memory_space<vmem>>
        %dma_start3A_594 = tpu.memref_slice %arg2[%mul3A_586] : memref<20971520xf32, #tpu.memory_space<hbm>> -> memref<20480xf32, #tpu.memory_space<hbm>>
        tpu.enqueue_dma source(%dma_start3A_594 : memref<20480xf32, #tpu.memory_space<hbm>>) target(%dma_start3A_593 : memref<20480xf32, #tpu.memory_space<vmem>>) target_semaphore(%arg15 : memref<!tpu.dma_semaphore, #tpu.memory_space<semaphore_mem>>)
        %dma_start3A_595 = arith.constant 0 : i32
        %dma_start3A_596 = tpu.memref_slice %arg9[%dma_start3A_595] : memref<8192xf32, #tpu.memory_space<vmem>> -> memref<4096xf32, #tpu.memory_space<vmem>>
        %dma_start3A_597 = tpu.memref_slice %arg3[%mul3A_588] : memref<4194304xf32, #tpu.memory_space<hbm>> -> memref<4096xf32, #tpu.memory_space<hbm>>
        %dma_start3A_598 = arith.constant 0 : i32
        %dma_start3A_599 = tpu.memref_slice %arg9[%dma_start3A_598] : memref<8192xf32, #tpu.memory_space<vmem>> -> memref<4096xf32, #tpu.memory_space<vmem>>
        %dma_start3A_600 = tpu.memref_slice %arg3[%mul3A_588] : memref<4194304xf32, #tpu.memory_space<hbm>> -> memref<4096xf32, #tpu.memory_space<hbm>>
        tpu.enqueue_dma source(%dma_start3A_600 : memref<4096xf32, #tpu.memory_space<hbm>>) target(%dma_start3A_599 : memref<4096xf32, #tpu.memory_space<vmem>>) target_semaphore(%arg17 : memref<!tpu.dma_semaphore, #tpu.memory_space<semaphore_mem>>)
      } else {
      }
      %add3A_358 = arith.constant 1 : i32
      %add3A_359 = arith.addi %add3A_140, %add3A_358 : i32
      %shift_right_arithmetic3A_360 = arith.constant 3 : i32
      %shift_right_arithmetic3A_361 = arith.shrsi %add3A_359, %shift_right_arithmetic3A_360 : i32
      %and3A_362 = arith.constant 1 : i32
      %and3A_363 = arith.andi %shift_right_arithmetic3A_361, %and3A_362 : i32
      %add3A_364 = arith.addi %mul3A_2, %add3A_359 : i32
      %mul3A_365 = arith.constant 20480 : i32
      %mul3A_366 = arith.muli %add3A_364, %mul3A_365 : i32
      %mul3A_367 = arith.constant 4096 : i32
      %mul3A_368 = arith.muli %add3A_364, %mul3A_367 : i32
      %dma_wait3A_369 = arith.constant 20480 : i32
      %dma_wait3A_370 = tpu.memref_slice %arg8[%dma_wait3A_369] : memref<40960xf32, #tpu.memory_space<vmem>> -> memref<20480xf32, #tpu.memory_space<vmem>>
      %dma_wait3A_371 = tpu.memref_slice %arg2[%mul3A_366] : memref<20971520xf32, #tpu.memory_space<hbm>> -> memref<20480xf32, #tpu.memory_space<hbm>>
      %dma_wait3A_372 = arith.constant 20480 : i32
      %dma_wait3A_373 = tpu.memref_slice %arg8[%dma_wait3A_372] : memref<40960xf32, #tpu.memory_space<vmem>> -> memref<20480xf32, #tpu.memory_space<vmem>>
      %dma_wait3A_374 = tpu.memref_slice %arg2[%mul3A_366] : memref<20971520xf32, #tpu.memory_space<hbm>> -> memref<20480xf32, #tpu.memory_space<hbm>>
      tpu.wait_dma2 semaphore(%arg16 : memref<!tpu.dma_semaphore, #tpu.memory_space<semaphore_mem>>) src(%dma_wait3A_374 : memref<20480xf32, #tpu.memory_space<hbm>>) dst(%dma_wait3A_373 : memref<20480xf32, #tpu.memory_space<vmem>>)
      %dma_wait3A_375 = arith.constant 4096 : i32
      %dma_wait3A_376 = tpu.memref_slice %arg9[%dma_wait3A_375] : memref<8192xf32, #tpu.memory_space<vmem>> -> memref<4096xf32, #tpu.memory_space<vmem>>
      %dma_wait3A_377 = tpu.memref_slice %arg3[%mul3A_368] : memref<4194304xf32, #tpu.memory_space<hbm>> -> memref<4096xf32, #tpu.memory_space<hbm>>
      %dma_wait3A_378 = arith.constant 4096 : i32
      %dma_wait3A_379 = tpu.memref_slice %arg9[%dma_wait3A_378] : memref<8192xf32, #tpu.memory_space<vmem>> -> memref<4096xf32, #tpu.memory_space<vmem>>
      %dma_wait3A_380 = tpu.memref_slice %arg3[%mul3A_368] : memref<4194304xf32, #tpu.memory_space<hbm>> -> memref<4096xf32, #tpu.memory_space<hbm>>
      tpu.wait_dma2 semaphore(%arg18 : memref<!tpu.dma_semaphore, #tpu.memory_space<semaphore_mem>>) src(%dma_wait3A_380 : memref<4096xf32, #tpu.memory_space<hbm>>) dst(%dma_wait3A_379 : memref<4096xf32, #tpu.memory_space<vmem>>)
      %ge3A_381 = arith.constant 2 : i32
      %ge3A_382 = arith.cmpi sge, %add3A_359, %ge3A_381 : i32
      %convert_element_type3A_383 = arith.extui %ge3A_382 : i1 to i32
      %cond3A_384 = arith.constant 0 : i32
      %cond3A_385 = arith.cmpi ne, %convert_element_type3A_383, %cond3A_384 : i32
      scf.if %cond3A_385 {
        %add3A_582 = arith.addi %mul3A_2, %add3A_359 : i32
        %sub3A = arith.constant 2 : i32
        %sub3A_583 = arith.subi %add3A_582, %sub3A : i32
        %mul3A_584 = arith.constant 2048 : i32
        %mul3A_585 = arith.muli %sub3A_583, %mul3A_584 : i32
        %dma_wait3A_586 = arith.constant 2048 : i32
        %dma_wait3A_587 = tpu.memref_slice %arg10[%dma_wait3A_586] : memref<4096xf32, #tpu.memory_space<vmem>> -> memref<2048xf32, #tpu.memory_space<vmem>>
        %dma_wait3A_588 = tpu.memref_slice %arg4[%mul3A_585] : memref<2097152xf32, #tpu.memory_space<hbm>> -> memref<2048xf32, #tpu.memory_space<hbm>>
        %dma_wait3A_589 = tpu.memref_slice %arg4[%mul3A_585] : memref<2097152xf32, #tpu.memory_space<hbm>> -> memref<2048xf32, #tpu.memory_space<hbm>>
        %dma_wait3A_590 = arith.constant 2048 : i32
        %dma_wait3A_591 = tpu.memref_slice %arg10[%dma_wait3A_590] : memref<4096xf32, #tpu.memory_space<vmem>> -> memref<2048xf32, #tpu.memory_space<vmem>>
        tpu.wait_dma2 semaphore(%arg20 : memref<!tpu.dma_semaphore, #tpu.memory_space<semaphore_mem>>) src(%dma_wait3A_591 : memref<2048xf32, #tpu.memory_space<vmem>>) dst(%dma_wait3A_589 : memref<2048xf32, #tpu.memory_space<hbm>>)
      } else {
      }
      %add3A_386 = arith.constant 1 : i32
      %add3A_387 = arith.addi %add3A_359, %add3A_386 : i32
      %jit3A_388 = arith.constant 3 : i32
      %eq3A_389 = arith.constant 0 : i32
      %eq3A_390 = arith.cmpi eq, %jit3A_388, %eq3A_389 : i32
      %jit3A_391 = arith.constant 1 : i32
      %select_n3A_392 = arith.select %eq3A_390, %jit3A_391, %jit3A_388 : i32
      %rem3A_393 = arith.remsi %add3A_387, %select_n3A_392 : i32
      %ne3A_394 = arith.constant 0 : i32
      %ne3A_395 = arith.cmpi ne, %rem3A_393, %ne3A_394 : i32
      %lt3A_396 = arith.constant 0 : i32
      %lt3A_397 = arith.cmpi slt, %rem3A_393, %lt3A_396 : i32
      %lt3A_398 = arith.constant 0 : i32
      %lt3A_399 = arith.cmpi slt, %select_n3A_392, %lt3A_398 : i32
      %ne3A_400 = arith.xori %lt3A_397, %lt3A_399 : i1
      %and3A_401 = arith.andi %ne3A_400, %ne3A_395 : i1
      %add3A_402 = arith.addi %rem3A_393, %select_n3A_392 : i32
      %select_n3A_403 = arith.select %and3A_401, %add3A_402, %rem3A_393 : i32
      %eq3A_404 = arith.constant 0 : i32
      %eq3A_405 = arith.cmpi eq, %select_n3A_403, %eq3A_404 : i32
      %ge3A_406 = arith.constant 2 : i32
      %ge3A_407 = arith.cmpi sge, %add3A_359, %ge3A_406 : i32
      %and3A_408 = arith.andi %eq3A_405, %ge3A_407 : i1
      %convert_element_type3A_409 = arith.extui %and3A_408 : i1 to i32
      %cond3A_410 = arith.constant 0 : i32
      %cond3A_411 = arith.cmpi ne, %convert_element_type3A_409, %cond3A_410 : i32
      scf.if %cond3A_411 {
        %add3A_582 = arith.addi %mul3A_2, %add3A_359 : i32
        %sub3A = arith.constant 2 : i32
        %sub3A_583 = arith.subi %add3A_582, %sub3A : i32
        %mul3A_584 = arith.constant 16384 : i32
        %mul3A_585 = arith.muli %sub3A_583, %mul3A_584 : i32
        %dma_wait3A_586 = arith.constant 0 : i32
        %dma_wait3A_587 = tpu.memref_slice %arg11[%dma_wait3A_586] : memref<49152xf32, #tpu.memory_space<vmem>> -> memref<16384xf32, #tpu.memory_space<vmem>>
        %dma_wait3A_588 = tpu.memref_slice %arg7[%mul3A_585] : memref<16777216xf32, #tpu.memory_space<hbm>> -> memref<16384xf32, #tpu.memory_space<hbm>>
        %dma_wait3A_589 = tpu.memref_slice %arg7[%mul3A_585] : memref<16777216xf32, #tpu.memory_space<hbm>> -> memref<16384xf32, #tpu.memory_space<hbm>>
        %dma_wait3A_590 = arith.constant 0 : i32
        %dma_wait3A_591 = tpu.memref_slice %arg11[%dma_wait3A_590] : memref<49152xf32, #tpu.memory_space<vmem>> -> memref<16384xf32, #tpu.memory_space<vmem>>
        tpu.wait_dma2 semaphore(%arg21 : memref<!tpu.dma_semaphore, #tpu.memory_space<semaphore_mem>>) src(%dma_wait3A_591 : memref<16384xf32, #tpu.memory_space<vmem>>) dst(%dma_wait3A_589 : memref<16384xf32, #tpu.memory_space<hbm>>)
      } else {
      }
      %eq3A_412 = arith.constant 0 : i32
      %eq3A_413 = arith.cmpi eq, %select_n3A_403, %eq3A_412 : i32
      %add3A_414 = arith.constant 1 : i32
      %add3A_415 = arith.addi %add3A_359, %add3A_414 : i32
      %lt3A_416 = arith.constant 32 : i32
      %lt3A_417 = arith.cmpi slt, %add3A_415, %lt3A_416 : i32
      %and3A_418 = arith.andi %eq3A_413, %lt3A_417 : i1
      %convert_element_type3A_419 = arith.extui %and3A_418 : i1 to i32
      %cond3A_420 = arith.constant 0 : i32
      %cond3A_421 = arith.cmpi ne, %convert_element_type3A_419, %cond3A_420 : i32
      scf.if %cond3A_421 {
        %dma_start3A_582 = arith.constant 0 : i32
        %dma_start3A_583 = tpu.memref_slice %arg11[%dma_start3A_582] : memref<49152xf32, #tpu.memory_space<vmem>> -> memref<16384xf32, #tpu.memory_space<vmem>>
        %dma_start3A_584 = arith.constant 0 : i32
        %dma_start3A_585 = tpu.memref_slice %arg11[%dma_start3A_584] : memref<49152xf32, #tpu.memory_space<vmem>> -> memref<16384xf32, #tpu.memory_space<vmem>>
        tpu.enqueue_dma source(%arg14 : memref<16384xf32, #tpu.memory_space<vmem_shared>>) target(%dma_start3A_585 : memref<16384xf32, #tpu.memory_space<vmem>>) target_semaphore(%arg28 : memref<!tpu.dma_semaphore, #tpu.memory_space<semaphore_mem>>)
      } else {
      }
      %eq3A_422 = arith.constant 1 : i32
      %eq3A_423 = arith.cmpi eq, %select_n3A_403, %eq3A_422 : i32
      %ge3A_424 = arith.constant 2 : i32
      %ge3A_425 = arith.cmpi sge, %add3A_359, %ge3A_424 : i32
      %and3A_426 = arith.andi %eq3A_423, %ge3A_425 : i1
      %convert_element_type3A_427 = arith.extui %and3A_426 : i1 to i32
      %cond3A_428 = arith.constant 0 : i32
      %cond3A_429 = arith.cmpi ne, %convert_element_type3A_427, %cond3A_428 : i32
      scf.if %cond3A_429 {
        %add3A_582 = arith.addi %mul3A_2, %add3A_359 : i32
        %sub3A = arith.constant 2 : i32
        %sub3A_583 = arith.subi %add3A_582, %sub3A : i32
        %mul3A_584 = arith.constant 16384 : i32
        %mul3A_585 = arith.muli %sub3A_583, %mul3A_584 : i32
        %dma_wait3A_586 = arith.constant 16384 : i32
        %dma_wait3A_587 = tpu.memref_slice %arg11[%dma_wait3A_586] : memref<49152xf32, #tpu.memory_space<vmem>> -> memref<16384xf32, #tpu.memory_space<vmem>>
        %dma_wait3A_588 = tpu.memref_slice %arg7[%mul3A_585] : memref<16777216xf32, #tpu.memory_space<hbm>> -> memref<16384xf32, #tpu.memory_space<hbm>>
        %dma_wait3A_589 = tpu.memref_slice %arg7[%mul3A_585] : memref<16777216xf32, #tpu.memory_space<hbm>> -> memref<16384xf32, #tpu.memory_space<hbm>>
        %dma_wait3A_590 = arith.constant 16384 : i32
        %dma_wait3A_591 = tpu.memref_slice %arg11[%dma_wait3A_590] : memref<49152xf32, #tpu.memory_space<vmem>> -> memref<16384xf32, #tpu.memory_space<vmem>>
        tpu.wait_dma2 semaphore(%arg22 : memref<!tpu.dma_semaphore, #tpu.memory_space<semaphore_mem>>) src(%dma_wait3A_591 : memref<16384xf32, #tpu.memory_space<vmem>>) dst(%dma_wait3A_589 : memref<16384xf32, #tpu.memory_space<hbm>>)
      } else {
      }
      %eq3A_430 = arith.constant 1 : i32
      %eq3A_431 = arith.cmpi eq, %select_n3A_403, %eq3A_430 : i32
      %add3A_432 = arith.constant 1 : i32
      %add3A_433 = arith.addi %add3A_359, %add3A_432 : i32
      %lt3A_434 = arith.constant 32 : i32
      %lt3A_435 = arith.cmpi slt, %add3A_433, %lt3A_434 : i32
      %and3A_436 = arith.andi %eq3A_431, %lt3A_435 : i1
      %convert_element_type3A_437 = arith.extui %and3A_436 : i1 to i32
      %cond3A_438 = arith.constant 0 : i32
      %cond3A_439 = arith.cmpi ne, %convert_element_type3A_437, %cond3A_438 : i32
      scf.if %cond3A_439 {
        %dma_start3A_582 = arith.constant 16384 : i32
        %dma_start3A_583 = tpu.memref_slice %arg11[%dma_start3A_582] : memref<49152xf32, #tpu.memory_space<vmem>> -> memref<16384xf32, #tpu.memory_space<vmem>>
        %dma_start3A_584 = arith.constant 16384 : i32
        %dma_start3A_585 = tpu.memref_slice %arg11[%dma_start3A_584] : memref<49152xf32, #tpu.memory_space<vmem>> -> memref<16384xf32, #tpu.memory_space<vmem>>
        tpu.enqueue_dma source(%arg14 : memref<16384xf32, #tpu.memory_space<vmem_shared>>) target(%dma_start3A_585 : memref<16384xf32, #tpu.memory_space<vmem>>) target_semaphore(%arg29 : memref<!tpu.dma_semaphore, #tpu.memory_space<semaphore_mem>>)
      } else {
      }
      %eq3A_440 = arith.constant 2 : i32
      %eq3A_441 = arith.cmpi eq, %select_n3A_403, %eq3A_440 : i32
      %ge3A_442 = arith.constant 2 : i32
      %ge3A_443 = arith.cmpi sge, %add3A_359, %ge3A_442 : i32
      %and3A_444 = arith.andi %eq3A_441, %ge3A_443 : i1
      %convert_element_type3A_445 = arith.extui %and3A_444 : i1 to i32
      %cond3A_446 = arith.constant 0 : i32
      %cond3A_447 = arith.cmpi ne, %convert_element_type3A_445, %cond3A_446 : i32
      scf.if %cond3A_447 {
        %add3A_582 = arith.addi %mul3A_2, %add3A_359 : i32
        %sub3A = arith.constant 2 : i32
        %sub3A_583 = arith.subi %add3A_582, %sub3A : i32
        %mul3A_584 = arith.constant 16384 : i32
        %mul3A_585 = arith.muli %sub3A_583, %mul3A_584 : i32
        %dma_wait3A_586 = arith.constant 32768 : i32
        %dma_wait3A_587 = tpu.memref_slice %arg11[%dma_wait3A_586] : memref<49152xf32, #tpu.memory_space<vmem>> -> memref<16384xf32, #tpu.memory_space<vmem>>
        %dma_wait3A_588 = tpu.memref_slice %arg7[%mul3A_585] : memref<16777216xf32, #tpu.memory_space<hbm>> -> memref<16384xf32, #tpu.memory_space<hbm>>
        %dma_wait3A_589 = tpu.memref_slice %arg7[%mul3A_585] : memref<16777216xf32, #tpu.memory_space<hbm>> -> memref<16384xf32, #tpu.memory_space<hbm>>
        %dma_wait3A_590 = arith.constant 32768 : i32
        %dma_wait3A_591 = tpu.memref_slice %arg11[%dma_wait3A_590] : memref<49152xf32, #tpu.memory_space<vmem>> -> memref<16384xf32, #tpu.memory_space<vmem>>
        tpu.wait_dma2 semaphore(%arg23 : memref<!tpu.dma_semaphore, #tpu.memory_space<semaphore_mem>>) src(%dma_wait3A_591 : memref<16384xf32, #tpu.memory_space<vmem>>) dst(%dma_wait3A_589 : memref<16384xf32, #tpu.memory_space<hbm>>)
      } else {
      }
      %eq3A_448 = arith.constant 2 : i32
      %eq3A_449 = arith.cmpi eq, %select_n3A_403, %eq3A_448 : i32
      %add3A_450 = arith.constant 1 : i32
      %add3A_451 = arith.addi %add3A_359, %add3A_450 : i32
      %lt3A_452 = arith.constant 32 : i32
      %lt3A_453 = arith.cmpi slt, %add3A_451, %lt3A_452 : i32
      %and3A_454 = arith.andi %eq3A_449, %lt3A_453 : i1
      %convert_element_type3A_455 = arith.extui %and3A_454 : i1 to i32
      %cond3A_456 = arith.constant 0 : i32
      %cond3A_457 = arith.cmpi ne, %convert_element_type3A_455, %cond3A_456 : i32
      scf.if %cond3A_457 {
        %dma_start3A_582 = arith.constant 32768 : i32
        %dma_start3A_583 = tpu.memref_slice %arg11[%dma_start3A_582] : memref<49152xf32, #tpu.memory_space<vmem>> -> memref<16384xf32, #tpu.memory_space<vmem>>
        %dma_start3A_584 = arith.constant 32768 : i32
        %dma_start3A_585 = tpu.memref_slice %arg11[%dma_start3A_584] : memref<49152xf32, #tpu.memory_space<vmem>> -> memref<16384xf32, #tpu.memory_space<vmem>>
        tpu.enqueue_dma source(%arg14 : memref<16384xf32, #tpu.memory_space<vmem_shared>>) target(%dma_start3A_585 : memref<16384xf32, #tpu.memory_space<vmem>>) target_semaphore(%arg30 : memref<!tpu.dma_semaphore, #tpu.memory_space<semaphore_mem>>)
      } else {
      }
      %jit3A_458 = arith.constant 3 : i32
      %eq3A_459 = arith.constant 0 : i32
      %eq3A_460 = arith.cmpi eq, %jit3A_458, %eq3A_459 : i32
      %jit3A_461 = arith.constant 1 : i32
      %select_n3A_462 = arith.select %eq3A_460, %jit3A_461, %jit3A_458 : i32
      %rem3A_463 = arith.remsi %add3A_359, %select_n3A_462 : i32
      %ne3A_464 = arith.constant 0 : i32
      %ne3A_465 = arith.cmpi ne, %rem3A_463, %ne3A_464 : i32
      %lt3A_466 = arith.constant 0 : i32
      %lt3A_467 = arith.cmpi slt, %rem3A_463, %lt3A_466 : i32
      %lt3A_468 = arith.constant 0 : i32
      %lt3A_469 = arith.cmpi slt, %select_n3A_462, %lt3A_468 : i32
      %ne3A_470 = arith.xori %lt3A_467, %lt3A_469 : i1
      %and3A_471 = arith.andi %ne3A_470, %ne3A_465 : i1
      %add3A_472 = arith.addi %rem3A_463, %select_n3A_462 : i32
      %select_n3A_473 = arith.select %and3A_471, %add3A_472, %rem3A_463 : i32
      %eq3A_474 = arith.constant 0 : i32
      %eq3A_475 = arith.cmpi eq, %select_n3A_473, %eq3A_474 : i32
      %convert_element_type3A_476 = arith.extui %eq3A_475 : i1 to i32
      %cond3A_477 = arith.constant 0 : i32
      %cond3A_478 = arith.cmpi ne, %convert_element_type3A_476, %cond3A_477 : i32
      scf.if %cond3A_478 {
        %dma_wait3A_582 = arith.constant 0 : i32
        %dma_wait3A_583 = tpu.memref_slice %arg11[%dma_wait3A_582] : memref<49152xf32, #tpu.memory_space<vmem>> -> memref<16384xf32, #tpu.memory_space<vmem>>
        %dma_wait3A_584 = arith.constant 0 : i32
        %dma_wait3A_585 = tpu.memref_slice %arg11[%dma_wait3A_584] : memref<49152xf32, #tpu.memory_space<vmem>> -> memref<16384xf32, #tpu.memory_space<vmem>>
        tpu.wait_dma2 semaphore(%arg28 : memref<!tpu.dma_semaphore, #tpu.memory_space<semaphore_mem>>) src(%arg14 : memref<16384xf32, #tpu.memory_space<vmem_shared>>) dst(%dma_wait3A_585 : memref<16384xf32, #tpu.memory_space<vmem>>)
      } else {
      }
      %eq3A_479 = arith.constant 1 : i32
      %eq3A_480 = arith.cmpi eq, %select_n3A_473, %eq3A_479 : i32
      %convert_element_type3A_481 = arith.extui %eq3A_480 : i1 to i32
      %cond3A_482 = arith.constant 0 : i32
      %cond3A_483 = arith.cmpi ne, %convert_element_type3A_481, %cond3A_482 : i32
      scf.if %cond3A_483 {
        %dma_wait3A_582 = arith.constant 16384 : i32
        %dma_wait3A_583 = tpu.memref_slice %arg11[%dma_wait3A_582] : memref<49152xf32, #tpu.memory_space<vmem>> -> memref<16384xf32, #tpu.memory_space<vmem>>
        %dma_wait3A_584 = arith.constant 16384 : i32
        %dma_wait3A_585 = tpu.memref_slice %arg11[%dma_wait3A_584] : memref<49152xf32, #tpu.memory_space<vmem>> -> memref<16384xf32, #tpu.memory_space<vmem>>
        tpu.wait_dma2 semaphore(%arg29 : memref<!tpu.dma_semaphore, #tpu.memory_space<semaphore_mem>>) src(%arg14 : memref<16384xf32, #tpu.memory_space<vmem_shared>>) dst(%dma_wait3A_585 : memref<16384xf32, #tpu.memory_space<vmem>>)
      } else {
      }
      %eq3A_484 = arith.constant 2 : i32
      %eq3A_485 = arith.cmpi eq, %select_n3A_473, %eq3A_484 : i32
      %convert_element_type3A_486 = arith.extui %eq3A_485 : i1 to i32
      %cond3A_487 = arith.constant 0 : i32
      %cond3A_488 = arith.cmpi ne, %convert_element_type3A_486, %cond3A_487 : i32
      scf.if %cond3A_488 {
        %dma_wait3A_582 = arith.constant 32768 : i32
        %dma_wait3A_583 = tpu.memref_slice %arg11[%dma_wait3A_582] : memref<49152xf32, #tpu.memory_space<vmem>> -> memref<16384xf32, #tpu.memory_space<vmem>>
        %dma_wait3A_584 = arith.constant 32768 : i32
        %dma_wait3A_585 = tpu.memref_slice %arg11[%dma_wait3A_584] : memref<49152xf32, #tpu.memory_space<vmem>> -> memref<16384xf32, #tpu.memory_space<vmem>>
        tpu.wait_dma2 semaphore(%arg30 : memref<!tpu.dma_semaphore, #tpu.memory_space<semaphore_mem>>) src(%arg14 : memref<16384xf32, #tpu.memory_space<vmem_shared>>) dst(%dma_wait3A_585 : memref<16384xf32, #tpu.memory_space<vmem>>)
      } else {
      }
      %and3A_489 = arith.constant 7 : i32
      %and3A_490 = arith.andi %add3A_359, %and3A_489 : i32
      %eq3A_491 = arith.constant 0 : i32
      %eq3A_492 = arith.cmpi eq, %and3A_490, %eq3A_491 : i32
      %ge3A_493 = arith.constant 16 : i32
      %ge3A_494 = arith.cmpi sge, %add3A_359, %ge3A_493 : i32
      %and3A_495 = arith.andi %eq3A_492, %ge3A_494 : i1
      %eq3A_496 = arith.constant 0 : i32
      %eq3A_497 = arith.cmpi eq, %and3A_363, %eq3A_496 : i32
      %and3A_498 = arith.andi %and3A_495, %eq3A_497 : i1
      %convert_element_type3A_499 = arith.extui %and3A_498 : i1 to i32
      %cond3A_500 = arith.constant 0 : i32
      %cond3A_501 = arith.cmpi ne, %convert_element_type3A_499, %cond3A_500 : i32
      scf.if %cond3A_501 {
        %add3A_582 = arith.addi %mul3A_2, %add3A_359 : i32
        %sub3A = arith.constant 16 : i32
        %sub3A_583 = arith.subi %add3A_582, %sub3A : i32
        %shift_right_arithmetic3A_584 = arith.constant 3 : i32
        %shift_right_arithmetic3A_585 = arith.shrsi %sub3A_583, %shift_right_arithmetic3A_584 : i32
        %mul3A_586 = arith.constant 4096 : i32
        %mul3A_587 = arith.muli %shift_right_arithmetic3A_585, %mul3A_586 : i32
        %dma_wait3A_588 = arith.constant 0 : i32
        %dma_wait3A_589 = tpu.memref_slice %arg12[%dma_wait3A_588] : memref<8192xf32, #tpu.memory_space<vmem>> -> memref<4096xf32, #tpu.memory_space<vmem>>
        %dma_wait3A_590 = tpu.memref_slice %arg5[%mul3A_587] : memref<524288xf32, #tpu.memory_space<hbm>> -> memref<4096xf32, #tpu.memory_space<hbm>>
        %dma_wait3A_591 = tpu.memref_slice %arg5[%mul3A_587] : memref<524288xf32, #tpu.memory_space<hbm>> -> memref<4096xf32, #tpu.memory_space<hbm>>
        %dma_wait3A_592 = arith.constant 0 : i32
        %dma_wait3A_593 = tpu.memref_slice %arg12[%dma_wait3A_592] : memref<8192xf32, #tpu.memory_space<vmem>> -> memref<4096xf32, #tpu.memory_space<vmem>>
        tpu.wait_dma2 semaphore(%arg24 : memref<!tpu.dma_semaphore, #tpu.memory_space<semaphore_mem>>) src(%dma_wait3A_593 : memref<4096xf32, #tpu.memory_space<vmem>>) dst(%dma_wait3A_591 : memref<4096xf32, #tpu.memory_space<hbm>>)
        %mul3A_594 = arith.constant 4096 : i32
        %mul3A_595 = arith.muli %shift_right_arithmetic3A_585, %mul3A_594 : i32
        %dma_wait3A_596 = arith.constant 0 : i32
        %dma_wait3A_597 = tpu.memref_slice %arg13[%dma_wait3A_596] : memref<8192xi32, #tpu.memory_space<vmem>> -> memref<4096xi32, #tpu.memory_space<vmem>>
        %dma_wait3A_598 = tpu.memref_slice %arg6[%mul3A_595] : memref<524288xi32, #tpu.memory_space<hbm>> -> memref<4096xi32, #tpu.memory_space<hbm>>
        %dma_wait3A_599 = tpu.memref_slice %arg6[%mul3A_595] : memref<524288xi32, #tpu.memory_space<hbm>> -> memref<4096xi32, #tpu.memory_space<hbm>>
        %dma_wait3A_600 = arith.constant 0 : i32
        %dma_wait3A_601 = tpu.memref_slice %arg13[%dma_wait3A_600] : memref<8192xi32, #tpu.memory_space<vmem>> -> memref<4096xi32, #tpu.memory_space<vmem>>
        tpu.wait_dma2 semaphore(%arg26 : memref<!tpu.dma_semaphore, #tpu.memory_space<semaphore_mem>>) src(%dma_wait3A_601 : memref<4096xi32, #tpu.memory_space<vmem>>) dst(%dma_wait3A_599 : memref<4096xi32, #tpu.memory_space<hbm>>)
      } else {
      }
      %and3A_502 = arith.constant 7 : i32
      %and3A_503 = arith.andi %add3A_359, %and3A_502 : i32
      %eq3A_504 = arith.constant 0 : i32
      %eq3A_505 = arith.cmpi eq, %and3A_503, %eq3A_504 : i32
      %ge3A_506 = arith.constant 16 : i32
      %ge3A_507 = arith.cmpi sge, %add3A_359, %ge3A_506 : i32
      %and3A_508 = arith.andi %eq3A_505, %ge3A_507 : i1
      %eq3A_509 = arith.constant 1 : i32
      %eq3A_510 = arith.cmpi eq, %and3A_363, %eq3A_509 : i32
      %and3A_511 = arith.andi %and3A_508, %eq3A_510 : i1
      %convert_element_type3A_512 = arith.extui %and3A_511 : i1 to i32
      %cond3A_513 = arith.constant 0 : i32
      %cond3A_514 = arith.cmpi ne, %convert_element_type3A_512, %cond3A_513 : i32
      scf.if %cond3A_514 {
        %add3A_582 = arith.addi %mul3A_2, %add3A_359 : i32
        %sub3A = arith.constant 16 : i32
        %sub3A_583 = arith.subi %add3A_582, %sub3A : i32
        %shift_right_arithmetic3A_584 = arith.constant 3 : i32
        %shift_right_arithmetic3A_585 = arith.shrsi %sub3A_583, %shift_right_arithmetic3A_584 : i32
        %mul3A_586 = arith.constant 4096 : i32
        %mul3A_587 = arith.muli %shift_right_arithmetic3A_585, %mul3A_586 : i32
        %dma_wait3A_588 = arith.constant 4096 : i32
        %dma_wait3A_589 = tpu.memref_slice %arg12[%dma_wait3A_588] : memref<8192xf32, #tpu.memory_space<vmem>> -> memref<4096xf32, #tpu.memory_space<vmem>>
        %dma_wait3A_590 = tpu.memref_slice %arg5[%mul3A_587] : memref<524288xf32, #tpu.memory_space<hbm>> -> memref<4096xf32, #tpu.memory_space<hbm>>
        %dma_wait3A_591 = tpu.memref_slice %arg5[%mul3A_587] : memref<524288xf32, #tpu.memory_space<hbm>> -> memref<4096xf32, #tpu.memory_space<hbm>>
        %dma_wait3A_592 = arith.constant 4096 : i32
        %dma_wait3A_593 = tpu.memref_slice %arg12[%dma_wait3A_592] : memref<8192xf32, #tpu.memory_space<vmem>> -> memref<4096xf32, #tpu.memory_space<vmem>>
        tpu.wait_dma2 semaphore(%arg25 : memref<!tpu.dma_semaphore, #tpu.memory_space<semaphore_mem>>) src(%dma_wait3A_593 : memref<4096xf32, #tpu.memory_space<vmem>>) dst(%dma_wait3A_591 : memref<4096xf32, #tpu.memory_space<hbm>>)
        %mul3A_594 = arith.constant 4096 : i32
        %mul3A_595 = arith.muli %shift_right_arithmetic3A_585, %mul3A_594 : i32
        %dma_wait3A_596 = arith.constant 4096 : i32
        %dma_wait3A_597 = tpu.memref_slice %arg13[%dma_wait3A_596] : memref<8192xi32, #tpu.memory_space<vmem>> -> memref<4096xi32, #tpu.memory_space<vmem>>
        %dma_wait3A_598 = tpu.memref_slice %arg6[%mul3A_595] : memref<524288xi32, #tpu.memory_space<hbm>> -> memref<4096xi32, #tpu.memory_space<hbm>>
        %dma_wait3A_599 = tpu.memref_slice %arg6[%mul3A_595] : memref<524288xi32, #tpu.memory_space<hbm>> -> memref<4096xi32, #tpu.memory_space<hbm>>
        %dma_wait3A_600 = arith.constant 4096 : i32
        %dma_wait3A_601 = tpu.memref_slice %arg13[%dma_wait3A_600] : memref<8192xi32, #tpu.memory_space<vmem>> -> memref<4096xi32, #tpu.memory_space<vmem>>
        tpu.wait_dma2 semaphore(%arg27 : memref<!tpu.dma_semaphore, #tpu.memory_space<semaphore_mem>>) src(%dma_wait3A_601 : memref<4096xi32, #tpu.memory_space<vmem>>) dst(%dma_wait3A_599 : memref<4096xi32, #tpu.memory_space<hbm>>)
      } else {
      }
      %mul3A_515 = arith.constant 16384 : i32
      %mul3A_516 = arith.muli %select_n3A_473, %mul3A_515 : i32
      %mul3A_517 = arith.constant 4096 : i32
      %mul3A_518 = arith.muli %and3A_363, %mul3A_517 : i32
      %and3A_519 = arith.constant 7 : i32
      %and3A_520 = arith.andi %add3A_359, %and3A_519 : i32
      %mul3A_521 = arith.constant 128 : i32
      %mul3A_522 = arith.muli %and3A_520, %mul3A_521 : i32
      %add3A_523 = arith.addi %mul3A_518, %mul3A_522 : i32
      %scan3A_524 = arith.constant 0 : i32
      %scan3A_525 = arith.constant 0 : i32
      %scan3A_526 = arith.constant 16 : i32
      %scan3A_527 = arith.addi %scan3A_525, %scan3A_526 : i32
      %scan3A_528 = arith.constant 1 : i32
      %scan3A_529 = scf.for %scan3A_582 = %scan3A_525 to %scan3A_527 step %scan3A_528 iter_args(%scan3A_583 = %scan3A_524) -> (i32)  : i32 {
        %mul3A_584 = arith.constant 2 : i32
        %mul3A_585 = arith.muli %scan3A_582, %mul3A_584 : i32
        %shift_right_arithmetic3A_586 = arith.constant 3 : i32
        %shift_right_arithmetic3A_587 = arith.shrsi %mul3A_585, %shift_right_arithmetic3A_586 : i32
        %and3A_588 = arith.constant 7 : i32
        %and3A_589 = arith.andi %mul3A_585, %and3A_588 : i32
        %mul3A_590 = arith.constant 1024 : i32
        %mul3A_591 = arith.muli %shift_right_arithmetic3A_587, %mul3A_590 : i32
        %mul3A_592 = arith.constant 16 : i32
        %mul3A_593 = arith.muli %and3A_589, %mul3A_592 : i32
        %add3A_594 = arith.addi %mul3A_591, %mul3A_593 : i32
        %mul3A_595 = arith.constant 512 : i32
        %mul3A_596 = arith.muli %shift_right_arithmetic3A_587, %mul3A_595 : i32
        %add3A_597 = arith.constant 2048 : i32
        %add3A_598 = arith.addi %add3A_597, %mul3A_596 : i32
        %mul3A_599 = arith.constant 16 : i32
        %mul3A_600 = arith.muli %and3A_589, %mul3A_599 : i32
        %add3A_601 = arith.addi %add3A_598, %mul3A_600 : i32
        %mul3A_602 = arith.constant 512 : i32
        %mul3A_603 = arith.muli %shift_right_arithmetic3A_587, %mul3A_602 : i32
        %add3A_604 = arith.addi %mul3A_516, %mul3A_603 : i32
        %mul3A_605 = arith.constant 16 : i32
        %mul3A_606 = arith.muli %and3A_589, %mul3A_605 : i32
        %add3A_607 = arith.addi %add3A_604, %mul3A_606 : i32
        %broadcast_in_dim3A_608 = vector.broadcast %add3A_607 : i32 to vector<16xi32>
        %add3A_609 = arith.addi %broadcast_in_dim3A_608, %iota3A : vector<16xi32>
        %add3A_610 = arith.constant 16 : i32
        %add3A_611 = vector.broadcast %add3A_610 : i32 to vector<16xi32>
        %add3A_612 = arith.addi %add3A_609, %add3A_611 : vector<16xi32>
        %broadcast_in_dim3A_613 = arith.constant 1.000000e+02 : f32
        %broadcast_in_dim3A_614 = vector.broadcast %broadcast_in_dim3A_613 : f32 to vector<16xf32>
        %broadcast_in_dim3A_615 = arith.constant 8.000000e+00 : f32
        %broadcast_in_dim3A_616 = vector.broadcast %broadcast_in_dim3A_615 : f32 to vector<16xf32>
        %scan3A_617 = arith.constant 0 : i32
        %scan3A_618 = arith.constant 8 : i32
        %scan3A_619 = arith.addi %scan3A_617, %scan3A_618 : i32
        %scan3A_620 = arith.constant 1 : i32
        %scan3A_621:12 = scf.for %scan3A_682 = %scan3A_617 to %scan3A_619 step %scan3A_620 iter_args(%scan3A_683 = %broadcast_in_dim3A_3, %scan3A_684 = %broadcast_in_dim3A_3, %scan3A_685 = %broadcast_in_dim3A_3, %scan3A_686 = %broadcast_in_dim3A_5, %scan3A_687 = %broadcast_in_dim3A_614, %scan3A_688 = %broadcast_in_dim3A_616, %scan3A_689 = %broadcast_in_dim3A_3, %scan3A_690 = %broadcast_in_dim3A_3, %scan3A_691 = %broadcast_in_dim3A_3, %scan3A_692 = %broadcast_in_dim3A_5, %scan3A_693 = %broadcast_in_dim3A_614, %scan3A_694 = %broadcast_in_dim3A_616) -> (vector<16xf32>, vector<16xf32>, vector<16xf32>, vector<16xf32>, vector<16xf32>, vector<16xf32>, vector<16xf32>, vector<16xf32>, vector<16xf32>, vector<16xf32>, vector<16xf32>, vector<16xf32>)  : i32 {
          %add3A_695 = arith.constant 20480 : i32
          %add3A_696 = arith.addi %add3A_695, %add3A_594 : i32
          %sub3A = arith.constant 7 : i32
          %sub3A_697 = arith.subi %sub3A, %scan3A_682 : i32
          %mul3A_698 = arith.constant 128 : i32
          %mul3A_699 = arith.muli %sub3A_697, %mul3A_698 : i32
          %add3A_700 = arith.addi %add3A_696, %mul3A_699 : i32
          %add3A_701 = arith.constant 4096 : i32
          %add3A_702 = arith.addi %add3A_701, %add3A_594 : i32
          %sub3A_703 = arith.constant 7 : i32
          %sub3A_704 = arith.subi %sub3A_703, %scan3A_682 : i32
          %mul3A_705 = arith.constant 128 : i32
          %mul3A_706 = arith.muli %sub3A_704, %mul3A_705 : i32
          %add3A_707 = arith.addi %add3A_702, %mul3A_706 : i32
          %add3A_708 = arith.constant 0 : i32
          %add3A_709 = arith.addi %add3A_700, %add3A_708 : i32
          %get3A = arith.index_cast %add3A_709 : i32 to index
          %get3A_710 = tpu.vector_load %arg8[%get3A] {strides = array<i32>} : memref<40960xf32, #tpu.memory_space<vmem>>, vector<16xf32>,
          %add3A_711 = arith.constant 0 : i32
          %add3A_712 = arith.addi %add3A_700, %add3A_711 : i32
          %add3A_713 = arith.constant 4096 : i32
          %add3A_714 = arith.addi %add3A_712, %add3A_713 : i32
          %get3A_715 = arith.index_cast %add3A_714 : i32 to index
          %get3A_716 = tpu.vector_load %arg8[%get3A_715] {strides = array<i32>} : memref<40960xf32, #tpu.memory_space<vmem>>, vector<16xf32>,
          %add3A_717 = arith.constant 0 : i32
          %add3A_718 = arith.addi %add3A_700, %add3A_717 : i32
          %add3A_719 = arith.constant 8192 : i32
          %add3A_720 = arith.addi %add3A_718, %add3A_719 : i32
          %get3A_721 = arith.index_cast %add3A_720 : i32 to index
          %get3A_722 = tpu.vector_load %arg8[%get3A_721] {strides = array<i32>} : memref<40960xf32, #tpu.memory_space<vmem>>, vector<16xf32>,
          %add3A_723 = arith.constant 0 : i32
          %add3A_724 = arith.addi %add3A_700, %add3A_723 : i32
          %add3A_725 = arith.constant 12288 : i32
          %add3A_726 = arith.addi %add3A_724, %add3A_725 : i32
          %get3A_727 = arith.index_cast %add3A_726 : i32 to index
          %get3A_728 = tpu.vector_load %arg8[%get3A_727] {strides = array<i32>} : memref<40960xf32, #tpu.memory_space<vmem>>, vector<16xf32>,
          %add3A_729 = arith.constant 0 : i32
          %add3A_730 = arith.addi %add3A_700, %add3A_729 : i32
          %add3A_731 = arith.constant 16384 : i32
          %add3A_732 = arith.addi %add3A_730, %add3A_731 : i32
          %get3A_733 = arith.index_cast %add3A_732 : i32 to index
          %get3A_734 = tpu.vector_load %arg8[%get3A_733] {strides = array<i32>} : memref<40960xf32, #tpu.memory_space<vmem>>, vector<16xf32>,
          %add3A_735 = arith.constant 0 : i32
          %add3A_736 = arith.addi %add3A_707, %add3A_735 : i32
          %get3A_737 = arith.index_cast %add3A_736 : i32 to index
          %get3A_738 = tpu.vector_load %arg9[%get3A_737] {strides = array<i32>} : memref<8192xf32, #tpu.memory_space<vmem>>, vector<16xf32>,
          %sub3A_739 = arith.subf %broadcast_in_dim3A_3, %get3A_728 : vector<16xf32>
          %mul3A_740 = arith.mulf %get3A_710, %get3A_728 : vector<16xf32>
          %mul3A_741 = arith.mulf %scan3A_683, %sub3A_739 : vector<16xf32>
          %add3A_742 = arith.addf %mul3A_740, %mul3A_741 : vector<16xf32>
          %mul3A_743 = arith.mulf %get3A_716, %get3A_728 : vector<16xf32>
          %mul3A_744 = arith.mulf %scan3A_684, %sub3A_739 : vector<16xf32>
          %add3A_745 = arith.addf %mul3A_743, %mul3A_744 : vector<16xf32>
          %mul3A_746 = arith.mulf %get3A_722, %get3A_728 : vector<16xf32>
          %mul3A_747 = arith.mulf %scan3A_685, %sub3A_739 : vector<16xf32>
          %add3A_748 = arith.addf %mul3A_746, %mul3A_747 : vector<16xf32>
          %max3A = arith.maximumf %get3A_728, %scan3A_686 : vector<16xf32>
          %gt3A_749 = arith.constant 0.000000e+00 : f32
          %gt3A_750 = vector.broadcast %gt3A_749 : f32 to vector<16xf32>
          %gt3A_751 = arith.cmpf ogt, %get3A_738, %gt3A_750 : vector<16xf32>
          %mul3A_752 = arith.mulf %get3A_738, %get3A_728 : vector<16xf32>
          %mul3A_753 = arith.mulf %scan3A_687, %sub3A_739 : vector<16xf32>
          %add3A_754 = arith.addf %mul3A_752, %mul3A_753 : vector<16xf32>
          %select_n3A_755 = arith.select %gt3A_751, %add3A_754, %scan3A_687 : vector<16xi1>, vector<16xf32>
          %ge3A_756 = arith.constant 0.000000e+00 : f32
          %ge3A_757 = vector.broadcast %ge3A_756 : f32 to vector<16xf32>
          %ge3A_758 = arith.cmpf oge, %get3A_738, %ge3A_757 : vector<16xf32>
          %gt3A_759 = arith.constant 5.000000e-01 : f32
          %gt3A_760 = vector.broadcast %gt3A_759 : f32 to vector<16xf32>
          %gt3A_761 = arith.cmpf ogt, %get3A_728, %gt3A_760 : vector<16xf32>
          %and3A_762 = arith.andi %ge3A_758, %gt3A_761 : vector<16xi1>
          %select_n3A_763 = arith.select %and3A_762, %get3A_734, %scan3A_688 : vector<16xi1>, vector<16xf32>
          %convert_element_type3A_764 = arith.fptosi %get3A_734 : vector<16xf32> to vector<16xi32>
          %shift_left3A = arith.constant 11 : i32
          %shift_left3A_765 = vector.broadcast %shift_left3A : i32 to vector<16xi32>
          %shift_left3A_766 = arith.shli %convert_element_type3A_764, %shift_left3A_765 : vector<16xi32>
          %add3A_767 = arith.addi %shift_left3A_766, %add3A_609 : vector<16xi32>
          %mul3A_768 = arith.mulf %get3A_710, %get3A_728 : vector<16xf32>
          %add3A_769 = arith.addf %mul3A_768, %sub3A_739 : vector<16xf32>
          tpu.vector_store_idx %arg11[%add3A_767], %add3A_769 masked %ge3A_758 : memref<49152xf32, #tpu.memory_space<vmem>>[vector<16xi32>], vector<16xf32>, vector<16xi1>
          %mul3A_770 = arith.mulf %get3A_716, %get3A_728 : vector<16xf32>
          %add3A_771 = arith.addf %mul3A_770, %sub3A_739 : vector<16xf32>
          %scatter3A = arith.constant 128 : i32
          %scatter3A_772 = tpu.memref_slice %arg11[%scatter3A] : memref<49152xf32, #tpu.memory_space<vmem>> -> memref<49024xf32, #tpu.memory_space<vmem>>
          tpu.vector_store_idx %scatter3A_772[%add3A_767], %add3A_771 masked %ge3A_758 : memref<49024xf32, #tpu.memory_space<vmem>>[vector<16xi32>], vector<16xf32>, vector<16xi1>
          %mul3A_773 = arith.mulf %get3A_722, %get3A_728 : vector<16xf32>
          %add3A_774 = arith.addf %mul3A_773, %sub3A_739 : vector<16xf32>
          %scatter3A_775 = arith.constant 256 : i32
          %scatter3A_776 = tpu.memref_slice %arg11[%scatter3A_775] : memref<49152xf32, #tpu.memory_space<vmem>> -> memref<48896xf32, #tpu.memory_space<vmem>>
          tpu.vector_store_idx %scatter3A_776[%add3A_767], %add3A_774 masked %ge3A_758 : memref<48896xf32, #tpu.memory_space<vmem>>[vector<16xi32>], vector<16xf32>, vector<16xi1>
          %scatter3A_777 = arith.constant 384 : i32
          %scatter3A_778 = tpu.memref_slice %arg11[%scatter3A_777] : memref<49152xf32, #tpu.memory_space<vmem>> -> memref<48768xf32, #tpu.memory_space<vmem>>
          tpu.vector_store_idx %scatter3A_778[%add3A_767], %get3A_728 masked %ge3A_758 : memref<48768xf32, #tpu.memory_space<vmem>>[vector<16xi32>], vector<16xf32>, vector<16xi1>
          %add3A_779 = arith.constant 16 : i32
          %add3A_780 = arith.addi %add3A_700, %add3A_779 : i32
          %get3A_781 = arith.index_cast %add3A_780 : i32 to index
          %get3A_782 = tpu.vector_load %arg8[%get3A_781] {strides = array<i32>} : memref<40960xf32, #tpu.memory_space<vmem>>, vector<16xf32>,
          %add3A_783 = arith.constant 16 : i32
          %add3A_784 = arith.addi %add3A_700, %add3A_783 : i32
          %add3A_785 = arith.constant 4096 : i32
          %add3A_786 = arith.addi %add3A_784, %add3A_785 : i32
          %get3A_787 = arith.index_cast %add3A_786 : i32 to index
          %get3A_788 = tpu.vector_load %arg8[%get3A_787] {strides = array<i32>} : memref<40960xf32, #tpu.memory_space<vmem>>, vector<16xf32>,
          %add3A_789 = arith.constant 16 : i32
          %add3A_790 = arith.addi %add3A_700, %add3A_789 : i32
          %add3A_791 = arith.constant 8192 : i32
          %add3A_792 = arith.addi %add3A_790, %add3A_791 : i32
          %get3A_793 = arith.index_cast %add3A_792 : i32 to index
          %get3A_794 = tpu.vector_load %arg8[%get3A_793] {strides = array<i32>} : memref<40960xf32, #tpu.memory_space<vmem>>, vector<16xf32>,
          %add3A_795 = arith.constant 16 : i32
          %add3A_796 = arith.addi %add3A_700, %add3A_795 : i32
          %add3A_797 = arith.constant 12288 : i32
          %add3A_798 = arith.addi %add3A_796, %add3A_797 : i32
          %get3A_799 = arith.index_cast %add3A_798 : i32 to index
          %get3A_800 = tpu.vector_load %arg8[%get3A_799] {strides = array<i32>} : memref<40960xf32, #tpu.memory_space<vmem>>, vector<16xf32>,
          %add3A_801 = arith.constant 16 : i32
          %add3A_802 = arith.addi %add3A_700, %add3A_801 : i32
          %add3A_803 = arith.constant 16384 : i32
          %add3A_804 = arith.addi %add3A_802, %add3A_803 : i32
          %get3A_805 = arith.index_cast %add3A_804 : i32 to index
          %get3A_806 = tpu.vector_load %arg8[%get3A_805] {strides = array<i32>} : memref<40960xf32, #tpu.memory_space<vmem>>, vector<16xf32>,
          %add3A_807 = arith.constant 16 : i32
          %add3A_808 = arith.addi %add3A_707, %add3A_807 : i32
          %get3A_809 = arith.index_cast %add3A_808 : i32 to index
          %get3A_810 = tpu.vector_load %arg9[%get3A_809] {strides = array<i32>} : memref<8192xf32, #tpu.memory_space<vmem>>, vector<16xf32>,
          %sub3A_811 = arith.subf %broadcast_in_dim3A_3, %get3A_800 : vector<16xf32>
          %mul3A_812 = arith.mulf %get3A_782, %get3A_800 : vector<16xf32>
          %mul3A_813 = arith.mulf %scan3A_689, %sub3A_811 : vector<16xf32>
          %add3A_814 = arith.addf %mul3A_812, %mul3A_813 : vector<16xf32>
          %mul3A_815 = arith.mulf %get3A_788, %get3A_800 : vector<16xf32>
          %mul3A_816 = arith.mulf %scan3A_690, %sub3A_811 : vector<16xf32>
          %add3A_817 = arith.addf %mul3A_815, %mul3A_816 : vector<16xf32>
          %mul3A_818 = arith.mulf %get3A_794, %get3A_800 : vector<16xf32>
          %mul3A_819 = arith.mulf %scan3A_691, %sub3A_811 : vector<16xf32>
          %add3A_820 = arith.addf %mul3A_818, %mul3A_819 : vector<16xf32>
          %max3A_821 = arith.maximumf %get3A_800, %scan3A_692 : vector<16xf32>
          %gt3A_822 = arith.constant 0.000000e+00 : f32
          %gt3A_823 = vector.broadcast %gt3A_822 : f32 to vector<16xf32>
          %gt3A_824 = arith.cmpf ogt, %get3A_810, %gt3A_823 : vector<16xf32>
          %mul3A_825 = arith.mulf %get3A_810, %get3A_800 : vector<16xf32>
          %mul3A_826 = arith.mulf %scan3A_693, %sub3A_811 : vector<16xf32>
          %add3A_827 = arith.addf %mul3A_825, %mul3A_826 : vector<16xf32>
          %select_n3A_828 = arith.select %gt3A_824, %add3A_827, %scan3A_693 : vector<16xi1>, vector<16xf32>
          %ge3A_829 = arith.constant 0.000000e+00 : f32
          %ge3A_830 = vector.broadcast %ge3A_829 : f32 to vector<16xf32>
          %ge3A_831 = arith.cmpf oge, %get3A_810, %ge3A_830 : vector<16xf32>
          %gt3A_832 = arith.constant 5.000000e-01 : f32
          %gt3A_833 = vector.broadcast %gt3A_832 : f32 to vector<16xf32>
          %gt3A_834 = arith.cmpf ogt, %get3A_800, %gt3A_833 : vector<16xf32>
          %and3A_835 = arith.andi %ge3A_831, %gt3A_834 : vector<16xi1>
          %select_n3A_836 = arith.select %and3A_835, %get3A_806, %scan3A_694 : vector<16xi1>, vector<16xf32>
          %convert_element_type3A_837 = arith.fptosi %get3A_806 : vector<16xf32> to vector<16xi32>
          %shift_left3A_838 = arith.constant 11 : i32
          %shift_left3A_839 = vector.broadcast %shift_left3A_838 : i32 to vector<16xi32>
          %shift_left3A_840 = arith.shli %convert_element_type3A_837, %shift_left3A_839 : vector<16xi32>
          %add3A_841 = arith.addi %shift_left3A_840, %add3A_612 : vector<16xi32>
          %mul3A_842 = arith.mulf %get3A_782, %get3A_800 : vector<16xf32>
          %add3A_843 = arith.addf %mul3A_842, %sub3A_811 : vector<16xf32>
          tpu.vector_store_idx %arg11[%add3A_841], %add3A_843 masked %ge3A_831 : memref<49152xf32, #tpu.memory_space<vmem>>[vector<16xi32>], vector<16xf32>, vector<16xi1>
          %mul3A_844 = arith.mulf %get3A_788, %get3A_800 : vector<16xf32>
          %add3A_845 = arith.addf %mul3A_844, %sub3A_811 : vector<16xf32>
          %scatter3A_846 = arith.constant 128 : i32
          %scatter3A_847 = tpu.memref_slice %arg11[%scatter3A_846] : memref<49152xf32, #tpu.memory_space<vmem>> -> memref<49024xf32, #tpu.memory_space<vmem>>
          tpu.vector_store_idx %scatter3A_847[%add3A_841], %add3A_845 masked %ge3A_831 : memref<49024xf32, #tpu.memory_space<vmem>>[vector<16xi32>], vector<16xf32>, vector<16xi1>
          %mul3A_848 = arith.mulf %get3A_794, %get3A_800 : vector<16xf32>
          %add3A_849 = arith.addf %mul3A_848, %sub3A_811 : vector<16xf32>
          %scatter3A_850 = arith.constant 256 : i32
          %scatter3A_851 = tpu.memref_slice %arg11[%scatter3A_850] : memref<49152xf32, #tpu.memory_space<vmem>> -> memref<48896xf32, #tpu.memory_space<vmem>>
          tpu.vector_store_idx %scatter3A_851[%add3A_841], %add3A_849 masked %ge3A_831 : memref<48896xf32, #tpu.memory_space<vmem>>[vector<16xi32>], vector<16xf32>, vector<16xi1>
          %scatter3A_852 = arith.constant 384 : i32
          %scatter3A_853 = tpu.memref_slice %arg11[%scatter3A_852] : memref<49152xf32, #tpu.memory_space<vmem>> -> memref<48768xf32, #tpu.memory_space<vmem>>
          tpu.vector_store_idx %scatter3A_853[%add3A_841], %get3A_800 masked %ge3A_831 : memref<48768xf32, #tpu.memory_space<vmem>>[vector<16xi32>], vector<16xf32>, vector<16xi1>
          scf.yield %add3A_742, %add3A_745, %add3A_748, %max3A, %select_n3A_755, %select_n3A_763, %add3A_814, %add3A_817, %add3A_820, %max3A_821, %select_n3A_828, %select_n3A_836 : vector<16xf32>, vector<16xf32>, vector<16xf32>, vector<16xf32>, vector<16xf32>, vector<16xf32>, vector<16xf32>, vector<16xf32>, vector<16xf32>, vector<16xf32>, vector<16xf32>, vector<16xf32>
        }
        %scan3A_622 = arith.constant 8 : i32
        %broadcast_in_dim3A_623 = arith.constant -1.000000e+00 : f32
        %broadcast_in_dim3A_624 = vector.broadcast %broadcast_in_dim3A_623 : f32 to vector<16xf32>
        %gt3A = arith.constant 7.500000e+00 : f32
        %gt3A_625 = vector.broadcast %gt3A : f32 to vector<16xf32>
        %gt3A_626 = arith.cmpf ogt, %scan3A_621#5, %gt3A_625 : vector<16xf32>
        %select_n3A_627 = arith.select %gt3A_626, %broadcast_in_dim3A_624, %scan3A_621#5 : vector<16xi1>, vector<16xf32>
        %gt3A_628 = arith.constant 7.500000e+00 : f32
        %gt3A_629 = vector.broadcast %gt3A_628 : f32 to vector<16xf32>
        %gt3A_630 = arith.cmpf ogt, %scan3A_621#11, %gt3A_629 : vector<16xf32>
        %select_n3A_631 = arith.select %gt3A_630, %broadcast_in_dim3A_624, %scan3A_621#11 : vector<16xi1>, vector<16xf32>
        %swap3A = arith.index_cast %add3A_601 : i32 to index
        %swap3A_632 = tpu.vector_load %arg10[%swap3A] {strides = array<i32>} : memref<4096xf32, #tpu.memory_space<vmem>>, vector<16xf32>,
        tpu.vector_store %arg10[%swap3A], %scan3A_621#0 {strides = array<i32>} : memref<4096xf32, #tpu.memory_space<vmem>>, vector<16xf32>,
        %add3A_633 = arith.constant 16 : i32
        %add3A_634 = arith.addi %add3A_601, %add3A_633 : i32
        %swap3A_635 = arith.index_cast %add3A_634 : i32 to index
        %swap3A_636 = tpu.vector_load %arg10[%swap3A_635] {strides = array<i32>} : memref<4096xf32, #tpu.memory_space<vmem>>, vector<16xf32>,
        tpu.vector_store %arg10[%swap3A_635], %scan3A_621#6 {strides = array<i32>} : memref<4096xf32, #tpu.memory_space<vmem>>, vector<16xf32>,
        %add3A_637 = arith.constant 128 : i32
        %add3A_638 = arith.addi %add3A_601, %add3A_637 : i32
        %swap3A_639 = arith.index_cast %add3A_638 : i32 to index
        %swap3A_640 = tpu.vector_load %arg10[%swap3A_639] {strides = array<i32>} : memref<4096xf32, #tpu.memory_space<vmem>>, vector<16xf32>,
        tpu.vector_store %arg10[%swap3A_639], %scan3A_621#1 {strides = array<i32>} : memref<4096xf32, #tpu.memory_space<vmem>>, vector<16xf32>,
        %add3A_641 = arith.constant 144 : i32
        %add3A_642 = arith.addi %add3A_601, %add3A_641 : i32
        %swap3A_643 = arith.index_cast %add3A_642 : i32 to index
        %swap3A_644 = tpu.vector_load %arg10[%swap3A_643] {strides = array<i32>} : memref<4096xf32, #tpu.memory_space<vmem>>, vector<16xf32>,
        tpu.vector_store %arg10[%swap3A_643], %scan3A_621#7 {strides = array<i32>} : memref<4096xf32, #tpu.memory_space<vmem>>, vector<16xf32>,
        %add3A_645 = arith.constant 256 : i32
        %add3A_646 = arith.addi %add3A_601, %add3A_645 : i32
        %swap3A_647 = arith.index_cast %add3A_646 : i32 to index
        %swap3A_648 = tpu.vector_load %arg10[%swap3A_647] {strides = array<i32>} : memref<4096xf32, #tpu.memory_space<vmem>>, vector<16xf32>,
        tpu.vector_store %arg10[%swap3A_647], %scan3A_621#2 {strides = array<i32>} : memref<4096xf32, #tpu.memory_space<vmem>>, vector<16xf32>,
        %add3A_649 = arith.constant 272 : i32
        %add3A_650 = arith.addi %add3A_601, %add3A_649 : i32
        %swap3A_651 = arith.index_cast %add3A_650 : i32 to index
        %swap3A_652 = tpu.vector_load %arg10[%swap3A_651] {strides = array<i32>} : memref<4096xf32, #tpu.memory_space<vmem>>, vector<16xf32>,
        tpu.vector_store %arg10[%swap3A_651], %scan3A_621#8 {strides = array<i32>} : memref<4096xf32, #tpu.memory_space<vmem>>, vector<16xf32>,
        %add3A_653 = arith.constant 384 : i32
        %add3A_654 = arith.addi %add3A_601, %add3A_653 : i32
        %swap3A_655 = arith.index_cast %add3A_654 : i32 to index
        %swap3A_656 = tpu.vector_load %arg10[%swap3A_655] {strides = array<i32>} : memref<4096xf32, #tpu.memory_space<vmem>>, vector<16xf32>,
        tpu.vector_store %arg10[%swap3A_655], %scan3A_621#3 {strides = array<i32>} : memref<4096xf32, #tpu.memory_space<vmem>>, vector<16xf32>,
        %add3A_657 = arith.constant 400 : i32
        %add3A_658 = arith.addi %add3A_601, %add3A_657 : i32
        %swap3A_659 = arith.index_cast %add3A_658 : i32 to index
        %swap3A_660 = tpu.vector_load %arg10[%swap3A_659] {strides = array<i32>} : memref<4096xf32, #tpu.memory_space<vmem>>, vector<16xf32>,
        tpu.vector_store %arg10[%swap3A_659], %scan3A_621#9 {strides = array<i32>} : memref<4096xf32, #tpu.memory_space<vmem>>, vector<16xf32>,
        %mul3A_661 = arith.constant 1024 : i32
        %mul3A_662 = arith.muli %shift_right_arithmetic3A_587, %mul3A_661 : i32
        %add3A_663 = arith.addi %add3A_523, %mul3A_662 : i32
        %mul3A_664 = arith.constant 16 : i32
        %mul3A_665 = arith.muli %and3A_589, %mul3A_664 : i32
        %add3A_666 = arith.addi %add3A_663, %mul3A_665 : i32
        %swap3A_667 = arith.index_cast %add3A_666 : i32 to index
        %swap3A_668 = tpu.vector_load %arg12[%swap3A_667] {strides = array<i32>} : memref<8192xf32, #tpu.memory_space<vmem>>, vector<16xf32>,
        tpu.vector_store %arg12[%swap3A_667], %scan3A_621#4 {strides = array<i32>} : memref<8192xf32, #tpu.memory_space<vmem>>, vector<16xf32>,
        %add3A_669 = arith.constant 16 : i32
        %add3A_670 = arith.addi %add3A_666, %add3A_669 : i32
        %swap3A_671 = arith.index_cast %add3A_670 : i32 to index
        %swap3A_672 = tpu.vector_load %arg12[%swap3A_671] {strides = array<i32>} : memref<8192xf32, #tpu.memory_space<vmem>>, vector<16xf32>,
        tpu.vector_store %arg12[%swap3A_671], %scan3A_621#10 {strides = array<i32>} : memref<8192xf32, #tpu.memory_space<vmem>>, vector<16xf32>,
        %convert_element_type3A_673 = arith.fptosi %select_n3A_627 : vector<16xf32> to vector<16xi32>
        %swap3A_674 = arith.index_cast %add3A_666 : i32 to index
        %swap3A_675 = tpu.vector_load %arg13[%swap3A_674] {strides = array<i32>} : memref<8192xi32, #tpu.memory_space<vmem>>, vector<16xi32>,
        tpu.vector_store %arg13[%swap3A_674], %convert_element_type3A_673 {strides = array<i32>} : memref<8192xi32, #tpu.memory_space<vmem>>, vector<16xi32>,
        %convert_element_type3A_676 = arith.fptosi %select_n3A_631 : vector<16xf32> to vector<16xi32>
        %add3A_677 = arith.constant 16 : i32
        %add3A_678 = arith.addi %add3A_666, %add3A_677 : i32
        %swap3A_679 = arith.index_cast %add3A_678 : i32 to index
        %swap3A_680 = tpu.vector_load %arg13[%swap3A_679] {strides = array<i32>} : memref<8192xi32, #tpu.memory_space<vmem>>, vector<16xi32>,
        tpu.vector_store %arg13[%swap3A_679], %convert_element_type3A_676 {strides = array<i32>} : memref<8192xi32, #tpu.memory_space<vmem>>, vector<16xi32>,
        %scan3A_681 = arith.constant 0 : i32
        scf.yield %scan3A_681 : i32
      }
      %scan3A_530 = arith.constant 16 : i32
      %add3A_531 = arith.addi %mul3A_2, %add3A_359 : i32
      %mul3A_532 = arith.constant 2048 : i32
      %mul3A_533 = arith.muli %add3A_531, %mul3A_532 : i32
      %dma_start3A_534 = arith.constant 2048 : i32
      %dma_start3A_535 = tpu.memref_slice %arg10[%dma_start3A_534] : memref<4096xf32, #tpu.memory_space<vmem>> -> memref<2048xf32, #tpu.memory_space<vmem>>
      %dma_start3A_536 = tpu.memref_slice %arg4[%mul3A_533] : memref<2097152xf32, #tpu.memory_space<hbm>> -> memref<2048xf32, #tpu.memory_space<hbm>>
      %dma_start3A_537 = tpu.memref_slice %arg4[%mul3A_533] : memref<2097152xf32, #tpu.memory_space<hbm>> -> memref<2048xf32, #tpu.memory_space<hbm>>
      %dma_start3A_538 = arith.constant 2048 : i32
      %dma_start3A_539 = tpu.memref_slice %arg10[%dma_start3A_538] : memref<4096xf32, #tpu.memory_space<vmem>> -> memref<2048xf32, #tpu.memory_space<vmem>>
      tpu.enqueue_dma source(%dma_start3A_539 : memref<2048xf32, #tpu.memory_space<vmem>>) target(%dma_start3A_537 : memref<2048xf32, #tpu.memory_space<hbm>>) target_semaphore(%arg20 : memref<!tpu.dma_semaphore, #tpu.memory_space<semaphore_mem>>)
      %eq3A_540 = arith.constant 0 : i32
      %eq3A_541 = arith.cmpi eq, %select_n3A_473, %eq3A_540 : i32
      %convert_element_type3A_542 = arith.extui %eq3A_541 : i1 to i32
      %cond3A_543 = arith.constant 0 : i32
      %cond3A_544 = arith.cmpi ne, %convert_element_type3A_542, %cond3A_543 : i32
      scf.if %cond3A_544 {
        %mul3A_582 = arith.constant 16384 : i32
        %mul3A_583 = arith.muli %add3A_531, %mul3A_582 : i32
        %dma_start3A_584 = arith.constant 0 : i32
        %dma_start3A_585 = tpu.memref_slice %arg11[%dma_start3A_584] : memref<49152xf32, #tpu.memory_space<vmem>> -> memref<16384xf32, #tpu.memory_space<vmem>>
        %dma_start3A_586 = tpu.memref_slice %arg7[%mul3A_583] : memref<16777216xf32, #tpu.memory_space<hbm>> -> memref<16384xf32, #tpu.memory_space<hbm>>
        %dma_start3A_587 = tpu.memref_slice %arg7[%mul3A_583] : memref<16777216xf32, #tpu.memory_space<hbm>> -> memref<16384xf32, #tpu.memory_space<hbm>>
        %dma_start3A_588 = arith.constant 0 : i32
        %dma_start3A_589 = tpu.memref_slice %arg11[%dma_start3A_588] : memref<49152xf32, #tpu.memory_space<vmem>> -> memref<16384xf32, #tpu.memory_space<vmem>>
        tpu.enqueue_dma source(%dma_start3A_589 : memref<16384xf32, #tpu.memory_space<vmem>>) target(%dma_start3A_587 : memref<16384xf32, #tpu.memory_space<hbm>>) target_semaphore(%arg21 : memref<!tpu.dma_semaphore, #tpu.memory_space<semaphore_mem>>)
      } else {
      }
      %eq3A_545 = arith.constant 1 : i32
      %eq3A_546 = arith.cmpi eq, %select_n3A_473, %eq3A_545 : i32
      %convert_element_type3A_547 = arith.extui %eq3A_546 : i1 to i32
      %cond3A_548 = arith.constant 0 : i32
      %cond3A_549 = arith.cmpi ne, %convert_element_type3A_547, %cond3A_548 : i32
      scf.if %cond3A_549 {
        %mul3A_582 = arith.constant 16384 : i32
        %mul3A_583 = arith.muli %add3A_531, %mul3A_582 : i32
        %dma_start3A_584 = arith.constant 16384 : i32
        %dma_start3A_585 = tpu.memref_slice %arg11[%dma_start3A_584] : memref<49152xf32, #tpu.memory_space<vmem>> -> memref<16384xf32, #tpu.memory_space<vmem>>
        %dma_start3A_586 = tpu.memref_slice %arg7[%mul3A_583] : memref<16777216xf32, #tpu.memory_space<hbm>> -> memref<16384xf32, #tpu.memory_space<hbm>>
        %dma_start3A_587 = tpu.memref_slice %arg7[%mul3A_583] : memref<16777216xf32, #tpu.memory_space<hbm>> -> memref<16384xf32, #tpu.memory_space<hbm>>
        %dma_start3A_588 = arith.constant 16384 : i32
        %dma_start3A_589 = tpu.memref_slice %arg11[%dma_start3A_588] : memref<49152xf32, #tpu.memory_space<vmem>> -> memref<16384xf32, #tpu.memory_space<vmem>>
        tpu.enqueue_dma source(%dma_start3A_589 : memref<16384xf32, #tpu.memory_space<vmem>>) target(%dma_start3A_587 : memref<16384xf32, #tpu.memory_space<hbm>>) target_semaphore(%arg22 : memref<!tpu.dma_semaphore, #tpu.memory_space<semaphore_mem>>)
      } else {
      }
      %eq3A_550 = arith.constant 2 : i32
      %eq3A_551 = arith.cmpi eq, %select_n3A_473, %eq3A_550 : i32
      %convert_element_type3A_552 = arith.extui %eq3A_551 : i1 to i32
      %cond3A_553 = arith.constant 0 : i32
      %cond3A_554 = arith.cmpi ne, %convert_element_type3A_552, %cond3A_553 : i32
      scf.if %cond3A_554 {
        %mul3A_582 = arith.constant 16384 : i32
        %mul3A_583 = arith.muli %add3A_531, %mul3A_582 : i32
        %dma_start3A_584 = arith.constant 32768 : i32
        %dma_start3A_585 = tpu.memref_slice %arg11[%dma_start3A_584] : memref<49152xf32, #tpu.memory_space<vmem>> -> memref<16384xf32, #tpu.memory_space<vmem>>
        %dma_start3A_586 = tpu.memref_slice %arg7[%mul3A_583] : memref<16777216xf32, #tpu.memory_space<hbm>> -> memref<16384xf32, #tpu.memory_space<hbm>>
        %dma_start3A_587 = tpu.memref_slice %arg7[%mul3A_583] : memref<16777216xf32, #tpu.memory_space<hbm>> -> memref<16384xf32, #tpu.memory_space<hbm>>
        %dma_start3A_588 = arith.constant 32768 : i32
        %dma_start3A_589 = tpu.memref_slice %arg11[%dma_start3A_588] : memref<49152xf32, #tpu.memory_space<vmem>> -> memref<16384xf32, #tpu.memory_space<vmem>>
        tpu.enqueue_dma source(%dma_start3A_589 : memref<16384xf32, #tpu.memory_space<vmem>>) target(%dma_start3A_587 : memref<16384xf32, #tpu.memory_space<hbm>>) target_semaphore(%arg23 : memref<!tpu.dma_semaphore, #tpu.memory_space<semaphore_mem>>)
      } else {
      }
      %and3A_555 = arith.constant 7 : i32
      %and3A_556 = arith.andi %add3A_359, %and3A_555 : i32
      %eq3A_557 = arith.constant 7 : i32
      %eq3A_558 = arith.cmpi eq, %and3A_556, %eq3A_557 : i32
      %eq3A_559 = arith.constant 0 : i32
      %eq3A_560 = arith.cmpi eq, %and3A_363, %eq3A_559 : i32
      %and3A_561 = arith.andi %eq3A_558, %eq3A_560 : i1
      %convert_element_type3A_562 = arith.extui %and3A_561 : i1 to i32
      %cond3A_563 = arith.constant 0 : i32
      %cond3A_564 = arith.cmpi ne, %convert_element_type3A_562, %cond3A_563 : i32
      scf.if %cond3A_564 {
        %shift_right_arithmetic3A_582 = arith.constant 3 : i32
        %shift_right_arithmetic3A_583 = arith.shrsi %add3A_531, %shift_right_arithmetic3A_582 : i32
        %mul3A_584 = arith.constant 4096 : i32
        %mul3A_585 = arith.muli %shift_right_arithmetic3A_583, %mul3A_584 : i32
        %dma_start3A_586 = arith.constant 0 : i32
        %dma_start3A_587 = tpu.memref_slice %arg12[%dma_start3A_586] : memref<8192xf32, #tpu.memory_space<vmem>> -> memref<4096xf32, #tpu.memory_space<vmem>>
        %dma_start3A_588 = tpu.memref_slice %arg5[%mul3A_585] : memref<524288xf32, #tpu.memory_space<hbm>> -> memref<4096xf32, #tpu.memory_space<hbm>>
        %dma_start3A_589 = tpu.memref_slice %arg5[%mul3A_585] : memref<524288xf32, #tpu.memory_space<hbm>> -> memref<4096xf32, #tpu.memory_space<hbm>>
        %dma_start3A_590 = arith.constant 0 : i32
        %dma_start3A_591 = tpu.memref_slice %arg12[%dma_start3A_590] : memref<8192xf32, #tpu.memory_space<vmem>> -> memref<4096xf32, #tpu.memory_space<vmem>>
        tpu.enqueue_dma source(%dma_start3A_591 : memref<4096xf32, #tpu.memory_space<vmem>>) target(%dma_start3A_589 : memref<4096xf32, #tpu.memory_space<hbm>>) target_semaphore(%arg24 : memref<!tpu.dma_semaphore, #tpu.memory_space<semaphore_mem>>)
        %mul3A_592 = arith.constant 4096 : i32
        %mul3A_593 = arith.muli %shift_right_arithmetic3A_583, %mul3A_592 : i32
        %dma_start3A_594 = arith.constant 0 : i32
        %dma_start3A_595 = tpu.memref_slice %arg13[%dma_start3A_594] : memref<8192xi32, #tpu.memory_space<vmem>> -> memref<4096xi32, #tpu.memory_space<vmem>>
        %dma_start3A_596 = tpu.memref_slice %arg6[%mul3A_593] : memref<524288xi32, #tpu.memory_space<hbm>> -> memref<4096xi32, #tpu.memory_space<hbm>>
        %dma_start3A_597 = tpu.memref_slice %arg6[%mul3A_593] : memref<524288xi32, #tpu.memory_space<hbm>> -> memref<4096xi32, #tpu.memory_space<hbm>>
        %dma_start3A_598 = arith.constant 0 : i32
        %dma_start3A_599 = tpu.memref_slice %arg13[%dma_start3A_598] : memref<8192xi32, #tpu.memory_space<vmem>> -> memref<4096xi32, #tpu.memory_space<vmem>>
        tpu.enqueue_dma source(%dma_start3A_599 : memref<4096xi32, #tpu.memory_space<vmem>>) target(%dma_start3A_597 : memref<4096xi32, #tpu.memory_space<hbm>>) target_semaphore(%arg26 : memref<!tpu.dma_semaphore, #tpu.memory_space<semaphore_mem>>)
      } else {
      }
      %and3A_565 = arith.constant 7 : i32
      %and3A_566 = arith.andi %add3A_359, %and3A_565 : i32
      %eq3A_567 = arith.constant 7 : i32
      %eq3A_568 = arith.cmpi eq, %and3A_566, %eq3A_567 : i32
      %eq3A_569 = arith.constant 1 : i32
      %eq3A_570 = arith.cmpi eq, %and3A_363, %eq3A_569 : i32
      %and3A_571 = arith.andi %eq3A_568, %eq3A_570 : i1
      %convert_element_type3A_572 = arith.extui %and3A_571 : i1 to i32
      %cond3A_573 = arith.constant 0 : i32
      %cond3A_574 = arith.cmpi ne, %convert_element_type3A_572, %cond3A_573 : i32
      scf.if %cond3A_574 {
        %shift_right_arithmetic3A_582 = arith.constant 3 : i32
        %shift_right_arithmetic3A_583 = arith.shrsi %add3A_531, %shift_right_arithmetic3A_582 : i32
        %mul3A_584 = arith.constant 4096 : i32
        %mul3A_585 = arith.muli %shift_right_arithmetic3A_583, %mul3A_584 : i32
        %dma_start3A_586 = arith.constant 4096 : i32
        %dma_start3A_587 = tpu.memref_slice %arg12[%dma_start3A_586] : memref<8192xf32, #tpu.memory_space<vmem>> -> memref<4096xf32, #tpu.memory_space<vmem>>
        %dma_start3A_588 = tpu.memref_slice %arg5[%mul3A_585] : memref<524288xf32, #tpu.memory_space<hbm>> -> memref<4096xf32, #tpu.memory_space<hbm>>
        %dma_start3A_589 = tpu.memref_slice %arg5[%mul3A_585] : memref<524288xf32, #tpu.memory_space<hbm>> -> memref<4096xf32, #tpu.memory_space<hbm>>
        %dma_start3A_590 = arith.constant 4096 : i32
        %dma_start3A_591 = tpu.memref_slice %arg12[%dma_start3A_590] : memref<8192xf32, #tpu.memory_space<vmem>> -> memref<4096xf32, #tpu.memory_space<vmem>>
        tpu.enqueue_dma source(%dma_start3A_591 : memref<4096xf32, #tpu.memory_space<vmem>>) target(%dma_start3A_589 : memref<4096xf32, #tpu.memory_space<hbm>>) target_semaphore(%arg25 : memref<!tpu.dma_semaphore, #tpu.memory_space<semaphore_mem>>)
        %mul3A_592 = arith.constant 4096 : i32
        %mul3A_593 = arith.muli %shift_right_arithmetic3A_583, %mul3A_592 : i32
        %dma_start3A_594 = arith.constant 4096 : i32
        %dma_start3A_595 = tpu.memref_slice %arg13[%dma_start3A_594] : memref<8192xi32, #tpu.memory_space<vmem>> -> memref<4096xi32, #tpu.memory_space<vmem>>
        %dma_start3A_596 = tpu.memref_slice %arg6[%mul3A_593] : memref<524288xi32, #tpu.memory_space<hbm>> -> memref<4096xi32, #tpu.memory_space<hbm>>
        %dma_start3A_597 = tpu.memref_slice %arg6[%mul3A_593] : memref<524288xi32, #tpu.memory_space<hbm>> -> memref<4096xi32, #tpu.memory_space<hbm>>
        %dma_start3A_598 = arith.constant 4096 : i32
        %dma_start3A_599 = tpu.memref_slice %arg13[%dma_start3A_598] : memref<8192xi32, #tpu.memory_space<vmem>> -> memref<4096xi32, #tpu.memory_space<vmem>>
        tpu.enqueue_dma source(%dma_start3A_599 : memref<4096xi32, #tpu.memory_space<vmem>>) target(%dma_start3A_597 : memref<4096xi32, #tpu.memory_space<hbm>>) target_semaphore(%arg27 : memref<!tpu.dma_semaphore, #tpu.memory_space<semaphore_mem>>)
      } else {
      }
      %add3A_575 = arith.constant 2 : i32
      %add3A_576 = arith.addi %add3A_359, %add3A_575 : i32
      %lt3A_577 = arith.constant 32 : i32
      %lt3A_578 = arith.cmpi slt, %add3A_576, %lt3A_577 : i32
      %convert_element_type3A_579 = arith.extui %lt3A_578 : i1 to i32
      %cond3A_580 = arith.constant 0 : i32
      %cond3A_581 = arith.cmpi ne, %convert_element_type3A_579, %cond3A_580 : i32
      scf.if %cond3A_581 {
        %add3A_582 = arith.constant 2 : i32
        %add3A_583 = arith.addi %add3A_359, %add3A_582 : i32
        %add3A_584 = arith.addi %mul3A_2, %add3A_583 : i32
        %mul3A_585 = arith.constant 20480 : i32
        %mul3A_586 = arith.muli %add3A_584, %mul3A_585 : i32
        %mul3A_587 = arith.constant 4096 : i32
        %mul3A_588 = arith.muli %add3A_584, %mul3A_587 : i32
        %dma_start3A_589 = arith.constant 20480 : i32
        %dma_start3A_590 = tpu.memref_slice %arg8[%dma_start3A_589] : memref<40960xf32, #tpu.memory_space<vmem>> -> memref<20480xf32, #tpu.memory_space<vmem>>
        %dma_start3A_591 = tpu.memref_slice %arg2[%mul3A_586] : memref<20971520xf32, #tpu.memory_space<hbm>> -> memref<20480xf32, #tpu.memory_space<hbm>>
        %dma_start3A_592 = arith.constant 20480 : i32
        %dma_start3A_593 = tpu.memref_slice %arg8[%dma_start3A_592] : memref<40960xf32, #tpu.memory_space<vmem>> -> memref<20480xf32, #tpu.memory_space<vmem>>
        %dma_start3A_594 = tpu.memref_slice %arg2[%mul3A_586] : memref<20971520xf32, #tpu.memory_space<hbm>> -> memref<20480xf32, #tpu.memory_space<hbm>>
        tpu.enqueue_dma source(%dma_start3A_594 : memref<20480xf32, #tpu.memory_space<hbm>>) target(%dma_start3A_593 : memref<20480xf32, #tpu.memory_space<vmem>>) target_semaphore(%arg16 : memref<!tpu.dma_semaphore, #tpu.memory_space<semaphore_mem>>)
        %dma_start3A_595 = arith.constant 4096 : i32
        %dma_start3A_596 = tpu.memref_slice %arg9[%dma_start3A_595] : memref<8192xf32, #tpu.memory_space<vmem>> -> memref<4096xf32, #tpu.memory_space<vmem>>
        %dma_start3A_597 = tpu.memref_slice %arg3[%mul3A_588] : memref<4194304xf32, #tpu.memory_space<hbm>> -> memref<4096xf32, #tpu.memory_space<hbm>>
        %dma_start3A_598 = arith.constant 4096 : i32
        %dma_start3A_599 = tpu.memref_slice %arg9[%dma_start3A_598] : memref<8192xf32, #tpu.memory_space<vmem>> -> memref<4096xf32, #tpu.memory_space<vmem>>
        %dma_start3A_600 = tpu.memref_slice %arg3[%mul3A_588] : memref<4194304xf32, #tpu.memory_space<hbm>> -> memref<4096xf32, #tpu.memory_space<hbm>>
        tpu.enqueue_dma source(%dma_start3A_600 : memref<4096xf32, #tpu.memory_space<hbm>>) target(%dma_start3A_599 : memref<4096xf32, #tpu.memory_space<vmem>>) target_semaphore(%arg18 : memref<!tpu.dma_semaphore, #tpu.memory_space<semaphore_mem>>)
      } else {
      }
    }
    %scan3A_57 = arith.constant 16 : i32
    %add3A_58 = arith.constant 30 : i32
    %add3A_59 = arith.addi %mul3A_2, %add3A_58 : i32
    %mul3A_60 = arith.constant 2048 : i32
    %mul3A_61 = arith.muli %add3A_59, %mul3A_60 : i32
    %dma_wait3A = arith.constant 0 : i32
    %dma_wait3A_62 = tpu.memref_slice %arg10[%dma_wait3A] : memref<4096xf32, #tpu.memory_space<vmem>> -> memref<2048xf32, #tpu.memory_space<vmem>>
    %dma_wait3A_63 = tpu.memref_slice %arg4[%mul3A_61] : memref<2097152xf32, #tpu.memory_space<hbm>> -> memref<2048xf32, #tpu.memory_space<hbm>>
    %dma_wait3A_64 = tpu.memref_slice %arg4[%mul3A_61] : memref<2097152xf32, #tpu.memory_space<hbm>> -> memref<2048xf32, #tpu.memory_space<hbm>>
    %dma_wait3A_65 = arith.constant 0 : i32
    %dma_wait3A_66 = tpu.memref_slice %arg10[%dma_wait3A_65] : memref<4096xf32, #tpu.memory_space<vmem>> -> memref<2048xf32, #tpu.memory_space<vmem>>
    tpu.wait_dma2 semaphore(%arg19 : memref<!tpu.dma_semaphore, #tpu.memory_space<semaphore_mem>>) src(%dma_wait3A_66 : memref<2048xf32, #tpu.memory_space<vmem>>) dst(%dma_wait3A_64 : memref<2048xf32, #tpu.memory_space<hbm>>)
    %add3A_67 = arith.constant 30 : i32
    %add3A_68 = arith.addi %mul3A_2, %add3A_67 : i32
    %mul3A_69 = arith.constant 16384 : i32
    %mul3A_70 = arith.muli %add3A_68, %mul3A_69 : i32
    %dma_wait3A_71 = arith.constant 0 : i32
    %dma_wait3A_72 = tpu.memref_slice %arg11[%dma_wait3A_71] : memref<49152xf32, #tpu.memory_space<vmem>> -> memref<16384xf32, #tpu.memory_space<vmem>>
    %dma_wait3A_73 = tpu.memref_slice %arg7[%mul3A_70] : memref<16777216xf32, #tpu.memory_space<hbm>> -> memref<16384xf32, #tpu.memory_space<hbm>>
    %dma_wait3A_74 = tpu.memref_slice %arg7[%mul3A_70] : memref<16777216xf32, #tpu.memory_space<hbm>> -> memref<16384xf32, #tpu.memory_space<hbm>>
    %dma_wait3A_75 = arith.constant 0 : i32
    %dma_wait3A_76 = tpu.memref_slice %arg11[%dma_wait3A_75] : memref<49152xf32, #tpu.memory_space<vmem>> -> memref<16384xf32, #tpu.memory_space<vmem>>
    tpu.wait_dma2 semaphore(%arg21 : memref<!tpu.dma_semaphore, #tpu.memory_space<semaphore_mem>>) src(%dma_wait3A_76 : memref<16384xf32, #tpu.memory_space<vmem>>) dst(%dma_wait3A_74 : memref<16384xf32, #tpu.memory_space<hbm>>)
    %add3A_77 = arith.constant 31 : i32
    %add3A_78 = arith.addi %mul3A_2, %add3A_77 : i32
    %mul3A_79 = arith.constant 2048 : i32
    %mul3A_80 = arith.muli %add3A_78, %mul3A_79 : i32
    %dma_wait3A_81 = arith.constant 2048 : i32
    %dma_wait3A_82 = tpu.memref_slice %arg10[%dma_wait3A_81] : memref<4096xf32, #tpu.memory_space<vmem>> -> memref<2048xf32, #tpu.memory_space<vmem>>
    %dma_wait3A_83 = tpu.memref_slice %arg4[%mul3A_80] : memref<2097152xf32, #tpu.memory_space<hbm>> -> memref<2048xf32, #tpu.memory_space<hbm>>
    %dma_wait3A_84 = tpu.memref_slice %arg4[%mul3A_80] : memref<2097152xf32, #tpu.memory_space<hbm>> -> memref<2048xf32, #tpu.memory_space<hbm>>
    %dma_wait3A_85 = arith.constant 2048 : i32
    %dma_wait3A_86 = tpu.memref_slice %arg10[%dma_wait3A_85] : memref<4096xf32, #tpu.memory_space<vmem>> -> memref<2048xf32, #tpu.memory_space<vmem>>
    tpu.wait_dma2 semaphore(%arg20 : memref<!tpu.dma_semaphore, #tpu.memory_space<semaphore_mem>>) src(%dma_wait3A_86 : memref<2048xf32, #tpu.memory_space<vmem>>) dst(%dma_wait3A_84 : memref<2048xf32, #tpu.memory_space<hbm>>)
    %add3A_87 = arith.constant 31 : i32
    %add3A_88 = arith.addi %mul3A_2, %add3A_87 : i32
    %mul3A_89 = arith.constant 16384 : i32
    %mul3A_90 = arith.muli %add3A_88, %mul3A_89 : i32
    %dma_wait3A_91 = arith.constant 16384 : i32
    %dma_wait3A_92 = tpu.memref_slice %arg11[%dma_wait3A_91] : memref<49152xf32, #tpu.memory_space<vmem>> -> memref<16384xf32, #tpu.memory_space<vmem>>
    %dma_wait3A_93 = tpu.memref_slice %arg7[%mul3A_90] : memref<16777216xf32, #tpu.memory_space<hbm>> -> memref<16384xf32, #tpu.memory_space<hbm>>
    %dma_wait3A_94 = tpu.memref_slice %arg7[%mul3A_90] : memref<16777216xf32, #tpu.memory_space<hbm>> -> memref<16384xf32, #tpu.memory_space<hbm>>
    %dma_wait3A_95 = arith.constant 16384 : i32
    %dma_wait3A_96 = tpu.memref_slice %arg11[%dma_wait3A_95] : memref<49152xf32, #tpu.memory_space<vmem>> -> memref<16384xf32, #tpu.memory_space<vmem>>
    tpu.wait_dma2 semaphore(%arg22 : memref<!tpu.dma_semaphore, #tpu.memory_space<semaphore_mem>>) src(%dma_wait3A_96 : memref<16384xf32, #tpu.memory_space<vmem>>) dst(%dma_wait3A_94 : memref<16384xf32, #tpu.memory_space<hbm>>)
    %add3A_97 = arith.constant 16 : i32
    %add3A_98 = arith.addi %mul3A_2, %add3A_97 : i32
    %shift_right_arithmetic3A = arith.constant 3 : i32
    %shift_right_arithmetic3A_99 = arith.shrsi %add3A_98, %shift_right_arithmetic3A : i32
    %mul3A_100 = arith.constant 4096 : i32
    %mul3A_101 = arith.muli %shift_right_arithmetic3A_99, %mul3A_100 : i32
    %dma_wait3A_102 = arith.constant 0 : i32
    %dma_wait3A_103 = tpu.memref_slice %arg12[%dma_wait3A_102] : memref<8192xf32, #tpu.memory_space<vmem>> -> memref<4096xf32, #tpu.memory_space<vmem>>
    %dma_wait3A_104 = tpu.memref_slice %arg5[%mul3A_101] : memref<524288xf32, #tpu.memory_space<hbm>> -> memref<4096xf32, #tpu.memory_space<hbm>>
    %dma_wait3A_105 = tpu.memref_slice %arg5[%mul3A_101] : memref<524288xf32, #tpu.memory_space<hbm>> -> memref<4096xf32, #tpu.memory_space<hbm>>
    %dma_wait3A_106 = arith.constant 0 : i32
    %dma_wait3A_107 = tpu.memref_slice %arg12[%dma_wait3A_106] : memref<8192xf32, #tpu.memory_space<vmem>> -> memref<4096xf32, #tpu.memory_space<vmem>>
    tpu.wait_dma2 semaphore(%arg24 : memref<!tpu.dma_semaphore, #tpu.memory_space<semaphore_mem>>) src(%dma_wait3A_107 : memref<4096xf32, #tpu.memory_space<vmem>>) dst(%dma_wait3A_105 : memref<4096xf32, #tpu.memory_space<hbm>>)
    %mul3A_108 = arith.constant 4096 : i32
    %mul3A_109 = arith.muli %shift_right_arithmetic3A_99, %mul3A_108 : i32
    %dma_wait3A_110 = arith.constant 0 : i32
    %dma_wait3A_111 = tpu.memref_slice %arg13[%dma_wait3A_110] : memref<8192xi32, #tpu.memory_space<vmem>> -> memref<4096xi32, #tpu.memory_space<vmem>>
    %dma_wait3A_112 = tpu.memref_slice %arg6[%mul3A_109] : memref<524288xi32, #tpu.memory_space<hbm>> -> memref<4096xi32, #tpu.memory_space<hbm>>
    %dma_wait3A_113 = tpu.memref_slice %arg6[%mul3A_109] : memref<524288xi32, #tpu.memory_space<hbm>> -> memref<4096xi32, #tpu.memory_space<hbm>>
    %dma_wait3A_114 = arith.constant 0 : i32
    %dma_wait3A_115 = tpu.memref_slice %arg13[%dma_wait3A_114] : memref<8192xi32, #tpu.memory_space<vmem>> -> memref<4096xi32, #tpu.memory_space<vmem>>
    tpu.wait_dma2 semaphore(%arg26 : memref<!tpu.dma_semaphore, #tpu.memory_space<semaphore_mem>>) src(%dma_wait3A_115 : memref<4096xi32, #tpu.memory_space<vmem>>) dst(%dma_wait3A_113 : memref<4096xi32, #tpu.memory_space<hbm>>)
    %add3A_116 = arith.constant 24 : i32
    %add3A_117 = arith.addi %mul3A_2, %add3A_116 : i32
    %shift_right_arithmetic3A_118 = arith.constant 3 : i32
    %shift_right_arithmetic3A_119 = arith.shrsi %add3A_117, %shift_right_arithmetic3A_118 : i32
    %mul3A_120 = arith.constant 4096 : i32
    %mul3A_121 = arith.muli %shift_right_arithmetic3A_119, %mul3A_120 : i32
    %dma_wait3A_122 = arith.constant 4096 : i32
    %dma_wait3A_123 = tpu.memref_slice %arg12[%dma_wait3A_122] : memref<8192xf32, #tpu.memory_space<vmem>> -> memref<4096xf32, #tpu.memory_space<vmem>>
    %dma_wait3A_124 = tpu.memref_slice %arg5[%mul3A_121] : memref<524288xf32, #tpu.memory_space<hbm>> -> memref<4096xf32, #tpu.memory_space<hbm>>
    %dma_wait3A_125 = tpu.memref_slice %arg5[%mul3A_121] : memref<524288xf32, #tpu.memory_space<hbm>> -> memref<4096xf32, #tpu.memory_space<hbm>>
    %dma_wait3A_126 = arith.constant 4096 : i32
    %dma_wait3A_127 = tpu.memref_slice %arg12[%dma_wait3A_126] : memref<8192xf32, #tpu.memory_space<vmem>> -> memref<4096xf32, #tpu.memory_space<vmem>>
    tpu.wait_dma2 semaphore(%arg25 : memref<!tpu.dma_semaphore, #tpu.memory_space<semaphore_mem>>) src(%dma_wait3A_127 : memref<4096xf32, #tpu.memory_space<vmem>>) dst(%dma_wait3A_125 : memref<4096xf32, #tpu.memory_space<hbm>>)
    %mul3A_128 = arith.constant 4096 : i32
    %mul3A_129 = arith.muli %shift_right_arithmetic3A_119, %mul3A_128 : i32
    %dma_wait3A_130 = arith.constant 4096 : i32
    %dma_wait3A_131 = tpu.memref_slice %arg13[%dma_wait3A_130] : memref<8192xi32, #tpu.memory_space<vmem>> -> memref<4096xi32, #tpu.memory_space<vmem>>
    %dma_wait3A_132 = tpu.memref_slice %arg6[%mul3A_129] : memref<524288xi32, #tpu.memory_space<hbm>> -> memref<4096xi32, #tpu.memory_space<hbm>>
    %dma_wait3A_133 = tpu.memref_slice %arg6[%mul3A_129] : memref<524288xi32, #tpu.memory_space<hbm>> -> memref<4096xi32, #tpu.memory_space<hbm>>
    %dma_wait3A_134 = arith.constant 4096 : i32
    %dma_wait3A_135 = tpu.memref_slice %arg13[%dma_wait3A_134] : memref<8192xi32, #tpu.memory_space<vmem>> -> memref<4096xi32, #tpu.memory_space<vmem>>
    tpu.wait_dma2 semaphore(%arg27 : memref<!tpu.dma_semaphore, #tpu.memory_space<semaphore_mem>>) src(%dma_wait3A_135 : memref<4096xi32, #tpu.memory_space<vmem>>) dst(%dma_wait3A_133 : memref<4096xi32, #tpu.memory_space<hbm>>)
    return
  }
}

</mosaic_0001>

<sc_bundles>
// kernel: _run.3.cloned.1.call-start
scs
__scs_entry_jumppad:
0x0: {  	(pc) =	sbr.rel $0x88, $3  }
0x1: {  	(tag) =	ssettag $0x0;
	lr =	simm.s32 $0x1  }
0x2: {  	[smem:$0x3F9F] =	sst lr;
	_ =	strace $0xD0000000  }
0x3: {  	_ = 	snop  }
0x4: {  	_ = 	snop  }
0x5: {  	_ = 	snop  }
0x6: {  	_ = 	snop  }
0x7: {  	_ = 	snop  }
__scs_overlays_trampoline_lowered:
0x8: {  	[smem:$0x3FAE] =	sst s0  }
0x9: {  	[smem:$0x3FAF] =	sst s1  }
0xa: {  	[smem:$0x3FB0] =	sst s2  }
0xb: {  	[smem:$0x3FB1] =	sst s3  }
0xc: {  	[smem:$0x3FB2] =	sst s4  }
0xd: {  	[smem:$0x3FB3] =	sst s5  }
0xe: {  	[smem:$0x3FB4] =	sst s6  }
0xf: {  	[smem:$0x3FB5] =	sst s7  }
0x10: {  	[smem:$0x3FB6] =	sst s8  }
0x11: {  	[smem:$0x3FB7] =	sst s9;
	s0 =	simm.s32 @!p0 $0x0  }
0x12: {  	s1 =	sld [smem:$0x3F9D];
	s0 =	simm.s32 @p0 $0x1  }
0x13: {  	[smem:$0x3FB8] =	sst s0;
	s0 =	simm.s32 @!p1 $0x0  }
0x14: {  	s2 =	sld [smem:$0x3F9C];
	s0 =	simm.s32 @p1 $0x1  }
0x15: {  	[smem:$0x3FB9] =	sst s0;
	s0 =	simm.s32 @!p2 $0x0  }
0x16: {  	s3 =	sld [smem:$0x3FDB];
	s0 =	simm.s32 @p2 $0x1  }
0x17: {  	s4 =	simm.s32 $0x1BF5;
	[smem:$0x3FBB] =	sst s0  }
0x18: {  	s0 =	sld [smem:$0x3F9E];
	_ =	swait.ge [sflag:s4], $0x0  }
0x19: {  	s7 =	sld [smem:$0x3F9F]  }
0x1a: {  	s8 =	sadd.s32 $0xFFFFE003, lr  }
0x1b: {  	s9 =	sadd.s32 $0xFFFFFEF7, lr;
	s5 =	simm.s32 $0xFFFFFFFF;
	p2 =	slt.u32 s8, $0xFFFFF086  }
0x1c: {  	p1 =	slt.u32 s9, $0xF7A;
	s5 =	simm.s32 @!p2 $0x0  }
0x1d: {  	s5 =	simm.s32 @p1 $0x1;
	p0 =	seq.s32 s7, s2  }
0x1e: {  	s7 =	smul.u32 @!p0 $0xF7A, s2;
	p2 =	seq.s32 @!p0 s5, $0x0  }
0x1f: {  	s9 =	smul.u32 $0xF7A, s1;
	s8 =	simm.s32 @!p0 $0x1BF5;
	p2 =	por !p2, p0  }
0x20: {  	[sflag:s8] =	ssyncset.s32 @!p0 $0xFFFFF086;
	s6 =	sadd.s32 @!p0 s3, s7;
	s7 =	simm.s32 @!p0 $0x108  }
0x21: {  	s3 =	sadd.s32 s3, s9;
	s6 =	sadd.s32 @!p0 $0x88, s6;
	s7 =	simm.s32 @p2 $0x1082  }
0x22: {  	[simem:s7], [sflag:s8] =	dma.local @!p0 [hbm:s6], $0xF7A  }
0x23: {  	s9 =	sor.u32 $0xD0000000, s2;
	s6 =	simm.s32 $0x108;
	_ =	swait.ge @!p0 [sflag:s8], $0x0  }
0x24: {  	s3 =	sadd.s32 $0x88, s3;
	s6 =	simm.s32 @!p1 $0x1082;
	[sflag:s4] =	ssyncset.s32 $0xFFFFF086  }
0x25: {  	[simem:s6], [sflag:s4] =	dma.local [hbm:s3], $0xF7A  }
0x26: {  	[smem:$0x3F9F] =	sst s1;
	(tag) =	ssettag s2;
	_ =	strace s9  }
0x27: {  	s1 =	sld [smem:$0x3FAF]  }
0x28: {  	s2 =	sld [smem:$0x3FB0]  }
0x29: {  	s4 =	sld [smem:$0x3FB2]  }
0x2a: {  	p0 =	seq.s32 s5, $0x0;
	s5 =	sld [smem:$0x3FB3]  }
0x2b: {  	s6 =	sld [smem:$0x3FB4]  }
0x2c: {  	s7 =	sld [smem:$0x3FB5]  }
0x2d: {  	s3 =	simm.s32 $0x108;
	s8 =	sld [smem:$0x3FB6]  }
0x2e: {  	s3 =	simm.s32 @!p0 $0x1082;
	s9 =	sld [smem:$0x3FB7]  }
0x2f: {  	lr =	sadd.s32 s0, s3;
	s0 =	sld [smem:$0x3FAE]  }
0x30: {  	s3 =	sld [smem:$0x3FB1]  }
0x31: {  	[smem:$0x3FBA] =	sst s10  }
0x32: {  	s10 =	sld [smem:$0x3FB8];
	_ =	sdelay $0x3  }
0x33: {  	p0 =	seq.s32 s10, $0x1;
	s10 =	sld [smem:$0x3FBA];
	_ =	sdelay $0x3  }
0x34: {  	[smem:$0x3FBA] =	sst s10  }
0x35: {  	s10 =	sld [smem:$0x3FB9];
	_ =	sdelay $0x3  }
0x36: {  	p1 =	seq.s32 s10, $0x1;
	s10 =	sld [smem:$0x3FBA];
	_ =	sdelay $0x3  }
0x37: {  	[smem:$0x3FBA] =	sst s10  }
0x38: {  	s10 =	sld [smem:$0x3FBB]  }
0x39: {  	_ = 	snop;
	(pc) =	sbr.ind lr, $3  }
0x3a: {  	_ = 	snop  }
0x3b: {  	_ = 	snop  }
0x3c: {  	p2 =	seq.s32 s10, $0x1;
	s10 =	sld [smem:$0x3FBA]  }
0x3d: {  	_ =	shalt  }
0x3e: {  	_ =	shalt  }
0x3f: {  	_ =	shalt  }
0x40: {  	_ =	shalt  }
0x41: {  	_ =	shalt  }
0x42: {  	_ =	shalt  }
0x43: {  	_ =	shalt  }
0x44: {  	_ =	shalt  }
0x45: {  	_ =	shalt  }
0x46: {  	_ =	shalt  }
0x47: {  	_ =	shalt  }
0x48: {  	_ =	shalt  }
0x49: {  	_ =	shalt  }
0x4a: {  	_ =	shalt  }
0x4b: {  	_ =	shalt  }
0x4c: {  	_ =	shalt  }
0x4d: {  	_ =	shalt  }
0x4e: {  	_ =	shalt  }
0x4f: {  	_ =	shalt  }
0x50: {  	_ =	shalt  }
0x51: {  	_ =	shalt  }
0x52: {  	_ =	shalt  }
0x53: {  	_ =	shalt  }
0x54: {  	_ =	shalt  }
0x55: {  	_ =	shalt  }
0x56: {  	_ =	shalt  }
0x57: {  	_ =	shalt  }
0x58: {  	_ =	shalt  }
0x59: {  	_ =	shalt  }
0x5a: {  	_ =	shalt  }
0x5b: {  	_ =	shalt  }
0x5c: {  	_ =	shalt  }
0x5d: {  	_ =	shalt  }
0x5e: {  	_ =	shalt  }
0x5f: {  	_ =	shalt  }
0x60: {  	_ =	shalt  }
0x61: {  	_ =	shalt  }
0x62: {  	_ =	shalt  }
0x63: {  	_ =	shalt  }
0x64: {  	_ =	shalt  }
0x65: {  	_ =	shalt  }
0x66: {  	_ =	shalt  }
0x67: {  	_ =	shalt  }
0x68: {  	_ =	shalt  }
0x69: {  	_ =	shalt  }
0x6a: {  	_ =	shalt  }
0x6b: {  	_ =	shalt  }
0x6c: {  	_ =	shalt  }
0x6d: {  	_ =	shalt  }
0x6e: {  	_ =	shalt  }
0x6f: {  	_ =	shalt  }
0x70: {  	_ =	shalt  }
0x71: {  	_ =	shalt  }
0x72: {  	_ =	shalt  }
0x73: {  	_ =	shalt  }
0x74: {  	_ =	shalt  }
0x75: {  	_ =	shalt  }
0x76: {  	_ =	shalt  }
0x77: {  	_ =	shalt  }
0x78: {  	_ =	shalt  }
0x79: {  	_ =	shalt  }
0x7a: {  	_ =	shalt  }
0x7b: {  	_ =	shalt  }
0x7c: {  	_ =	shalt  }
0x7d: {  	_ =	shalt  }
0x7e: {  	_ =	shalt  }
0x7f: {  	_ =	shalt  }
0x80: {  	_ =	shalt  }
0x81: {  	_ =	shalt  }
0x82: {  	_ =	shalt  }
0x83: {  	_ =	shalt  }
0x84: {  	_ =	shalt  }
0x85: {  	_ =	shalt  }
0x86: {  	_ =	shalt  }
0x87: {  	_ =	shalt  }
.Lfunc_end0:
.L_simem_size_0:
called_computation_lowered:
.L_overlay_start_0:
0x88: {  	s2 =	sld [smem:$0x3FD9]  }
0x89: {  	s3 =	sld [smem:$0x3FFE];
	_ =	sdelay $0x1  }
0x8a: {  	s1 =	srdreg.scid  }
0x8b: {  	s0 =	sand.u32 $0x1, s1  }
0x8c: {  	s15 =	sshll.u32 s0, $0xA;
	s2 =	sadd.s32 s3, s2  }
0x8d: {  	s2 =	sadd.s32 s2, s15  }
0x8e: {  	[smem:$0x3FC6] =	sst s2  }
0x8f: {  	_ = 	snop  }
0x90: {  	s2 =	sld [smem:$0x3FD0];
	_ =	sdelay $0x1  }
0x91: {  	s16 =	sld [smem:$0x3FC9]  }
0x92: {  	s5 =	simm.s32 $0xA;
	s6 =	simm.s32 $0x10;
	s4 =	sld [smem:$0x3FC8]  }
0x93: {  	[smem:s6], [sflag:s5] =	dma.local [hbm:s2], $0x1  }
0x94: {  	_ =	swait.eq [sflag:s5], $0x1  }
0x95: {  	s17 =	sld [smem:$0x10]  }
0x96: {  	s18 =	sld [smem:$0x11];
	[sflag:s5] =	ssyncset.done $0x0  }
0x97: {  	s7 =	sld [smem:$0x12];
	[sflag:s5] =	ssyncadd.s32 $0xFFFFFFFF  }
0x98: {  	s19 =	sld [smem:$0x13];
	(tm) =	ssettm $0x1  }
0x99: {  	s8 =	sld [smem:$0x3FFB];
	_ =	sdelay $0x3  }
0x9a: {  	_ =	strace s8  }
0x9b: {  	s8 =	sld [smem:$0x3FFC];
	_ =	sdelay $0x3  }
0x9c: {  	_ =	strace s8  }
0x9d: {  	s8 =	sld [smem:$0x3FFD];
	_ =	sdelay $0x3  }
0x9e: {  	_ =	strace s8  }
0x9f: {  	_ =	strace $0x8FFFFFFF  }
0xa0: {  	s20 =	sld [smem:$0x3FDB];
	_ =	sdelay $0x1  }
0xa1: {  	s9 =	simm.s32 $_scs_section_size  }
0xa2: {  	s10 =	simm.s32 $_size__tile_overlayer_lowered;
	s11 =	simm.s32 $_tile_overlayer_lowered  }
0xa3: {  	s23 =	simm.s32 $0x1BFF;
	s22 =	sshll.u32 s11, $0x1;
	s8 =	sadd.s32 s9, s20  }
0xa4: {  	s12 =	simm.s32 $0x0;
	s21 =	sshll.u32 s10, $0x1;
	s10 =	sadd.s32 s22, s8  }
0xa5: {  	[timem:s12], [sflag:s23] =	dma.local [hbm:s10], s21  }
0xa6: {  	_ =	swait.ge [sflag:s23], s21  }
0xa7: {  	s9 =	ssub.s32 $0x0, s21;
	[sflag:s23] =	ssyncset.done $0x0  }
0xa8: {  	[sflag:s23] =	ssyncadd.s32 s9;
	_ =	sdelay $0x1  }
0xa9: {  	s24 =	simm.s32 $0x1B8B  }
0xaa: {  	_ =	swait.ge [sflag:s24], $0x1  }
0xab: {  	[sflag:s24] =	ssyncset.done $0x0  }
0xac: {  	s25 =	simm.s32 $0x1B8E;
	[sflag:s24] =	ssyncadd.s32 $0xFFFFFFFF  }
0xad: {  	s26 =	simm.s32 $execute0_lowered;
	[smem:$0x3FD2] =	sst s25  }
0xae: {  	s9 =	sshll.u32 s26, $0x1;
	_ =	strace $0x80000046;
	[dreg:$0x1] =	wrdreg $0xFFFFFFFF  }
0xaf: {  	s28 =	simm.s32 $_size_execute0_lowered;
	s8 =	sadd.s32 s8, s9;
	[dreg:$0x0] =	wrdreg $0x0  }
0xb0: {  	s9 =	sshll.u32 s28, $0x1;
	[dreg:$0x2] =	wrdreg s8  }
0xb1: {  	[dreg:$0x3] =	wrdreg s9  }
0xb2: {  	[dreg:$0x4] =	wrdreg $0xC0  }
0xb3: {  	_ =	task [dreg:s12], $0x5FFFF  }
0xb4: {  	[dreg:$0x1] =	wrdreg $0xFFFFFFFF  }
0xb5: {  	[dreg:$0x0] =	wrdreg $0x60  }
0xb6: {  	[dreg:$0x2] =	wrdreg s16  }
0xb7: {  	[dreg:$0x3] =	wrdreg s4  }
0xb8: {  	[dreg:$0x4] =	wrdreg s17  }
0xb9: {  	[dreg:$0x5] =	wrdreg s18  }
0xba: {  	[dreg:$0x6] =	wrdreg s7  }
0xbb: {  	[dreg:$0x7] =	wrdreg s19  }
0xbc: {  	[dreg:$0x8] =	wrdreg $0x1D0000  }
0xbd: {  	[dreg:$0x9] =	wrdreg $0x9  }
0xbe: {  	_ =	task.clear_ibuf [dreg:s12], $0xAFFFF;
	_ =	strace $0x90000046  }
0xbf: {  	s29 =	simm.s32 $0x9;
	_ =	strace $0x80000048  }
0xc0: {  	_ =	swait.ge [sflag:s29], $0x1  }
0xc1: {  	[sflag:s29] =	ssyncadd.s32 $0xFFFFFFFF  }
0xc2: {  	_ =	strace $0x90000048  }
0xc3: {  	_ =	sfence  }
0xc4: {  	s30 =	sld [smem:$0x0];
	_ =	sdelay $0x2  }
0xc5: {  	s31 =	sshll.u32 s1, $0xD;
	s1 =	sshrl.u32 s1, $0x2  }
0xc6: {  	s3 =	sand.u32 $0x4000, s31;
	s1 =	sadd.s32 s1, s30  }
0xc7: {  	s0 =	sor.u32 s3, s0;
	s1 =	sshll.u32 s1, $0x11  }
0xc8: {  	s0 =	sor.u32 s1, s0  }
0xc9: {  	s0 =	sadd.s32 $0x8F2B, s0  }
0xca: {  	[sflag:s0] =	ssyncadd.remote.s32 $0x1  }
0xcb: {  	_ =	sfence.sel $0xFFFF  }
0xcc: {  	[dreg:$0x0] =	wrdreg $0xFFFFFFFF;
	(pc) =	sbr.abs _section_cstart, $3  }
0xcd: {  	[dreg:$0x1] =	wrdreg $0xFFFFFFFF  }
0xce: {  	_ =	task.clear_ibuf [dreg:s12], $0x2FFFF;
	_ =	strace $0x9FFFFFFF  }
0xcf: {  	(tm) =	ssettm $0x7FFFFFFF  }
tec
execute0_lowered:
.L_overlay_start_1:
0x0: {  	(tag) =	ssettag $0x1  }
0x1: {  	s7 =	rddreg [dreg:$0x0]  }
0x2: {  	s11 =	rddreg [dreg:$0x1]  }
0x3: {  	s5 =	rddreg [dreg:$0x5];
	s0 =	srdreg.scid  }
0x4: {  	s1 =	stileid.u32;
	s29 =	rddreg [dreg:$0x6];
	s8 =	simm.s32 $0x0  }
0x5: {  	s19 =	simm.s32 $0xD000;
	s20 =	simm.s32 $0x3;
	s22 =	simm.s32 $0xD080  }
0x6: {  	s23 =	simm.s32 $0xD100;
	s0 =	sand.u32 $0x1, s0;
	s2 =	sshll.u32 s1, $0x1  }
0x7: {  	s24 =	simm.s32 $0xD180;
	[smem:$0x7FF] =	sst s8;
	s2 =	sor.u32 s0, s2  }
0x8: {  	s0 =	ssub.s32 $0x2, s0;
	_ =	strace $0x80000047;
	s9 =	sshll.u32 s2, $0x5  }
0x9: {  	s3 =	smul.u32 $0x14000, s2;
	s6 =	sshrl.u32 s0, $0x1;
	s2 =	sshll.u32 s2, $0xE  }
0xa: {  	s4 =	sor.u32 $0x1, s9;
	s0 =	ssub.s32 s0, s6;
	s2 =	sadd.s32 s11, s2  }
0xb: {  	s31 =	sor.u32 $0x3, s9;
	s10 =	smul.u32 $0xA00, s4;
	[dreg:$0x9] =	wrdreg s2  }
0xc: {  	s3 =	sadd.s32 s7, s3;
	s30 =	sshll.u32 s4, $0x9;
	[dreg:$0xc] =	wrdreg s31  }
.Ltmp0:
0xd: {  	s0 =	smax.u32 s0, $0x1;
	[dreg:$0x8] =	wrdreg s3;
	(pc) =	sbr.rel .LBB2_1-.Ltmp0, $4  }
0xe: {  	p0 =	sne.s32 s1, $0x0;
	s2 =	sadd.s32 s11, s30;
	[dreg:$0xd] =	wrdreg s0  }
0xf: {  	s0 =	simm.s32 @!p0 $0x0;
	s26 =	sadd.s32 s7, s10;
	[dreg:$0xb] =	wrdreg s2  }
0x10: {  	s28 =	simm.s32 $0x4;
	v0 =	vlaneseq.u32;
	s0 =	simm.s32 @p0 $0x1;
	[dreg:$0xa] =	wrdreg s26  }
0x11: {  	v1 =	vimm.f32 $1.000000000e+00;
	v2 =	vimm.f32 $0.0e+00;
	v3 =	vor.u32 $0x10, v0;
	s2 =	simm.s32 $0x0;
	[smem:$0x7FD] =	sst s0;
	s26 =	simm.s32 $0x2  }
.LBB2_31:
0x12: {  	s0 =	simm.s32 $0x5  }
0x13: {  	_ =	swait.ge [sflag:s0], $0x800  }
0x14: {  	[sflag:s0] =	ssyncset.done $0x0  }
0x15: {  	s16 =	simm.s32 $0x7;
	[sflag:s0] =	ssyncadd.s32 $0xFFFFF800  }
0x16: {  	_ =	swait.ge [sflag:s16], $0x4000  }
0x17: {  	[sflag:s16] =	ssyncset.done $0x0  }
0x18: {  	s17 =	simm.s32 $0x6;
	[sflag:s16] =	ssyncadd.s32 $0xFFFFC000  }
0x19: {  	_ =	swait.ge [sflag:s17], $0x800  }
0x1a: {  	[sflag:s17] =	ssyncset.done $0x0  }
0x1b: {  	s18 =	simm.s32 $0x8;
	[sflag:s17] =	ssyncadd.s32 $0xFFFFF800  }
0x1c: {  	_ =	swait.ge [sflag:s18], $0x4000  }
0x1d: {  	[sflag:s18] =	ssyncset.done $0x0  }
0x1e: {  	s21 =	simm.s32 $0xA;
	[sflag:s18] =	ssyncadd.s32 $0xFFFFC000  }
0x1f: {  	_ =	swait.ge [sflag:s21], $0x1000  }
0x20: {  	[sflag:s21] =	ssyncset.done $0x0  }
0x21: {  	s25 =	simm.s32 $0xC;
	[sflag:s21] =	ssyncadd.s32 $0xFFFFF000  }
0x22: {  	_ =	swait.ge [sflag:s25], $0x1000  }
0x23: {  	[sflag:s25] =	ssyncset.done $0x0  }
0x24: {  	s30 =	simm.s32 $0xB;
	[sflag:s25] =	ssyncadd.s32 $0xFFFFF000  }
0x25: {  	_ =	swait.ge [sflag:s30], $0x1000  }
0x26: {  	[sflag:s30] =	ssyncset.done $0x0  }
0x27: {  	s1 =	simm.s32 $0xD;
	[sflag:s30] =	ssyncadd.s32 $0xFFFFF000  }
0x28: {  	_ =	swait.ge [sflag:s1], $0x1000  }
0x29: {  	s2 =	rddreg [dreg:$0xe]  }
0x2a: {  	s31 =	rddreg [dreg:$0xd];
	s2 =	sadd.s32 $0x1, s2  }
0x2b: {  	p0 =	sne.s32 s2, s31  }
.Ltmp1:
0x2c: {  	_ = 	snop;
	(pc) =	sbr.rel @!p0 .LBB2_32-.Ltmp1, $3  }
0x2d: {  	_ =	sdelay $0x1  }
0x2e: {  	[sflag:s1] =	ssyncset.done $0x0  }
0x2f: {  	[sflag:s1] =	ssyncadd.s32 $0xFFFFF000  }
.LBB2_1:
0x30: {  	[dreg:$0xe] =	wrdreg s2;
	s0 =	simm.s32 $0x0;
	s1 =	simm.s32 $0x800  }
.LBB2_2:
0x31: {  	p0 =	sne.s32 s1, $0xF800;
	[tilespmem:s0+$0xD1F0] =	vst v2  }
0x32: {  	[tilespmem:s0+$0xD000] =	vst v1  }
0x33: {  	[tilespmem:s0+$0xD010] =	vst v1  }
0x34: {  	[tilespmem:s0+$0xD020] =	vst v1  }
0x35: {  	[tilespmem:s0+$0xD030] =	vst v1  }
0x36: {  	[tilespmem:s0+$0xD040] =	vst v1  }
0x37: {  	[tilespmem:s0+$0xD050] =	vst v1  }
0x38: {  	[tilespmem:s0+$0xD060] =	vst v1  }
0x39: {  	[tilespmem:s0+$0xD070] =	vst v1  }
0x3a: {  	[tilespmem:s0+$0xD080] =	vst v1  }
0x3b: {  	[tilespmem:s0+$0xD090] =	vst v1  }
0x3c: {  	[tilespmem:s0+$0xD0A0] =	vst v1  }
0x3d: {  	[tilespmem:s0+$0xD0B0] =	vst v1  }
0x3e: {  	[tilespmem:s0+$0xD0C0] =	vst v1  }
0x3f: {  	[tilespmem:s0+$0xD0D0] =	vst v1  }
0x40: {  	[tilespmem:s0+$0xD0E0] =	vst v1  }
0x41: {  	[tilespmem:s0+$0xD0F0] =	vst v1  }
0x42: {  	[tilespmem:s0+$0xD100] =	vst v1  }
0x43: {  	[tilespmem:s0+$0xD110] =	vst v1  }
0x44: {  	[tilespmem:s0+$0xD120] =	vst v1  }
0x45: {  	[tilespmem:s0+$0xD130] =	vst v1  }
0x46: {  	[tilespmem:s0+$0xD140] =	vst v1  }
0x47: {  	[tilespmem:s0+$0xD150] =	vst v1  }
0x48: {  	[tilespmem:s0+$0xD160] =	vst v1  }
0x49: {  	[tilespmem:s0+$0xD170] =	vst v1  }
0x4a: {  	[tilespmem:s0+$0xD180] =	vst v2  }
0x4b: {  	[tilespmem:s0+$0xD190] =	vst v2  }
.Ltmp2:
0x4c: {  	[tilespmem:s0+$0xD1A0] =	vst v2;
	(pc) =	sbr.rel @p0 .LBB2_2-.Ltmp2, $4  }
0x4d: {  	[tilespmem:s0+$0xD1B0] =	vst v2  }
0x4e: {  	[tilespmem:s0+$0xD1C0] =	vst v2  }
0x4f: {  	[tilespmem:s0+$0xD1D0] =	vst v2  }
0x50: {  	[tilespmem:s0+$0xD1E0] =	vst v2;
	s0 =	sshra.s32 s1, $0x2;
	s1 =	sadd.s32 $0x800, s1  }
0x51: {  	[tilespmem:s0+$0xD1F0] =	vst v2  }
0x52: {  	[tilespmem:s0+$0xD000] =	vst v1  }
0x53: {  	[tilespmem:s0+$0xD010] =	vst v1  }
0x54: {  	[tilespmem:s0+$0xD020] =	vst v1  }
0x55: {  	[tilespmem:s0+$0xD030] =	vst v1  }
0x56: {  	[tilespmem:s0+$0xD040] =	vst v1  }
0x57: {  	[tilespmem:s0+$0xD050] =	vst v1  }
0x58: {  	[tilespmem:s0+$0xD060] =	vst v1  }
0x59: {  	[tilespmem:s0+$0xD070] =	vst v1  }
0x5a: {  	[tilespmem:s0+$0xD080] =	vst v1  }
0x5b: {  	[tilespmem:s0+$0xD090] =	vst v1  }
0x5c: {  	[tilespmem:s0+$0xD0A0] =	vst v1  }
0x5d: {  	[tilespmem:s0+$0xD0B0] =	vst v1  }
0x5e: {  	[tilespmem:s0+$0xD0C0] =	vst v1  }
0x5f: {  	[tilespmem:s0+$0xD0D0] =	vst v1  }
0x60: {  	[tilespmem:s0+$0xD0E0] =	vst v1  }
0x61: {  	[tilespmem:s0+$0xD0F0] =	vst v1  }
0x62: {  	[tilespmem:s0+$0xD100] =	vst v1  }
0x63: {  	[tilespmem:s0+$0xD110] =	vst v1  }
0x64: {  	[tilespmem:s0+$0xD120] =	vst v1  }
0x65: {  	[tilespmem:s0+$0xD130] =	vst v1  }
0x66: {  	[tilespmem:s0+$0xD140] =	vst v1  }
0x67: {  	[tilespmem:s0+$0xD150] =	vst v1  }
0x68: {  	[tilespmem:s0+$0xD160] =	vst v1  }
0x69: {  	[tilespmem:s0+$0xD170] =	vst v1  }
0x6a: {  	[tilespmem:s0+$0xD180] =	vst v2  }
0x6b: {  	[tilespmem:s0+$0xD190] =	vst v2  }
0x6c: {  	[tilespmem:s0+$0xD1A0] =	vst v2;
	s16 =	sld [smem:$0x7FD]  }
0x6d: {  	[tilespmem:s0+$0xD1B0] =	vst v2  }
0x6e: {  	[tilespmem:s0+$0xD1C0] =	vst v2  }
0x6f: {  	[tilespmem:s0+$0xD1D0] =	vst v2;
	p0 =	seq.s32 s16, $0x1  }
0x70: {  	[tilespmem:s0+$0xD1E0] =	vst v2;
	s0 =	simm.s32 @!p0 $0xD000  }
0x71: {  	[spmem:s29] =	stream.linear.scatter @!p0 [tilespmem:s0], [sflag:$0x11], $0x4000, $0x38;
	[tilespmem:$0x1D400] =	vst v63  }
0x72: {  	s0 =	simm.s32 @!p0 $0x11  }
0x73: {  	_ =	swait.ge @!p0 [sflag:s0], $0x4000  }
0x74: {  	[sflag:s0] =	ssyncset.done @!p0 $0x0  }
0x75: {  	[sflag:s0] =	ssyncadd.s32 @!p0 $0xFFFFC000  }
0x76: {  	[bflag:$0x0] =	sbarrier.arrive $0xFFFF  }
0x77: {  	s11 =	simm.s32 $0x0;
	s17 =	rddreg [dreg:$0x8]  }
0x78: {  	[tilespmem:s11], [sflag:$0x1] =	stream.linear.gather [hbm4b:s17+s11], $0x5000, $0x38;
	[tilespmem:$0x1D400] =	vst v63  }
0x79: {  	s1 =	simm.s32 $0xA000;
	s18 =	rddreg [dreg:$0x9]  }
0x7a: {  	[tilespmem:s1], [sflag:$0x3] =	stream.linear.gather [hbm4b:s18+s11], $0x1000, $0x38;
	[tilespmem:$0x1D400] =	vst v63  }
0x7b: {  	s25 =	simm.s32 $0x5000;
	s21 =	rddreg [dreg:$0xa]  }
0x7c: {  	[tilespmem:s25], [sflag:$0x2] =	stream.linear.gather [hbm4b:s21+s11], $0x5000, $0x38;
	[tilespmem:$0x1D400] =	vst v63  }
0x7d: {  	s31 =	simm.s32 $0xB000;
	s30 =	rddreg [dreg:$0xb]  }
0x7e: {  	[tilespmem:s31], [sflag:$0x4] =	stream.linear.gather [hbm4b:s30+s11], $0x1000, $0x38;
	[tilespmem:$0x1D400] =	vst v63  }
0x7f: {  	_ = 	snop  }
0x80: {  	[tilespmem:s19], [sflag:$0xE] =	stream.linear.gather [spmem:s29], $0x4000, $0x38;
	[tilespmem:$0x1D400] =	vst v63  }
.LBB2_4:
0x81: {  	s15 =	simm.s32 $0x1  }
0x82: {  	p1 =	seq.s32 s11, $0x0;
	_ =	swait.ge [sflag:s15], $0x5000  }
.Ltmp3:
0x83: {  	[sflag:s15] =	ssyncset.done $0x0;
	(pc) =	sbr.rel @p1 .LBB2_8-.Ltmp3, $4  }
0x84: {  	[sflag:s15] =	ssyncadd.s32 $0xFFFFB000  }
0x85: {  	s0 =	simm.s32 @!p1 $0x0;
	_ =	swait.ge [sflag:s20], $0x1000  }
0x86: {  	s0 =	simm.s32 @p1 $0x1;
	[sflag:s20] =	ssyncset.done $0x0  }
0x87: {  	s12 =	sshll.u32 s11, $0x1;
	[smem:$0x7FC] =	sst s0;
	[sflag:s20] =	ssyncadd.s32 $0xFFFFF000  }
0x88: {  	s15 =	sor.u32 $0x1, s12  }
0x89: {  	s0 =	smul.u32 $0xAB, s15;
	_ =	sdelay $0x1  }
0x8a: {  	s0 =	sshrl.u32 s0, $0x9  }
0x8b: {  	s0 =	sand.u32 $0x7F, s0  }
0x8c: {  	s0 =	smul.u32 $0x3, s0;
	_ =	sdelay $0x1  }
0x8d: {  	s0 =	ssub.s32 s15, s0  }
0x8e: {  	s0 =	sand.u32 $0xFF, s0  }
0x8f: {  	p0 =	seq.s32 s0, $0x1  }
.Ltmp4:
0x90: {  	_ = 	snop;
	(pc) =	sbr.rel @p0 .LBB2_7-.Ltmp4, $4  }
0x91: {  	s1 =	simm.s32 $0x5  }
0x92: {  	_ =	swait.ge [sflag:s1], $0x800  }
0x93: {  	[sflag:s1] =	ssyncset.done $0x0  }
0x94: {  	[sflag:s1] =	ssyncadd.s32 $0xFFFFF800  }
0x95: {  	p0 =	sne.s32 s0, $0x0  }
0x96: {  	s0 =	simm.s32 @p0 $0x9  }
0x97: {  	p1 =	por @p0 $0x1, $0x1;
	_ =	swait.ge @p0 [sflag:s0], $0x4000  }
0x98: {  	p2 =	por @p0 $0x0, $0x0;
	p4 =	por @!p0 $0x1, $0x1;
	[sflag:s0] =	ssyncset.done @p0 $0x0  }
0x99: {  	p5 =	por @!p0 $0x0, $0x0;
	[sflag:s0] =	ssyncadd.s32 @p0 $0xFFFFC000;
	s0 =	simm.s32 @p0 $0x15000  }
0x9a: {  	[tilespmem:s0], [sflag:$0x10] =	stream.linear.gather @p0 [spmem:s29], $0x4000, $0x38;
	[tilespmem:$0x1D400] =	vst v63  }
.Ltmp5:
0x9b: {  	p3 =	por @p0 $0x0, $0x0;
	s0 =	simm.s32 @!p0 $0x7;
	(pc) =	sbr.rel .LBB2_9-.Ltmp5, $4  }
0x9c: {  	s13 =	simm.s32 @!p0 $0x0;
	p3 =	por @!p0 p5, p5;
	_ =	swait.ge @!p0 [sflag:s0], $0x4000  }
0x9d: {  	p2 =	por @!p0 p4, p4;
	s13 =	simm.s32 @p0 $0x8000;
	[sflag:s0] =	ssyncset.done @!p0 $0x0  }
0x9e: {  	p1 =	por @!p0 p5, p5;
	[sflag:s0] =	ssyncadd.s32 @!p0 $0xFFFFC000;
	s0 =	simm.s32 @!p0 $0xD000  }
0x9f: {  	[tilespmem:s0], [sflag:$0xE] =	stream.linear.gather @!p0 [spmem:s29], $0x4000, $0x38;
	[tilespmem:$0x1D400] =	vst v63  }
.LBB2_7:
0xa0: {  	s0 =	simm.s32 $0x8  }
0xa1: {  	_ =	swait.ge [sflag:s0], $0x4000  }
0xa2: {  	[sflag:s0] =	ssyncset.done $0x0  }
0xa3: {  	[sflag:s0] =	ssyncadd.s32 $0xFFFFC000  }
.LBB2_8:
0xa4: {  	s0 =	simm.s32 $0x11000;
	s13 =	simm.s32 $0x4000  }
0xa5: {  	p2 =	por $0x0, $0x0;
	p3 =	por $0x1, $0x1;
	p1 =	por $0x0, $0x0  }
0xa6: {  	[tilespmem:s0], [sflag:$0xF] =	stream.linear.gather [spmem:s29], $0x4000, $0x38;
	[tilespmem:$0x1D400] =	vst v63  }
.LBB2_9:
0xa7: {  	s0 =	smul.u32 $0xAB, s12;
	_ =	sdelay $0x1  }
0xa8: {  	s0 =	sshrl.u32 s0, $0x9  }
0xa9: {  	s0 =	sand.u32 $0x7F, s0  }
0xaa: {  	s0 =	smul.u32 $0x3, s0;
	_ =	sdelay $0x1  }
0xab: {  	s25 =	sshrl.u32 s11, $0x2;
	s21 =	ssub.s32 s12, s0  }
0xac: {  	s1 =	simm.s32 $0xF;
	s2 =	sand.u32 $0x6, s12;
	s31 =	sand.u32 $0xFF, s21  }
0xad: {  	p6 =	sgt.u32 s11, $0x7;
	p5 =	seq.s32 s2, $0x0;
	p0 =	seq.s32 s31, $0x1  }
0xae: {  	s0 =	sand.u32 $0x1, s25;
	p4 =	seq.s32 s31, $0x0;
	s1 =	simm.s32 @!p0 $0x10  }
0xaf: {  	p6 =	por !p6, !p5;
	p5 =	sne.s32 s0, $0x0;
	s1 =	simm.s32 @p4 $0xE  }
0xb0: {  	s3 =	simm.s32 @!p5 $0x0;
	p4 =	por !p6, !p6;
	_ =	swait.ge [sflag:s1], $0x4000  }
0xb1: {  	s3 =	simm.s32 @p5 $0x1;
	p6 =	por !p4, p5;
	[sflag:s1] =	ssyncset.done $0x0  }
0xb2: {  	[smem:$0x7FA] =	sst s3;
	[sflag:s1] =	ssyncadd.s32 $0xFFFFC000;
	s1 =	simm.s32 @!p6 $0xA  }
0xb3: {  	_ =	swait.ge @!p6 [sflag:s1], $0x1000  }
0xb4: {  	[sflag:s1] =	ssyncset.done @!p6 $0x0  }
0xb5: {  	p5 =	seq.s32 s0, $0x1;
	[sflag:s1] =	ssyncadd.s32 @!p6 $0xFFFFF000;
	s1 =	simm.s32 @!p6 $0xC  }
0xb6: {  	s3 =	simm.s32 @!p5 $0x0;
	p4 =	por !p4, !p5;
	_ =	swait.ge @!p6 [sflag:s1], $0x1000  }
0xb7: {  	s3 =	simm.s32 @p5 $0x1;
	p4 =	por !p4, !p4;
	[sflag:s1] =	ssyncset.done @!p6 $0x0  }
0xb8: {  	[smem:$0x7FB] =	sst s3;
	[sflag:s1] =	ssyncadd.s32 @!p6 $0xFFFFF000;
	s1 =	simm.s32 @p4 $0xB  }
0xb9: {  	_ =	swait.ge @p4 [sflag:s1], $0x1000  }
0xba: {  	[sflag:s1] =	ssyncset.done @p4 $0x0  }
0xbb: {  	s17 =	sor.u32 s9, s12;
	[sflag:s1] =	ssyncadd.s32 @p4 $0xFFFFF000;
	s1 =	simm.s32 @p4 $0xD  }
0xbc: {  	s29 =	simm.s32 $0x0;
	s16 =	simm.s32 $0x0;
	_ =	swait.ge @p4 [sflag:s1], $0x1000  }
0xbd: {  	s30 =	sshll.u32 s2, $0x7;
	s10 =	sshll.u32 s0, $0xC;
	[sflag:s1] =	ssyncset.done @p4 $0x0  }
0xbe: {  	s18 =	sshll.u32 s31, $0xE;
	s25 =	sor.u32 s30, s10;
	[sflag:s1] =	ssyncadd.s32 @p4 $0xFFFFF000  }
.LBB2_10:
0xbf: {  	s3 =	sshrl.u32 s16, $0x2;
	s4 =	sand.u32 $0x3, s29  }
0xc0: {  	s0 =	sshll.u32 s3, $0xA;
	s1 =	sshll.u32 s4, $0x5  }
0xc1: {  	s6 =	sshll.u32 s16, $0x5;
	s2 =	sor.u32 s1, s0  }
0xc2: {  	s1 =	sand.u32 $0x60, s6;
	s30 =	sand.u32 $0xFFFFFF80, s2  }
0xc3: {  	s14 =	sor.u32 $0x380, s1;
	s6 =	sor.u32 s1, s30  }
0xc4: {  	v8 =	vmov s14;
	v4 =	vld [tilespmem:s6+$0x4380];
	_ =	sdelay $0x4  }
0xc5: {  	s14 =	sshll.u32 s3, $0x9;
	v5 =	vld.idx.msk [tilespmem:v8+s30+$0xA000 ss:$0x1], $0xffff;
	v6 =	vtrunc.f32 v4  }
0xc6: {  	v7 =	vld.idx.msk [tilespmem:v8+s30+$0x0 ss:$0x1], $0xffff;
	s30 =	sadd.s32 s18, s14;
	v6 =	vcvt.f32.s32 v6  }
0xc7: {  	v9 =	vld [tilespmem:s6+$0x3380];
	s30 =	sor.u32 s1, s30  }
0xc8: {  	v10 =	vld [tilespmem:s6+$0x1380];
	v11 =	vor.u32 s30, v0;
	v6 =	vshll.u32 v6, $0xB  }
0xc9: {  	v13 =	vld [tilespmem:s6+$0x2380];
	v6 =	vadd.s32 v11, v6  }
0xca: {  	v12 =	vand.u32 $0x6F, v11;
	vm0 =	vge.f32 v5, $0.0e+00;
	v6 =	vand.u32 $0xFFFFFF80, v6  }
0xcb: {  	v6 =	vor.u32 v12, v6  }
0xcc: {  	s4 =	sshll.u32 s4, $0x7;
	s3 =	sshll.u32 s3, $0xC;
	v15 =	vsub.f32 $1.000000000e+00, v9;
	v16 =	vmul.f32 v9, v7  }
0xcd: {  	s3 =	sor.u32 s4, s3;
	v10 =	vmul.f32 v9, v10  }
0xce: {  	s3 =	sshrl.u32 s3, $0x2;
	v17 =	vmul.f32 v9, v13;
	v13 =	vadd.f32 v15, v16  }
0xcf: {  	v14 =	vadd.f32 v15, v10;
	v7 =	vmov s3  }
0xd0: {  	v18 =	vadd.f32 v15, v17;
	[tilespmem:v6+s19+$0x0] =	vst.idx.msk vm0, v13  }
0xd1: {  	s3 =	sadd.s32 $0xA390, s3;
	[tilespmem:v6+s22+$0x0] =	vst.idx.msk vm0, v14  }
0xd2: {  	v14 =	vmov s3;
	[tilespmem:v6+s23+$0x0] =	vst.idx.msk vm0, v18  }
0xd3: {  	s7 =	simm.s32 $0x0;
	[tilespmem:v6+s24+$0x0] =	vst.idx.msk vm0, v9  }
0xd4: {  	v25 =	vld.idx.msk [tilespmem:v7+s7+$0x4390 ss:$0x1], $0xffff  }
0xd5: {  	v19 =	vld.idx.msk [tilespmem:v7+s7+$0x1390 ss:$0x1], $0xffff  }
0xd6: {  	v26 =	vimm.f32 $1.000000000e+02;
	v22 =	vld.idx.msk [tilespmem:v7+s7+$0x3390 ss:$0x1], $0xffff  }
0xd7: {  	v20 =	vimm.f32 $1.000000000e+00;
	v23 =	vimm.f32 $0.0e+00;
	v18 =	vmul.f32 v15, v26;
	v27 =	vld.idx.msk [tilespmem:v14+s7+$0x0 ss:$0x1], $0xffff  }
0xd8: {  	vm1 =	vgt.f32 v9, $5.000000000e-01;
	v15 =	vmul.f32 v15, v20;
	v6 =	vmul.f32 v5, v9;
	v21 =	vld.idx.msk [tilespmem:v7+s7+$0x390 ss:$0x1], $0xffff  }
0xd9: {  	vm2 =	vgt.f32 v5, $0.0e+00;
	vm1 =	vmand vm1, vm0;
	v29 =	vld.idx.msk [tilespmem:v7+s7+$0x2390 ss:$0x1], $0xffff;
	v24 =	vtrunc.f32 v25  }
0xda: {  	v17 =	vadd.f32 v15, v17;
	v6 =	vadd.f32 v6, v18;
	v24 =	vcvt.f32.s32 v24  }
0xdb: {  	v13 =	vor.u32 s30, v3;
	v18 =	vadd.f32 v15, v16;
	v16 =	vadd.f32 v15, v10  }
0xdc: {  	v5 =	vsel vm2, v6, v26;
	vm0 =	vge.f32 v27, $0.0e+00;
	v10 =	vshll.u32 v24, $0xB  }
0xdd: {  	v15 =	vsub.f32 $1.000000000e+00, v22;
	v21 =	vmul.f32 v22, v21;
	v24 =	vadd.s32 v13, v10  }
0xde: {  	v6 =	vmax.f32 v9, v23;
	v9 =	vmul.f32 v22, v19;
	v19 =	vmul.f32 v22, v29  }
0xdf: {  	v28 =	vimm.f32 $8.000000000e+00;
	v62 =	vmul.f32 v27, v22;
	v31 =	vadd.f32 v15, v21  }
0xe0: {  	v30 =	vmul.f32 v15, v26;
	v32 =	vadd.f32 v15, v9;
	v63 =	vadd.f32 v15, v19  }
0xe1: {  	v10 =	vsel vm1, v4, v28;
	v4 =	vmax.f32 v22, v23;
	v23 =	vmul.f32 v15, v20  }
0xe2: {  	vm2 =	vgt.f32 v27, $0.0e+00;
	vm1 =	vgt.f32 v22, $5.000000000e-01;
	v29 =	vadd.f32 v62, v30;
	[tilespmem:v24+s19+$0x0] =	vst.idx.msk vm0, v31  }
0xe3: {  	s3 =	sadd.s32 $0xFFFFFF80, s2;
	vm1 =	vmand vm1, vm0;
	v20 =	vadd.f32 v23, v9;
	v19 =	vadd.f32 v23, v19;
	[tilespmem:v24+s22+$0x0] =	vst.idx.msk vm0, v32  }
0xe4: {  	s4 =	simm.s32 $0xFFFFFC00;
	s2 =	simm.s32 $0xFFFFFE00;
	s30 =	sand.u32 $0xFFFFFF80, s3;
	v9 =	vsel vm2, v29, v26;
	v15 =	vsel vm1, v25, v28;
	[tilespmem:v24+s23+$0x0] =	vst.idx.msk vm0, v63  }
.LBB2_11:
0xe5: {  	p4 =	sne.s32 s4, $0xFFFFF200  }
0xe6: {  	s6 =	sor.u32 s1, s30;
	v23 =	vadd.f32 v23, v21;
	[tilespmem:v24+s24+$0x0] =	vst.idx.msk vm0, v22;
	s7 =	smov.u32 s4;
	s4 =	sadd.s32 $0xFFFFFE00, s4  }
0xe7: {  	v21 =	vld [tilespmem:s6+$0x4380];
	_ =	sdelay $0x3  }
0xe8: {  	v22 =	vld.idx.msk [tilespmem:v8+s30+$0xA000 ss:$0x1], $0xffff  }
0xe9: {  	v24 =	vld [tilespmem:s6+$0x1380];
	v25 =	vtrunc.f32 v21  }
0xea: {  	v26 =	vld.idx.msk [tilespmem:v8+s30+$0x0 ss:$0x1], $0xffff;
	v25 =	vcvt.f32.s32 v25  }
0xeb: {  	v27 =	vld [tilespmem:s6+$0x3380]  }
0xec: {  	v28 =	vld [tilespmem:s6+$0x2380];
	v25 =	vshll.u32 v25, $0xB  }
0xed: {  	v25 =	vadd.s32 v11, v25  }
0xee: {  	vm0 =	vge.f32 v22, $0.0e+00;
	v25 =	vand.u32 $0xFFFFFF80, v25  }
0xef: {  	v25 =	vor.u32 v12, v25  }
0xf0: {  	v29 =	vsub.f32 $1.000000000e+00, v27;
	v26 =	vmul.f32 v27, v26;
	v24 =	vmul.f32 v27, v24  }
0xf1: {  	v30 =	vmul.f32 v22, v27;
	vm1 =	vgt.f32 v27, $5.000000000e-01;
	v28 =	vmul.f32 v27, v28  }
0xf2: {  	v31 =	vmul.f32 v29, v5;
	v32 =	vadd.f32 v29, v26;
	v33 =	vadd.f32 v29, v24  }
0xf3: {  	v18 =	vmul.f32 v29, v18;
	v16 =	vmul.f32 v29, v16;
	v34 =	vadd.f32 v29, v28  }
0xf4: {  	vm1 =	vmand vm1, vm0;
	v17 =	vmul.f32 v29, v17;
	v29 =	vadd.f32 v30, v31;
	[tilespmem:v25+s19+$0x0] =	vst.idx.msk vm0, v32  }
0xf5: {  	vm2 =	vgt.f32 v22, $0.0e+00;
	v18 =	vadd.f32 v18, v26;
	v16 =	vadd.f32 v16, v24;
	[tilespmem:v25+s22+$0x0] =	vst.idx.msk vm0, v33  }
0xf6: {  	v17 =	vadd.f32 v17, v28;
	v5 =	vsel vm2, v29, v5;
	[tilespmem:v25+s23+$0x0] =	vst.idx.msk vm0, v34  }
0xf7: {  	s6 =	sshra.s32 s2, $0x2;
	s2 =	smov.u32 s7;
	v6 =	vmax.f32 v27, v6;
	v10 =	vsel vm1, v21, v10;
	[tilespmem:v25+s24+$0x0] =	vst.idx.msk vm0, v27  }
0xf8: {  	v25 =	vld.idx.msk [tilespmem:v7+s6+$0x4390 ss:$0x1], $0xffff  }
0xf9: {  	v21 =	vld.idx.msk [tilespmem:v7+s6+$0x2390 ss:$0x1], $0xffff  }
0xfa: {  	v24 =	vld.idx.msk [tilespmem:v7+s6+$0x1390 ss:$0x1], $0xffff  }
0xfb: {  	v26 =	vld.idx.msk [tilespmem:v14+s6+$0x0 ss:$0x1], $0xffff  }
0xfc: {  	v22 =	vld.idx.msk [tilespmem:v7+s6+$0x3390 ss:$0x1], $0xffff  }
0xfd: {  	v27 =	vld.idx.msk [tilespmem:v7+s6+$0x390 ss:$0x1], $0xffff  }
0xfe: {  	v28 =	vtrunc.f32 v25  }
0xff: {  	v28 =	vcvt.f32.s32 v28;
	_ =	sdelay $0x1  }
0x100: {  	vm0 =	vge.f32 v26, $0.0e+00;
	v28 =	vshll.u32 v28, $0xB  }
0x101: {  	v29 =	vmul.f32 v22, v24;
	v30 =	vmul.f32 v22, v21;
	v24 =	vadd.s32 v13, v28  }
0x102: {  	v28 =	vsub.f32 $1.000000000e+00, v22;
	v21 =	vmul.f32 v22, v27;
	v27 =	vmul.f32 v26, v22  }
0x103: {  	v4 =	vmax.f32 v22, v4;
	vm1 =	vgt.f32 v22, $5.000000000e-01  }
.Ltmp6:
0x104: {  	v20 =	vmul.f32 v28, v20;
	v31 =	vmul.f32 v28, v9;
	v32 =	vadd.f32 v28, v21;
	(pc) =	sbr.rel @p4 .LBB2_11-.Ltmp6, $4  }
0x105: {  	v23 =	vmul.f32 v28, v23;
	v19 =	vmul.f32 v28, v19;
	v33 =	vadd.f32 v28, v29  }
0x106: {  	vm1 =	vmand vm1, vm0;
	v28 =	vadd.f32 v28, v30;
	v27 =	vadd.f32 v27, v31;
	[tilespmem:v24+s19+$0x0] =	vst.idx.msk vm0, v32  }
0x107: {  	s3 =	sadd.s32 $0xFFFFFF80, s3;
	vm2 =	vgt.f32 v26, $0.0e+00;
	v20 =	vadd.f32 v20, v29;
	v19 =	vadd.f32 v19, v30;
	[tilespmem:v24+s22+$0x0] =	vst.idx.msk vm0, v33  }
0x108: {  	s30 =	sand.u32 $0xFFFFFF80, s3;
	v15 =	vsel vm1, v25, v15;
	v9 =	vsel vm2, v27, v9;
	[tilespmem:v24+s23+$0x0] =	vst.idx.msk vm0, v28  }
0x109: {  	_ =	sdelay $0x4  }
0x10a: {  	s3 =	sor.u32 s1, s30;
	[tilespmem:v24+s24+$0x0] =	vst.idx.msk vm0, v22  }
0x10b: {  	v22 =	vld [tilespmem:s3+$0x4380];
	_ =	sdelay $0x4  }
0x10c: {  	v24 =	vld.idx.msk [tilespmem:v8+s30+$0xA000 ss:$0x1], $0xffff;
	v25 =	vtrunc.f32 v22  }
0x10d: {  	v44 =	vld.idx.msk [tilespmem:v8+s30+$0x0 ss:$0x1], $0xffff;
	v25 =	vcvt.f32.s32 v25  }
0x10e: {  	v26 =	vld [tilespmem:s3+$0x3380]  }
0x10f: {  	v27 =	vld [tilespmem:s3+$0x1380];
	v25 =	vshll.u32 v25, $0xB  }
0x110: {  	v28 =	vld [tilespmem:s3+$0x2380];
	v11 =	vadd.s32 v11, v25  }
0x111: {  	vm10 =	vge.f32 v24, $0.0e+00;
	v11 =	vand.u32 $0xFFFFFF80, v11  }
0x112: {  	v11 =	vor.u32 v12, v11  }
0x113: {  	v45 =	vsub.f32 $1.000000000e+00, v26;
	v8 =	vmul.f32 v26, v44  }
0x114: {  	v46 =	vmul.f32 v26, v27  }
0x115: {  	v47 =	vmul.f32 v26, v28;
	v48 =	vadd.f32 v45, v8  }
0x116: {  	v29 =	vadd.f32 v45, v46  }
0x117: {  	v30 =	vadd.f32 v45, v47;
	[tilespmem:v11+s19+$0x0] =	vst.idx.msk vm10, v48  }
0x118: {  	[tilespmem:v11+s22+$0x0] =	vst.idx.msk vm10, v29  }
0x119: {  	[tilespmem:v11+s23+$0x0] =	vst.idx.msk vm10, v30  }
0x11a: {  	s2 =	sshra.s32 s2, $0x2;
	[tilespmem:v11+s24+$0x0] =	vst.idx.msk vm10, v26  }
0x11b: {  	v11 =	vld.idx.msk [tilespmem:v7+s2+$0x4390 ss:$0x1], $0xffff;
	_ =	sdelay $0x2  }
0x11c: {  	v14 =	vld.idx.msk [tilespmem:v14+s2+$0x0 ss:$0x1], $0xffff  }
0x11d: {  	v28 =	vld.idx.msk [tilespmem:v7+s2+$0x3390 ss:$0x1], $0xffff  }
0x11e: {  	v29 =	vld.idx.msk [tilespmem:v7+s2+$0x390 ss:$0x1], $0xffff;
	v49 =	vtrunc.f32 v11  }
0x11f: {  	v31 =	vld.idx.msk [tilespmem:v7+s2+$0x1390 ss:$0x1], $0xffff;
	v30 =	vcvt.f32.s32 v49  }
0x120: {  	v50 =	vld.idx.msk [tilespmem:v7+s2+$0x2390 ss:$0x1], $0xffff  }
0x121: {  	vm1 =	vge.f32 v14, $0.0e+00;
	v30 =	vshll.u32 v30, $0xB  }
0x122: {  	v13 =	vadd.s32 v13, v30  }
0x123: {  	v51 =	vsub.f32 $1.000000000e+00, v28;
	v29 =	vmul.f32 v28, v29  }
0x124: {  	v31 =	vmul.f32 v28, v31  }
0x125: {  	v7 =	vmul.f32 v28, v50;
	v52 =	vadd.f32 v51, v29  }
0x126: {  	v21 =	vadd.f32 v23, v21;
	v53 =	vadd.f32 v51, v31  }
0x127: {  	v18 =	vmul.f32 v45, v18;
	v54 =	vadd.f32 v51, v7;
	[tilespmem:v13+s19+$0x0] =	vst.idx.msk vm1, v52  }
0x128: {  	v32 =	vmul.f32 v24, v26;
	vm2 =	vgt.f32 v26, $5.000000000e-01;
	v55 =	vmul.f32 v51, v21;
	[tilespmem:v13+s22+$0x0] =	vst.idx.msk vm1, v53  }
0x129: {  	vm11 =	vgt.f32 v24, $0.0e+00;
	v16 =	vmul.f32 v45, v16;
	v8 =	vadd.f32 v18, v8;
	[tilespmem:v13+s23+$0x0] =	vst.idx.msk vm1, v54  }
0x12a: {  	s30 =	sadd.s32 s1, s14;
	vm0 =	vmand vm2, vm10;
	v20 =	vmul.f32 v51, v20;
	v18 =	vadd.f32 v55, v29;
	[tilespmem:v13+s24+$0x0] =	vst.idx.msk vm1, v28  }
0x12b: {  	v17 =	vmul.f32 v45, v17;
	v10 =	vsel vm0, v22, v10;
	v56 =	vadd.f32 v16, v46;
	[tilespmem:s30+$0xC000] =	vst v8  }
0x12c: {  	v12 =	vmul.f32 v45, v5;
	v57 =	vmul.f32 v51, v19;
	v58 =	vadd.f32 v20, v31;
	[tilespmem:s30+$0xC010] =	vst v18  }
0x12d: {  	v6 =	vmax.f32 v26, v6;
	vm13 =	vgt.f32 v10, $7.500000000e+00;
	v17 =	vadd.f32 v17, v47;
	[tilespmem:s30+$0xC080] =	vst v56  }
0x12e: {  	v12 =	vadd.f32 v32, v12;
	vm12 =	vgt.f32 v28, $5.000000000e-01;
	v7 =	vadd.f32 v57, v7;
	[tilespmem:s30+$0xC090] =	vst v58  }
0x12f: {  	v59 =	vmul.f32 v14, v28;
	vm0 =	vmand vm12, vm1;
	v60 =	vmul.f32 v51, v9;
	[tilespmem:s30+$0xC100] =	vst v17  }
0x130: {  	s16 =	sadd.s32 $0x1, s16;
	v62 =	vsel vm13, $0xBF800000, v10;
	v5 =	vsel vm11, v12, v5;
	v11 =	vsel vm0, v11, v15;
	[tilespmem:s30+$0xC110] =	vst v7  }
0x131: {  	s0 =	sadd.s32 s25, s0;
	p4 =	sne.s32 s16, $0x10;
	v4 =	vmax.f32 v28, v4;
	vm14 =	vgt.f32 v11, $7.500000000e+00;
	v61 =	vadd.f32 v59, v60;
	[tilespmem:s30+$0xC180] =	vst v6  }
.Ltmp7:
0x132: {  	s0 =	sor.u32 s1, s0;
	vm15 =	vgt.f32 v14, $0.0e+00;
	v63 =	vsel vm14, $0xBF800000, v11;
	[tilespmem:s30+$0xC190] =	vst v4;
	v4 =	vtrunc.f32 v62;
	(pc) =	sbr.rel @p4 .LBB2_10-.Ltmp7, $4  }
0x133: {  	v7 =	vsel vm15, v61, v9;
	[tilespmem:s0+$0x19000] =	vst v5;
	v4 =	vcvt.f32.s32 v4;
	v5 =	vtrunc.f32 v63  }
0x134: {  	[tilespmem:s0+$0x19010] =	vst v7;
	v5 =	vcvt.f32.s32 v5  }
0x135: {  	[tilespmem:s0+$0x1B000] =	vst v4  }
0x136: {  	s29 =	sadd.s32 $0x1, s29;
	[tilespmem:s0+$0x1B010] =	vst v5  }
0x137: {  	s0 =	sshll.u32 s17, $0x8;
	s25 =	rddreg [dreg:$0x2]  }
0x138: {  	s1 =	simm.s32 $0xC000;
	s0 =	sadd.s32 s25, s0  }
0x139: {  	[hbm4b:s0+s8] =	stream.linear.scatter [tilespmem:s1], [sflag:$0x5], $0x800, $0x38;
	[tilespmem:$0x1D400] =	vst v63  }
0x13a: {  	s0 =	sshll.u32 @p0 s17, $0xB  }
0x13b: {  	s2 =	simm.s32 @p0 $0x11000;
	s1 =	simm.s32 @p0 $0x0;
	s0 =	sadd.s32 @p0 s5, s0  }
0x13c: {  	[hbm4b:s0+s1] =	stream.linear.scatter @p0 [tilespmem:s2], [sflag:$0x8], $0x4000, $0x38;
	[tilespmem:$0x1D400] =	vst v63  }
0x13d: {  	s0 =	sand.u32 @!p0 $0xFF, s21  }
0x13e: {  	p4 =	sne.s32 @!p0 s0, $0x0  }
0x13f: {  	p0 =	por p4, p0  }
0x140: {  	s0 =	sshll.u32 @!p0 s17, $0xB  }
0x141: {  	s1 =	simm.s32 @!p0 $0x0;
	s2 =	simm.s32 @!p0 $0xD000;
	s0 =	sadd.s32 @!p0 s5, s0  }
0x142: {  	[hbm4b:s0+s1] =	stream.linear.scatter @!p0 [tilespmem:s2], [sflag:$0x7], $0x4000, $0x38;
	[tilespmem:$0x1D400] =	vst v63  }
0x143: {  	p4 =	slt.u32 s31, $0x2;
	s0 =	sadd.s32 $0x2, s12;
	p0 =	seq.s32 s11, $0xF  }
0x144: {  	s3 =	simm.s32 @!p4 $0x0;
	s1 =	sshll.u32 @!p4 s17, $0xB;
	s2 =	sadd.s32 @!p0 s9, s0  }
0x145: {  	s4 =	simm.s32 @!p4 $0x15000;
	s1 =	sadd.s32 @!p4 s5, s1;
	s6 =	smul.u32 @!p0 $0xA00, s2  }
0x146: {  	[hbm4b:s1+s3] =	stream.linear.scatter @!p4 [tilespmem:s4], [sflag:$0x9], $0x4000, $0x38;
	[tilespmem:$0x1D400] =	vst v63  }
0x147: {  	s1 =	rddreg [dreg:$0x0]  }
0x148: {  	s3 =	simm.s32 @!p0 $0x0;
	s1 =	sadd.s32 @!p0 s1, s6  }
0x149: {  	[tilespmem:s3], [sflag:$0x1] =	stream.linear.gather @!p0 [hbm4b:s1+s3], $0x5000, $0x38;
	[tilespmem:$0x1D400] =	vst v63  }
0x14a: {  	s1 =	sshll.u32 @!p0 s2, $0x9  }
0x14b: {  	s2 =	rddreg [dreg:$0x1];
	s1 =	sand.u32 @!p0 $0x1FFFFC00, s1  }
0x14c: {  	s1 =	sadd.s32 @!p0 s2, s1;
	s2 =	simm.s32 @!p0 $0xA000  }
0x14d: {  	[tilespmem:s2], [sflag:$0x3] =	stream.linear.gather @!p0 [hbm4b:s1+s3], $0x1000, $0x38;
	[tilespmem:$0x1D400] =	vst v63  }
0x14e: {  	_ =	swait.ge [sflag:s26], $0x5000  }
0x14f: {  	[sflag:s26] =	ssyncset.done $0x0  }
0x150: {  	[sflag:s26] =	ssyncadd.s32 $0xFFFFB000  }
0x151: {  	_ =	swait.ge [sflag:s28], $0x1000  }
0x152: {  	s31 =	sld [smem:$0x7FC];
	_ =	sdelay $0x2  }
0x153: {  	p4 =	seq.s32 s31, $0x1  }
.Ltmp8:
0x154: {  	_ = 	snop;
	(pc) =	sbr.rel @p4 .LBB2_14-.Ltmp8, $3  }
0x155: {  	_ =	sdelay $0x1  }
0x156: {  	[sflag:s28] =	ssyncset.done $0x0  }
0x157: {  	[sflag:s28] =	ssyncadd.s32 $0xFFFFF000  }
0x158: {  	s1 =	smulhi.u32 $0x55555556, s0;
	_ =	sdelay $0x1  }
0x159: {  	s1 =	smul.u32 $0x3, s1;
	_ =	sdelay $0x1  }
0x15a: {  	s0 =	ssub.s32 s0, s1  }
0x15b: {  	p4 =	seq.s32 s0, $0x1  }
.Ltmp9:
0x15c: {  	s2 =	simm.s32 $0x6;
	(pc) =	sbr.rel @p4 .LBB2_19-.Ltmp9, $4  }
0x15d: {  	_ =	swait.ge [sflag:s2], $0x800  }
0x15e: {  	[sflag:s2] =	ssyncset.done $0x0  }
0x15f: {  	[sflag:s2] =	ssyncadd.s32 $0xFFFFF800  }
0x160: {  	s29 =	rddreg [dreg:$0x6]  }
0x161: {  	p4 =	sne.s32 s0, $0x0  }
.Ltmp10:
0x162: {  	_ = 	snop;
	(pc) =	sbr.rel @p4 .LBB2_20-.Ltmp10, $2  }
0x163: {  	_ =	sdelay $0x2  }
0x164: {  	s1 =	smov.u32 s0  }
0x165: {  	s0 =	simm.s32 $0x7  }
0x166: {  	_ =	swait.ge [sflag:s0], $0x4000  }
.Ltmp11:
0x167: {  	[sflag:s0] =	ssyncset.done $0x0;
	(pc) =	sbr.rel .LBB2_18-.Ltmp11, $4  }
0x168: {  	[sflag:s0] =	ssyncadd.s32 $0xFFFFC000;
	s0 =	simm.s32 @!p0 $0xD000  }
0x169: {  	[tilespmem:s0], [sflag:$0xE] =	stream.linear.gather @!p0 [spmem:s29], $0x4000, $0x38;
	[tilespmem:$0x1D400] =	vst v63  }
0x16a: {  	s0 =	simm.s32 @!p0 $0x0  }
0x16b: {  	s0 =	simm.s32 @p0 $0x0  }
.LBB2_14:
0x16c: {  	s29 =	rddreg [dreg:$0x6]  }
.LBB2_18:
0x16d: {  	p4 =	sne.s32 s11, $0xF;
	p6 =	seq.s32 s0, $0x2  }
0x16e: {  	p4 =	por !p4, !p6  }
0x16f: {  	p4 =	por !p4, !p4  }
.LBB2_24:
.Ltmp12:
0x170: {  	(pc) =	sbr.rel .LBB2_25-.Ltmp12, $3  }
0x171: {  	_ =	sdelay $0x1  }
0x172: {  	s0 =	simm.s32 @p4 $0x15000  }
0x173: {  	[tilespmem:s0], [sflag:$0x10] =	stream.linear.gather @p4 [spmem:s29], $0x4000, $0x38;
	[tilespmem:$0x1D400] =	vst v63  }
.LBB2_19:
0x174: {  	s1 =	simm.s32 $0x8  }
0x175: {  	_ =	swait.ge [sflag:s1], $0x4000  }
0x176: {  	[sflag:s1] =	ssyncset.done $0x0  }
0x177: {  	[sflag:s1] =	ssyncadd.s32 $0xFFFFC000;
	s1 =	simm.s32 $0x1  }
.LBB2_20:
0x178: {  	p4 =	sne.s32 @!p0 s0, $0x1  }
0x179: {  	p4 =	por p0, p4  }
.Ltmp13:
0x17a: {  	_ = 	snop;
	(pc) =	sbr.rel @p4 .LBB2_22-.Ltmp13, $1  }
0x17b: {  	_ =	sdelay $0x3  }
0x17c: {  	s0 =	simm.s32 $0x11000  }
0x17d: {  	[tilespmem:s0], [sflag:$0xF] =	stream.linear.gather [spmem:s29], $0x4000, $0x38;
	[tilespmem:$0x1D400] =	vst v63  }
.LBB2_25:
0x17e: {  	s0 =	simm.s32 @p2 $0xE  }
0x17f: {  	_ =	swait.ge @p2 [sflag:s0], $0x4000  }
0x180: {  	[sflag:s0] =	ssyncset.done @p2 $0x0  }
0x181: {  	[sflag:s0] =	ssyncadd.s32 @p2 $0xFFFFC000;
	s0 =	simm.s32 @p3 $0xF  }
0x182: {  	_ =	swait.ge @p3 [sflag:s0], $0x4000  }
0x183: {  	[sflag:s0] =	ssyncset.done @p3 $0x0  }
0x184: {  	[sflag:s0] =	ssyncadd.s32 @p3 $0xFFFFC000;
	s0 =	simm.s32 @p1 $0x10  }
0x185: {  	s21 =	sand.u32 $0x7, s15;
	s15 =	sor.u32 s9, s15;
	_ =	swait.ge @p1 [sflag:s0], $0x4000  }
0x186: {  	s16 =	simm.s32 $0x0;
	s31 =	sshll.u32 s21, $0x7;
	[sflag:s0] =	ssyncset.done @p1 $0x0  }
0x187: {  	s17 =	simm.s32 $0x0;
	s10 =	sor.u32 s10, s31;
	[sflag:s0] =	ssyncadd.s32 @p1 $0xFFFFC000  }
.LBB2_26:
0x188: {  	s3 =	sshrl.u32 s17, $0x2;
	s4 =	sand.u32 $0x3, s16  }
0x189: {  	s0 =	sshll.u32 s3, $0xA;
	s1 =	sshll.u32 s4, $0x5  }
0x18a: {  	s30 =	sshll.u32 s17, $0x5;
	s2 =	sor.u32 s1, s0  }
0x18b: {  	s1 =	sand.u32 $0x60, s30;
	s6 =	sand.u32 $0xFFFFFF80, s2  }
0x18c: {  	s6 =	sor.u32 s1, s6  }
0x18d: {  	v6 =	vld [tilespmem:s6+$0x9380];
	_ =	sdelay $0x4  }
0x18e: {  	s14 =	sshll.u32 s3, $0x9;
	v8 =	vld [tilespmem:s6+$0xB380];
	v4 =	vtrunc.f32 v6  }
0x18f: {  	s7 =	sadd.s32 s13, s14;
	v5 =	vld [tilespmem:s6+$0x8380];
	v4 =	vcvt.f32.s32 v4  }
0x190: {  	s7 =	sor.u32 s1, s7;
	v7 =	vld [tilespmem:s6+$0x5380]  }
0x191: {  	v10 =	vor.u32 s7, v0;
	v9 =	vld [tilespmem:s6+$0x6380];
	v4 =	vshll.u32 v4, $0xB  }
0x192: {  	v12 =	vld [tilespmem:s6+$0x7380];
	v4 =	vadd.s32 v10, v4  }
0x193: {  	v11 =	vand.u32 $0x6F, v10;
	vm0 =	vge.f32 v8, $0.0e+00;
	v4 =	vand.u32 $0xFFFFFF80, v4  }
0x194: {  	v4 =	vor.u32 v11, v4  }
0x195: {  	s3 =	sshll.u32 s3, $0xC;
	s4 =	sshll.u32 s4, $0x7;
	v14 =	vsub.f32 $1.000000000e+00, v5;
	v16 =	vmul.f32 v5, v7  }
0x196: {  	s3 =	sor.u32 s4, s3;
	v9 =	vmul.f32 v5, v9  }
0x197: {  	s3 =	sshrl.u32 s3, $0x2;
	v17 =	vmul.f32 v5, v12;
	v12 =	vadd.f32 v14, v16  }
0x198: {  	v7 =	vmov s3;
	v13 =	vadd.f32 v14, v9  }
0x199: {  	[tilespmem:v4+s19+$0x0] =	vst.idx.msk vm0, v12;
	v12 =	vadd.f32 v14, v17  }
0x19a: {  	s3 =	sadd.s32 $0xB390, s3;
	[tilespmem:v4+s22+$0x0] =	vst.idx.msk vm0, v13  }
0x19b: {  	v13 =	vmov s3;
	[tilespmem:v4+s23+$0x0] =	vst.idx.msk vm0, v12  }
0x19c: {  	s31 =	simm.s32 $0x0;
	[tilespmem:v4+s24+$0x0] =	vst.idx.msk vm0, v5  }
0x19d: {  	v18 =	vld.idx.msk [tilespmem:v7+s31+$0x9390 ss:$0x1], $0xffff;
	_ =	sdelay $0x1  }
0x19e: {  	v21 =	vimm.f32 $1.000000000e+00;
	v24 =	vimm.f32 $1.000000000e+02;
	v20 =	vld.idx.msk [tilespmem:v7+s31+$0x8390 ss:$0x1], $0xffff  }
0x19f: {  	v15 =	vmul.f32 v8, v5;
	vm1 =	vgt.f32 v5, $5.000000000e-01;
	v19 =	vmul.f32 v14, v24;
	v26 =	vld.idx.msk [tilespmem:v13+s31+$0x0 ss:$0x1], $0xffff  }
0x1a0: {  	v25 =	vimm.f32 $8.000000000e+00;
	v27 =	vmul.f32 v14, v21;
	vm0 =	vmand vm1, vm0;
	v28 =	vld.idx.msk [tilespmem:v7+s31+$0x5390 ss:$0x1], $0xffff  }
0x1a1: {  	v29 =	vadd.f32 v15, v19;
	v14 =	vsel vm0, v6, v25;
	v6 =	vld.idx.msk [tilespmem:v7+s31+$0x6390 ss:$0x1], $0xffff;
	v22 =	vtrunc.f32 v18  }
0x1a2: {  	v15 =	vadd.f32 v27, v9;
	v19 =	vadd.f32 v27, v16;
	v23 =	vld.idx.msk [tilespmem:v7+s31+$0x7390 ss:$0x1], $0xffff;
	v22 =	vcvt.f32.s32 v22  }
0x1a3: {  	v16 =	vadd.f32 v27, v17;
	v12 =	vor.u32 s7, v3;
	v4 =	vimm.f32 $0.0e+00  }
0x1a4: {  	vm1 =	vgt.f32 v8, $0.0e+00;
	vm0 =	vge.f32 v26, $0.0e+00;
	v9 =	vshll.u32 v22, $0xB  }
0x1a5: {  	v8 =	vsel vm1, v29, v24;
	vm1 =	vgt.f32 v20, $5.000000000e-01;
	v22 =	vadd.s32 v12, v9  }
0x1a6: {  	v28 =	vmul.f32 v20, v28;
	v30 =	vmul.f32 v20, v6;
	v9 =	vsub.f32 $1.000000000e+00, v20  }
0x1a7: {  	v23 =	vmul.f32 v20, v23;
	v60 =	vmul.f32 v26, v20;
	vm1 =	vmand vm1, vm0  }
0x1a8: {  	v6 =	vsel vm1, v18, v25;
	v18 =	vmul.f32 v9, v24;
	v61 =	vadd.f32 v9, v28  }
0x1a9: {  	v5 =	vmax.f32 v5, v4;
	v21 =	vmul.f32 v9, v21;
	v62 =	vadd.f32 v9, v30  }
0x1aa: {  	v63 =	vadd.f32 v9, v23;
	v29 =	vadd.f32 v60, v18;
	[tilespmem:v22+s19+$0x0] =	vst.idx.msk vm0, v61  }
0x1ab: {  	s3 =	sadd.s32 $0xFFFFFF80, s2;
	vm1 =	vgt.f32 v26, $0.0e+00;
	v18 =	vadd.f32 v21, v30;
	v17 =	vadd.f32 v21, v23;
	[tilespmem:v22+s22+$0x0] =	vst.idx.msk vm0, v62  }
0x1ac: {  	s4 =	simm.s32 $0xFFFFFC00;
	s2 =	simm.s32 $0xFFFFFE00;
	s18 =	sand.u32 $0xFFFFFF80, s3;
	v21 =	vadd.f32 v21, v28;
	v9 =	vsel vm1, v29, v24;
	[tilespmem:v22+s23+$0x0] =	vst.idx.msk vm0, v63  }
.LBB2_27:
0x1ad: {  	p4 =	sne.s32 s4, $0xFFFFF200  }
0x1ae: {  	s6 =	sor.u32 s1, s18;
	v4 =	vmax.f32 v20, v4;
	[tilespmem:v22+s24+$0x0] =	vst.idx.msk vm0, v20;
	s7 =	smov.u32 s4;
	s4 =	sadd.s32 $0xFFFFFE00, s4  }
0x1af: {  	v20 =	vld [tilespmem:s6+$0x9380];
	_ =	sdelay $0x4  }
0x1b0: {  	v22 =	vld [tilespmem:s6+$0xB380];
	v23 =	vtrunc.f32 v20  }
0x1b1: {  	v24 =	vld [tilespmem:s6+$0x8380];
	v23 =	vcvt.f32.s32 v23  }
0x1b2: {  	v25 =	vld [tilespmem:s6+$0x5380]  }
0x1b3: {  	v26 =	vld [tilespmem:s6+$0x6380];
	v23 =	vshll.u32 v23, $0xB  }
0x1b4: {  	v27 =	vld [tilespmem:s6+$0x7380];
	v23 =	vadd.s32 v10, v23  }
0x1b5: {  	vm0 =	vge.f32 v22, $0.0e+00;
	v23 =	vand.u32 $0xFFFFFF80, v23  }
0x1b6: {  	v28 =	vmul.f32 v22, v24;
	vm1 =	vgt.f32 v24, $5.000000000e-01;
	v23 =	vor.u32 v11, v23  }
0x1b7: {  	v29 =	vsub.f32 $1.000000000e+00, v24;
	v25 =	vmul.f32 v24, v25;
	vm1 =	vmand vm1, vm0  }
0x1b8: {  	v5 =	vmax.f32 v24, v5;
	v26 =	vmul.f32 v24, v26;
	v14 =	vsel vm1, v20, v14  }
0x1b9: {  	v20 =	vmul.f32 v24, v27;
	v27 =	vmul.f32 v29, v8;
	v30 =	vadd.f32 v29, v25  }
0x1ba: {  	v19 =	vmul.f32 v29, v19;
	v15 =	vmul.f32 v29, v15;
	v31 =	vadd.f32 v29, v26  }
0x1bb: {  	v27 =	vadd.f32 v28, v27;
	[tilespmem:v23+s19+$0x0] =	vst.idx.msk vm0, v30;
	v28 =	vadd.f32 v29, v20  }
0x1bc: {  	v16 =	vmul.f32 v29, v16;
	vm1 =	vgt.f32 v22, $0.0e+00;
	v15 =	vadd.f32 v15, v26;
	[tilespmem:v23+s22+$0x0] =	vst.idx.msk vm0, v31  }
0x1bd: {  	v19 =	vadd.f32 v19, v25;
	v8 =	vsel vm1, v27, v8;
	[tilespmem:v23+s23+$0x0] =	vst.idx.msk vm0, v28  }
0x1be: {  	s6 =	sshra.s32 s2, $0x2;
	s2 =	smov.u32 s7;
	v16 =	vadd.f32 v16, v20;
	[tilespmem:v23+s24+$0x0] =	vst.idx.msk vm0, v24  }
0x1bf: {  	v23 =	vld.idx.msk [tilespmem:v7+s6+$0x9390 ss:$0x1], $0xffff;
	_ =	sdelay $0x1  }
0x1c0: {  	v24 =	vld.idx.msk [tilespmem:v7+s6+$0x7390 ss:$0x1], $0xffff  }
0x1c1: {  	v25 =	vld.idx.msk [tilespmem:v13+s6+$0x0 ss:$0x1], $0xffff  }
0x1c2: {  	v20 =	vld.idx.msk [tilespmem:v7+s6+$0x8390 ss:$0x1], $0xffff  }
0x1c3: {  	v26 =	vld.idx.msk [tilespmem:v7+s6+$0x5390 ss:$0x1], $0xffff  }
0x1c4: {  	v22 =	vtrunc.f32 v23;
	v27 =	vld.idx.msk [tilespmem:v7+s6+$0x6390 ss:$0x1], $0xffff  }
0x1c5: {  	v22 =	vcvt.f32.s32 v22;
	_ =	sdelay $0x1  }
0x1c6: {  	vm0 =	vge.f32 v25, $0.0e+00;
	v22 =	vshll.u32 v22, $0xB  }
0x1c7: {  	v28 =	vmul.f32 v25, v20;
	vm1 =	vgt.f32 v20, $5.000000000e-01;
	v22 =	vadd.s32 v12, v22  }
0x1c8: {  	v29 =	vsub.f32 $1.000000000e+00, v20;
	v26 =	vmul.f32 v20, v26;
	vm1 =	vmand vm1, vm0  }
0x1c9: {  	v24 =	vmul.f32 v20, v24;
	v27 =	vmul.f32 v20, v27;
	v6 =	vsel vm1, v23, v6  }
.Ltmp14:
0x1ca: {  	v17 =	vmul.f32 v29, v17;
	v23 =	vmul.f32 v29, v9;
	v30 =	vadd.f32 v29, v26;
	(pc) =	sbr.rel @p4 .LBB2_27-.Ltmp14, $4  }
0x1cb: {  	v21 =	vmul.f32 v29, v21;
	v18 =	vmul.f32 v29, v18;
	v31 =	vadd.f32 v29, v27  }
0x1cc: {  	v23 =	vadd.f32 v28, v23;
	v28 =	vadd.f32 v29, v24;
	[tilespmem:v22+s19+$0x0] =	vst.idx.msk vm0, v30  }
0x1cd: {  	s3 =	sadd.s32 $0xFFFFFF80, s3;
	vm1 =	vgt.f32 v25, $0.0e+00;
	v18 =	vadd.f32 v18, v27;
	v17 =	vadd.f32 v17, v24;
	[tilespmem:v22+s22+$0x0] =	vst.idx.msk vm0, v31  }
0x1ce: {  	s18 =	sand.u32 $0xFFFFFF80, s3;
	v21 =	vadd.f32 v21, v26;
	v9 =	vsel vm1, v23, v9;
	[tilespmem:v22+s23+$0x0] =	vst.idx.msk vm0, v28  }
0x1cf: {  	_ =	sdelay $0x4  }
0x1d0: {  	s3 =	sor.u32 s1, s18;
	[tilespmem:v22+s24+$0x0] =	vst.idx.msk vm0, v20  }
0x1d1: {  	v22 =	vld [tilespmem:s3+$0x9380];
	_ =	sdelay $0x4  }
0x1d2: {  	v23 =	vld [tilespmem:s3+$0xB380];
	v24 =	vtrunc.f32 v22  }
0x1d3: {  	v25 =	vld [tilespmem:s3+$0x8380];
	v24 =	vcvt.f32.s32 v24  }
0x1d4: {  	v26 =	vld [tilespmem:s3+$0x5380]  }
0x1d5: {  	v27 =	vld [tilespmem:s3+$0x6380];
	v24 =	vshll.u32 v24, $0xB  }
0x1d6: {  	v28 =	vld [tilespmem:s3+$0x7380];
	v10 =	vadd.s32 v10, v24  }
0x1d7: {  	vm1 =	vge.f32 v23, $0.0e+00;
	v10 =	vand.u32 $0xFFFFFF80, v10  }
0x1d8: {  	v10 =	vor.u32 v11, v10  }
0x1d9: {  	v43 =	vsub.f32 $1.000000000e+00, v25;
	v44 =	vmul.f32 v25, v26  }
0x1da: {  	v45 =	vmul.f32 v25, v27  }
0x1db: {  	v46 =	vmul.f32 v25, v28;
	v47 =	vadd.f32 v43, v44  }
0x1dc: {  	v29 =	vadd.f32 v43, v45  }
0x1dd: {  	v48 =	vadd.f32 v43, v46;
	[tilespmem:v10+s19+$0x0] =	vst.idx.msk vm1, v47  }
0x1de: {  	[tilespmem:v10+s22+$0x0] =	vst.idx.msk vm1, v29  }
0x1df: {  	[tilespmem:v10+s23+$0x0] =	vst.idx.msk vm1, v48  }
0x1e0: {  	s2 =	sshra.s32 s2, $0x2;
	[tilespmem:v10+s24+$0x0] =	vst.idx.msk vm1, v25  }
0x1e1: {  	v10 =	vld.idx.msk [tilespmem:v7+s2+$0x9390 ss:$0x1], $0xffff;
	_ =	sdelay $0x2  }
0x1e2: {  	v13 =	vld.idx.msk [tilespmem:v13+s2+$0x0 ss:$0x1], $0xffff  }
0x1e3: {  	v28 =	vld.idx.msk [tilespmem:v7+s2+$0x8390 ss:$0x1], $0xffff  }
0x1e4: {  	v29 =	vld.idx.msk [tilespmem:v7+s2+$0x5390 ss:$0x1], $0xffff;
	v30 =	vtrunc.f32 v10  }
0x1e5: {  	v31 =	vld.idx.msk [tilespmem:v7+s2+$0x6390 ss:$0x1], $0xffff;
	v30 =	vcvt.f32.s32 v30  }
0x1e6: {  	v49 =	vld.idx.msk [tilespmem:v7+s2+$0x7390 ss:$0x1], $0xffff  }
0x1e7: {  	vm10 =	vge.f32 v13, $0.0e+00;
	v30 =	vshll.u32 v30, $0xB  }
0x1e8: {  	v12 =	vadd.s32 v12, v30  }
0x1e9: {  	v50 =	vsub.f32 $1.000000000e+00, v28;
	v29 =	vmul.f32 v28, v29  }
0x1ea: {  	v31 =	vmul.f32 v28, v31  }
0x1eb: {  	v7 =	vmul.f32 v28, v49;
	v32 =	vadd.f32 v50, v29  }
0x1ec: {  	v4 =	vmax.f32 v20, v4;
	v53 =	vmul.f32 v23, v25;
	v51 =	vadd.f32 v50, v31  }
0x1ed: {  	v19 =	vmul.f32 v43, v19;
	v52 =	vadd.f32 v50, v7;
	[tilespmem:v12+s19+$0x0] =	vst.idx.msk vm10, v32  }
0x1ee: {  	v54 =	vmul.f32 v43, v8;
	v21 =	vmul.f32 v50, v21;
	[tilespmem:v12+s22+$0x0] =	vst.idx.msk vm10, v51  }
0x1ef: {  	vm2 =	vgt.f32 v25, $5.000000000e-01;
	v15 =	vmul.f32 v43, v15;
	v19 =	vadd.f32 v19, v44;
	[tilespmem:v12+s23+$0x0] =	vst.idx.msk vm10, v52  }
0x1f0: {  	s31 =	sadd.s32 s1, s14;
	vm11 =	vgt.f32 v23, $0.0e+00;
	v11 =	vmul.f32 v43, v16;
	v21 =	vadd.f32 v21, v29;
	[tilespmem:v12+s24+$0x0] =	vst.idx.msk vm10, v28  }
0x1f1: {  	v56 =	vadd.f32 v53, v54;
	v15 =	vadd.f32 v15, v45;
	v57 =	vmul.f32 v50, v17;
	[tilespmem:s31+$0xC800] =	vst v19  }
0x1f2: {  	v5 =	vmax.f32 v25, v5;
	v11 =	vadd.f32 v11, v46;
	vm1 =	vmand vm2, vm1;
	[tilespmem:s31+$0xC810] =	vst v21  }
0x1f3: {  	v58 =	vsel vm11, v56, v8;
	v14 =	vsel vm1, v22, v14;
	v7 =	vadd.f32 v57, v7;
	[tilespmem:s31+$0xC880] =	vst v15  }
0x1f4: {  	vm13 =	vgt.f32 v14, $7.500000000e+00;
	vm12 =	vgt.f32 v28, $5.000000000e-01;
	v55 =	vmul.f32 v50, v18;
	[tilespmem:s31+$0xC900] =	vst v11  }
0x1f5: {  	v59 =	vmul.f32 v13, v28;
	vm0 =	vmand vm12, vm10;
	v60 =	vmul.f32 v50, v9;
	[tilespmem:s31+$0xC910] =	vst v7  }
0x1f6: {  	s17 =	sadd.s32 $0x1, s17;
	v4 =	vmax.f32 v28, v4;
	v6 =	vsel vm0, v10, v6;
	v12 =	vadd.f32 v55, v31;
	[tilespmem:s31+$0xC980] =	vst v5  }
0x1f7: {  	s0 =	sadd.s32 s10, s0;
	p4 =	sne.s32 s17, $0x10;
	v62 =	vsel vm13, $0xBF800000, v14;
	vm14 =	vgt.f32 v6, $7.500000000e+00;
	v61 =	vadd.f32 v59, v60;
	[tilespmem:s31+$0xC990] =	vst v4  }
.Ltmp15:
0x1f8: {  	s0 =	sor.u32 s1, s0;
	vm15 =	vgt.f32 v13, $0.0e+00;
	v5 =	vsel vm14, $0xBF800000, v6;
	v4 =	vtrunc.f32 v62;
	[tilespmem:s31+$0xC890] =	vst v12;
	(pc) =	sbr.rel @p4 .LBB2_26-.Ltmp15, $4  }
0x1f9: {  	v63 =	vsel vm15, v61, v9;
	v4 =	vcvt.f32.s32 v4;
	v5 =	vtrunc.f32 v5;
	[tilespmem:s0+$0x19000] =	vst v58  }
0x1fa: {  	[tilespmem:s0+$0x19010] =	vst v63;
	v5 =	vcvt.f32.s32 v5  }
0x1fb: {  	[tilespmem:s0+$0x1B000] =	vst v4  }
0x1fc: {  	s16 =	sadd.s32 $0x1, s16;
	[tilespmem:s0+$0x1B010] =	vst v5  }
0x1fd: {  	s0 =	sshll.u32 s15, $0x8  }
0x1fe: {  	s0 =	sand.u32 $0x1FFFFF00, s0  }
0x1ff: {  	s1 =	simm.s32 $0xC800;
	s0 =	sadd.s32 s25, s0  }
0x200: {  	[hbm4b:s0+s8] =	stream.linear.scatter [tilespmem:s1], [sflag:$0x6], $0x800, $0x38;
	[tilespmem:$0x1D400] =	vst v63  }
0x201: {  	s0 =	sshll.u32 @p2 s15, $0xB  }
0x202: {  	s0 =	sand.u32 @p2 $0x1FFFF800, s0  }
0x203: {  	s2 =	simm.s32 @p2 $0xD000;
	s1 =	simm.s32 @p2 $0x0;
	s0 =	sadd.s32 @p2 s5, s0  }
0x204: {  	[hbm4b:s0+s1] =	stream.linear.scatter @p2 [tilespmem:s2], [sflag:$0x7], $0x4000, $0x38;
	[tilespmem:$0x1D400] =	vst v63  }
0x205: {  	s0 =	sshll.u32 @p3 s15, $0xB  }
0x206: {  	s30 =	sld [smem:$0x7FA];
	s0 =	sand.u32 @p3 $0x1FFFF800, s0  }
0x207: {  	s1 =	simm.s32 @p3 $0x0;
	s2 =	simm.s32 @p3 $0x11000;
	s0 =	sadd.s32 @p3 s5, s0  }
0x208: {  	[hbm4b:s0+s1] =	stream.linear.scatter @p3 [tilespmem:s2], [sflag:$0x8], $0x4000, $0x38;
	[tilespmem:$0x1D400] =	vst v63  }
0x209: {  	s0 =	sshll.u32 @p1 s15, $0xB  }
0x20a: {  	p2 =	seq.s32 s30, $0x1;
	s0 =	sand.u32 @p1 $0x1FFFF800, s0  }
0x20b: {  	s1 =	simm.s32 @p1 $0x0;
	s2 =	simm.s32 @p1 $0x15000;
	s0 =	sadd.s32 @p1 s5, s0  }
0x20c: {  	[hbm4b:s0+s1] =	stream.linear.scatter @p1 [tilespmem:s2], [sflag:$0x9], $0x4000, $0x38;
	[tilespmem:$0x1D400] =	vst v63  }
0x20d: {  	s31 =	sld [smem:$0x7FB];
	p1 =	sne.s32 @!p2 s21, $0x7  }
0x20e: {  	s4 =	rddreg [dreg:$0x3];
	p1 =	por p1, p2  }
0x20f: {  	s6 =	rddreg [dreg:$0x4];
	s0 =	sshll.u32 @!p1 s15, $0x6  }
0x210: {  	p5 =	sne.s32 s21, $0x7;
	p6 =	seq.s32 s31, $0x1;
	s0 =	sand.u32 @!p1 $0x1FFFFE00, s0  }
0x211: {  	s2 =	simm.s32 @!p1 $0x0;
	s3 =	simm.s32 @!p1 $0x19000;
	s1 =	sadd.s32 @!p1 s4, s0  }
0x212: {  	[hbm4b:s1+s2] =	stream.linear.scatter @!p1 [tilespmem:s3], [sflag:$0xA], $0x1000, $0x38;
	[tilespmem:$0x1D400] =	vst v63  }
0x213: {  	p2 =	por !p6, !p6;
	s0 =	sadd.s32 @!p1 s6, s0;
	s1 =	simm.s32 @!p1 $0x1B000  }
0x214: {  	[hbm4b:s0+s2] =	stream.linear.scatter @!p1 [tilespmem:s1], [sflag:$0xC], $0x1000, $0x38;
	[tilespmem:$0x1D400] =	vst v63  }
0x215: {  	p1 =	por p5, p2  }
0x216: {  	s0 =	sshll.u32 @!p1 s15, $0x6  }
.Ltmp16:
0x217: {  	s0 =	sand.u32 @!p1 $0x1FFFFE00, s0;
	(pc) =	sbr.rel @p0 .LBB2_31-.Ltmp16, $4  }
0x218: {  	s2 =	simm.s32 @!p1 $0x0;
	s3 =	simm.s32 @!p1 $0x1A000;
	s1 =	sadd.s32 @!p1 s4, s0  }
0x219: {  	[hbm4b:s1+s2] =	stream.linear.scatter @!p1 [tilespmem:s3], [sflag:$0xB], $0x1000, $0x38;
	[tilespmem:$0x1D400] =	vst v63  }
0x21a: {  	s0 =	sadd.s32 @!p1 s6, s0;
	s1 =	simm.s32 @!p1 $0x1C000  }
0x21b: {  	[hbm4b:s0+s2] =	stream.linear.scatter @!p1 [tilespmem:s1], [sflag:$0xD], $0x1000, $0x38;
	[tilespmem:$0x1D400] =	vst v63  }
0x21c: {  	s0 =	rddreg [dreg:$0xc]  }
0x21d: {  	s0 =	sadd.s32 s12, s0  }
0x21e: {  	s2 =	rddreg [dreg:$0x0];
	s1 =	smul.u32 $0xA00, s0  }
.Ltmp17:
0x21f: {  	s25 =	simm.s32 $0x5000;
	s0 =	sshll.u32 s0, $0x9;
	(pc) =	sbr.rel .LBB2_4-.Ltmp17, $4  }
0x220: {  	s30 =	rddreg [dreg:$0x1];
	s0 =	sand.u32 $0x1FFFFE00, s0;
	s1 =	sadd.s32 s2, s1  }
0x221: {  	[tilespmem:s25], [sflag:$0x2] =	stream.linear.gather [hbm4b:s1+s8], $0x5000, $0x38;
	[tilespmem:$0x1D400] =	vst v63  }
0x222: {  	s31 =	simm.s32 $0xB000;
	s11 =	sadd.s32 $0x1, s11;
	s0 =	sadd.s32 s30, s0  }
0x223: {  	[tilespmem:s31], [sflag:$0x4] =	stream.linear.gather [hbm4b:s0+s8], $0x1000, $0x38;
	[tilespmem:$0x1D400] =	vst v63  }
.LBB2_22:
0x224: {  	p4 =	sne.s32 s1, $0x2  }
.Ltmp18:
0x225: {  	_ = 	snop;
	(pc) =	sbr.rel @p4 .LBB2_25-.Ltmp18, $1  }
0x226: {  	_ =	sdelay $0x3  }
.Ltmp19:
0x227: {  	(pc) =	sbr.rel .LBB2_24-.Ltmp19, $4  }
0x228: {  	s0 =	simm.s32 $0x9  }
0x229: {  	_ =	swait.ge [sflag:s0], $0x4000  }
0x22a: {  	[sflag:s0] =	ssyncset.done $0x0  }
0x22b: {  	p4 =	sne.s32 s11, $0xF;
	[sflag:s0] =	ssyncadd.s32 $0xFFFFC000  }
.LBB2_32:
0x22c: {  	_ =	sfence.sel $0x180000  }
0x22d: {  	[bflag:$0x0] =	sbarrier.arrive $0xFFFF  }
0x22e: {  	_ =	strace $0x90000047  }
0x22f: {  	[bflag:$0x2] =	sbarrier.arrive $0xFFFF  }
0x230: {  	s1 =	sld [smem:$0x7FD];
	_ =	sdelay $0x2  }
0x231: {  	s0 =	rddreg [dreg:$0x7];
	p0 =	seq.s32 s1, $0x1  }
0x232: {  	s0 =	sadd.s32 @!p0 $0x100000, s0  }
0x233: {  	[sflag:s0] =	ssyncadd.tile.s32 @!p0 $0x1;
	_ =	shalt  }
.Lfunc_end2:
_tile_overlayer_lowered:
.L_overlay_start_2:
0x234: {  	(tag) =	ssettag $0x2  }
0x235: {  	s0 =	rddreg [dreg:$0x0];
	s2 =	stileid.u32  }
0x236: {  	s1 =	rddreg [dreg:$0x1];
	p0 =	sne.s32 s2, $0x0  }
0x237: {  	s3 =	rddreg [dreg:$0x2];
	[bflag:$0x3] =	sbarrier.arrive $0xFFFF;
	s2 =	simm.s32 @!p0 $0x1C11  }
0x238: {  	[timem:s3], [sflag:s2] =	dma.local @!p0 [hbm:s0], s1  }
0x239: {  	s0 =	simm.s32 @!p0 $0x11  }
0x23a: {  	_ =	swait.ge @!p0 [sflag:s0], s1  }
0x23b: {  	s1 =	ssub.s32 @!p0 $0x0, s1;
	[sflag:s0] =	ssyncset.done @!p0 $0x0  }
0x23c: {  	[sflag:s0] =	ssyncadd.s32 @!p0 s1  }
0x23d: {  	[bflag:$0x3] =	sbarrier.arrive $0xFFFF  }
0x23e: {  	_ =	shalt  }

</sc_bundles>
